<compile_context>
chip_gen: v7x
topology: tpu7x:2x2x1
jax: 0.10.2.dev20260603
libtpu: 0.0.44.dev20260713+nightly
codegen_flags: <defaults>
</compile_context>

<pallas_src>
import functools

import jax
import jax.numpy as jnp
from jax import lax
from jax.experimental import pallas as pl
from jax.experimental.pallas import tpu as pltpu
from jax.experimental.pallas import tpu_sc as plsc

_NC = 2
_NS = 16
_LANES = 16
_B = 1024


def _pad_rows(N):
    return ((N + 512 - 1) // 512) * 512


def _fast_rsqrt(x):
    i = lax.bitcast_convert_type(x, jnp.int32)
    i = jnp.int32(0x5F3759DF) - lax.shift_right_logical(i, 1)
    y = lax.bitcast_convert_type(i, jnp.float32)
    xh = x * 0.5
    for _ in range(3):
        y = y * (1.5 - xh * y * y)
    return y


def _make_deg_dinv(N, E):
    Bd = 3200
    Np = ((N + (128 * _NS) - 1) // (128 * _NS)) * (128 * _NS)
    per_tile = Np // _NS
    half = Np // _NC
    per_tile_out = half // _NS
    NBd = E // Bd
    assert NBd * Bd == E and NBd % _NS == 0
    Q = NBd // _NS
    mesh = plsc.VectorSubcoreMesh(core_axis_name="c", subcore_axis_name="s")

    @functools.partial(
        pl.kernel,
        out_type=jax.ShapeDtypeStruct((Np,), jnp.float32),
        mesh=mesh,
        scratch_types=[
            pltpu.VMEM((Bd,), jnp.int32),
            pltpu.VMEM((Bd,), jnp.int32),
            pltpu.VMEM((Bd,), jnp.int32),
            pltpu.VMEM((Bd,), jnp.int32),
            pltpu.VMEM((per_tile,), jnp.float32),
            pltpu.VMEM((per_tile_out,), jnp.float32),
            pltpu.VMEM_SHARED((Np,), jnp.float32),
            pltpu.SemaphoreType.DMA,
            pltpu.SemaphoreType.DMA,
            pltpu.SemaphoreType.DMA,
        ],
        compiler_params=pltpu.CompilerParams(use_tc_tiling_on_sc=False),
    )
    def k(dst_hbm, out_hbm, db0, db1, db2, db3, ones_v, stage_v, acc_sh,
          isem, ssem0, ssem1):
        c = lax.axis_index("c")
        s = lax.axis_index("s")
        dbuf = (db0, db1, db2, db3)
        one16 = jnp.full((16,), 1.0, jnp.float32)

        def fill_ones(i, _):
            ones_v[pl.ds(i * 16, 16)] = one16
            return 0

        lax.fori_loop(0, per_tile // 16, fill_ones, 0)
        pltpu.sync_copy(ones_v, acc_sh.at[pl.ds(s * per_tile, per_tile)])
        plsc.subcore_barrier()

        lo = s * Q

        def iload(ch, db):
            pltpu.async_copy(dst_hbm.at[pl.ds(ch * Bd, Bd)], db, isem)

        def iwait(ch, db):
            pltpu.make_async_copy(dst_hbm.at[pl.ds(ch * Bd, Bd)], db,
                                  isem).wait()

        ones_b = ones_v.at[pl.ds(0, Bd)]

        def sissue(db, sem):
            pltpu.async_copy(ones_b, acc_sh.at[db], sem, add=True)

        def swait(db, sem):
            pltpu.make_async_copy(ones_b, acc_sh.at[db], sem).wait()

        def body(d, _):
            for kk in range(4):

                @pl.when((d & 3) == kk)
                def _():
                    iload(lo + d, dbuf[kk])
                    iwait(lo + d, dbuf[kk])
                    sissue(dbuf[kk], ssem0)
                    swait(dbuf[kk], ssem0)

            return 0

        lax.fori_loop(0, Q, body, 0)
        plsc.subcore_barrier()

        off = c * half + s * per_tile_out
        pltpu.sync_copy(acc_sh.at[pl.ds(off, per_tile_out)], stage_v)

        def rsq(i, _):
            v = stage_v[pl.ds(i * 16, 16)]
            stage_v[pl.ds(i * 16, 16)] = _fast_rsqrt(v)
            return 0

        lax.fori_loop(0, per_tile_out // 16, rsq, 0)
        pltpu.sync_copy(stage_v, out_hbm.at[pl.ds(off, per_tile_out)])

    return k


def _make_edge_pass(N, E, feature_split):
    B = 400
    NB = E // B
    assert NB * B == E and NB % (_NC * _NS) == 0
    Q = NB // _NS if feature_split else NB // (_NC * _NS)
    Nr = _pad_rows(N)
    rows_tile = Nr // _NS
    mesh = plsc.VectorSubcoreMesh(core_axis_name="c", subcore_axis_name="s")

    @functools.partial(
        pl.kernel,
        out_type=jax.ShapeDtypeStruct((_NC, Nr, 16), jnp.float32),
        mesh=mesh,
        scratch_types=[
            pltpu.VMEM((B,), jnp.int32),
            pltpu.VMEM((B,), jnp.int32),
            pltpu.VMEM((B,), jnp.int32),
            pltpu.VMEM((B,), jnp.int32),
            pltpu.VMEM((B,), jnp.int32),
            pltpu.VMEM((B,), jnp.int32),
            pltpu.VMEM((B,), jnp.int32),
            pltpu.VMEM((B,), jnp.int32),
            pltpu.VMEM((B, 16), jnp.float32),
            pltpu.VMEM((B, 16), jnp.float32),
            pltpu.VMEM_SHARED((Nr, 16), jnp.float32),
            pltpu.SemaphoreType.DMA,
            pltpu.SemaphoreType.DMA,
            pltpu.SemaphoreType.DMA,
            pltpu.SemaphoreType.DMA,
        ],
        compiler_params=pltpu.CompilerParams(use_tc_tiling_on_sc=False),
    )
    def k(src_hbm, dst_hbm, tab_hbm, zeros_hbm, out_hbm,
          sb0, sb1, sb2, sb3, db0, db1, db2, db3, rb0, rb1, acc_sh,
          isem, gsem, ssem0, ssem1):
        c = lax.axis_index("c")
        s = lax.axis_index("s")
        sbuf = (sb0, sb1, sb2, sb3)
        dbuf = (db0, db1, db2, db3)
        rbuf = (rb0, rb1)

        row0 = s * rows_tile
        pltpu.sync_copy(zeros_hbm, acc_sh.at[pl.ds(row0, rows_tile), :])
        plsc.subcore_barrier()

        if feature_split:
            lo = s * Q
            off16 = jnp.full((16,), 0, jnp.int32) + c * N
        else:
            lo = (s * _NC + c) * Q

        def iload(ch, sb, db):
            pltpu.async_copy(src_hbm.at[pl.ds(ch * B, B)], sb, isem)
            pltpu.async_copy(dst_hbm.at[pl.ds(ch * B, B)], db, isem)

        def iwait(ch, sb, db):
            pltpu.make_async_copy(src_hbm.at[pl.ds(ch * B, B)], sb,
                                  isem).wait()
            pltpu.make_async_copy(dst_hbm.at[pl.ds(ch * B, B)], db,
                                  isem).wait()

        def addoff(sb):
            if feature_split:
                def go(i, _):
                    sb[pl.ds(i * 16, 16)] = sb[pl.ds(i * 16, 16)] + off16
                    return 0
                lax.fori_loop(0, B // 16, go, 0)

        def gissue(sb, rb):
            pltpu.async_copy(tab_hbm.at[sb], rb, gsem)

        def gwait(sb, rb):
            pltpu.make_async_copy(tab_hbm.at[sb], rb, gsem).wait()

        def sissue(rb, db, sem):
            pltpu.async_copy(rb, acc_sh.at[db], sem, add=True)

        def swait(rb, db, sem):
            pltpu.make_async_copy(rb, acc_sh.at[db], sem).wait()

        iload(lo, sb0, db0)
        iwait(lo, sb0, db0)
        addoff(sb0)
        iload(lo + 1, sb1, db1)
        gissue(sb0, rb0)

        def body(d, _):
            for kk in range(4):

                @pl.when((d & 3) == kk)
                def _():
                    sbA, dbA = sbuf[kk], dbuf[kk]
                    sbB, dbB = sbuf[(kk + 1) % 4], dbuf[(kk + 1) % 4]
                    rbA, rbB = rbuf[kk % 2], rbuf[(kk + 1) % 2]

                    def prep_next():
                        iwait(lo + d + 1, sbB, dbB)
                        addoff(sbB)

                    pl.when(d + 1 < Q)(prep_next)
                    gwait(sbA, rbA)
                    sissue(rbA, dbA, ssem0)
                    pl.when(d + 1 < Q)(lambda: gissue(sbB, rbB))
                    pl.when(d + 2 < Q)(
                        lambda: iload(lo + d + 2, sbuf[(kk + 2) % 4],
                                      dbuf[(kk + 2) % 4]))
                    swait(rbA, dbA, ssem0)

            return 0

        lax.fori_loop(0, Q, body, 0)
        plsc.subcore_barrier()

        pltpu.sync_copy(acc_sh.at[pl.ds(row0, rows_tile), :],
                        out_hbm.at[c, pl.ds(row0, rows_tile), :])

    return k


def _tc_g1(x, W1, dinv_col, N):
    R = 2000
    G = N // R

    def body(x_ref, w_ref, d_ref, g1_ref):
        g = jnp.dot(x_ref[...], w_ref[...], preferred_element_type=jnp.float32)
        g1_ref[...] = g * d_ref[...]

    return pl.pallas_call(
        body,
        grid=(G,),
        in_specs=[
            pl.BlockSpec((R, 4), lambda i: (i, 0)),
            pl.BlockSpec((4, 16), lambda i: (0, 0)),
            pl.BlockSpec((R, 1), lambda i: (i, 0)),
        ],
        out_specs=pl.BlockSpec((R, 16), lambda i: (i, 0)),
        out_shape=jax.ShapeDtypeStruct((N, 16), jnp.float32),
    )(x, W1, dinv_col)


def _tc_mid(acc1, g1, dinv_col, b1_row, W2, N):
    R = 2000
    G = N // R

    def body(a_ref, g1_ref, d_ref, b_ref, w_ref, out_ref):
        s1 = a_ref[0] + a_ref[1] + g1_ref[...]
        h1 = jnp.maximum(s1 * d_ref[...] + b_ref[...], 0.0)
        g2 = jnp.dot(h1, w_ref[...], preferred_element_type=jnp.float32)
        g2 = g2 * d_ref[...]
        out_ref[0] = g2[:, :16]
        out_ref[1] = g2[:, 16:]

    return pl.pallas_call(
        body,
        grid=(G,),
        in_specs=[
            pl.BlockSpec((2, R, 16), lambda i: (0, i, 0)),
            pl.BlockSpec((R, 16), lambda i: (i, 0)),
            pl.BlockSpec((R, 1), lambda i: (i, 0)),
            pl.BlockSpec((1, 16), lambda i: (0, 0)),
            pl.BlockSpec((16, 32), lambda i: (0, 0)),
        ],
        out_specs=pl.BlockSpec((2, R, 16), lambda i: (0, i, 0)),
        out_shape=jax.ShapeDtypeStruct((2, N, 16), jnp.float32),
    )(acc1, g1, dinv_col, b1_row, W2)


def _tc_head(acc2, g2sp, dinv_col, b2_row, Wfc, bfc_row, N):
    R = 2000
    G = N // R

    def body(a_ref, g_ref, d_ref, b2_ref, w_ref, bfc_ref, out_ref):
        s2 = jnp.concatenate([a_ref[0] + g_ref[0], a_ref[1] + g_ref[1]], axis=1)
        h2 = jnp.maximum(s2 * d_ref[...] + b2_ref[...], 0.0)
        out_ref[...] = (
            jnp.dot(h2, w_ref[...], preferred_element_type=jnp.float32)
            + bfc_ref[...]
        )

    return pl.pallas_call(
        body,
        grid=(G,),
        in_specs=[
            pl.BlockSpec((2, R, 16), lambda i: (0, i, 0)),
            pl.BlockSpec((2, R, 16), lambda i: (0, i, 0)),
            pl.BlockSpec((R, 1), lambda i: (i, 0)),
            pl.BlockSpec((1, 32), lambda i: (0, 0)),
            pl.BlockSpec((32, 4), lambda i: (0, 0)),
            pl.BlockSpec((1, 4), lambda i: (0, 0)),
        ],
        out_specs=pl.BlockSpec((R, 4), lambda i: (i, 0)),
        out_shape=jax.ShapeDtypeStruct((N, 4), jnp.float32),
    )(acc2, g2sp, dinv_col, b2_row, Wfc, bfc_row)


def kernel(x, edge_index, W1, b1, W2, b2, Wfc, bfc):
    N = x.shape[0]
    E = edge_index.shape[1]
    src = edge_index[0]
    dst = edge_index[1]

    dinv_p = _make_deg_dinv(N, E)(dst)
    dinv_col = dinv_p[:N].reshape(N, 1)
    zeros_stage = jnp.zeros((_pad_rows(N) // _NS, 16), jnp.float32)

    g1 = _tc_g1(x, W1, dinv_col, N)
    acc1 = _make_edge_pass(N, E, feature_split=False)(src, dst, g1, zeros_stage)

    g2sp = _tc_mid(acc1, g1, dinv_col, b1.reshape(1, 16), W2, N)
    g2flat = g2sp.reshape(2 * N, 16)
    acc2 = _make_edge_pass(N, E, feature_split=True)(src, dst, g2flat,
                                                     zeros_stage)

    return _tc_head(acc2, g2sp, dinv_col, b2.reshape(1, 32), Wfc,
                    bfc.reshape(1, 4), N)

# --- scband reference (transcript-rebuilt; emitter-appended) ---
"""Pipeline reference for scband-gnn-47115791237147 (READ-ONLY COPY).

The authoritative reference and input builder live on the scoring server;
editing this copy changes nothing except your own understanding.
"""

import jax, jax.numpy as jnp
import numpy as np

N = 100000
E = 6400000

def _glorot(key, shape):
    fan_in, fan_out = shape[0], shape[1]
    s = (6.0 / (fan_in + fan_out)) ** 0.5
    return jax.random.uniform(key, shape, jnp.float32, -s, s)

def setup_inputs(seed: int = 0):
    key = jax.random.key(seed)
    ks = jax.random.split(key, 8)
    x = jax.random.normal(ks[0], (N, 4), dtype=jnp.float32)
    edge_index = jax.random.randint(ks[1], (2, E), 0, N, dtype=jnp.int32)
    W1 = _glorot(ks[2], (4, 16))
    b1 = jnp.zeros((16,), jnp.float32)
    W2 = _glorot(ks[3], (16, 32))
    b2 = jnp.zeros((32,), jnp.float32)
    Wfc = _glorot(ks[4], (32, 4))
    bfc = jnp.zeros((4,), jnp.float32)
    return {"x": x, "edge_index": edge_index, "W1": W1, "b1": b1, "W2": W2, "b2": b2, "Wfc": Wfc, "bfc": bfc}

def _gcn_conv(x, edge_index, W, b):
    # GCNConv: add self-loops, symmetric deg normalization, linear transform,
    # gather messages from src, scatter-add into dst, add bias.
    src = edge_index[0]
    dst = edge_index[1]
    loop = jnp.arange(N, dtype=src.dtype)
    src = jnp.concatenate([src, loop])
    dst = jnp.concatenate([dst, loop])
    deg = jnp.zeros((N,), jnp.float32).at[dst].add(1.0)
    dinv = jnp.where(deg > 0, jax.lax.rsqrt(jnp.maximum(deg, 1e-12)), 0.0)
    norm = dinv[src] * dinv[dst]
    h = x @ W
    msg = h[src] * norm[:, None]
    out = jnp.zeros((N, W.shape[1]), jnp.float32).at[dst].add(msg)
    return out + b

def reference(x, edge_index, W1, b1, W2, b2, Wfc, bfc):
    h = jax.nn.relu(_gcn_conv(x, edge_index, W1, b1))
    h = jax.nn.relu(_gcn_conv(h, edge_index, W2, b2))
    return h @ Wfc + bfc

if __name__ == "__main__":
    import jax
    _d = setup_inputs()
    print(jax.jit(kernel)(*tuple(_d.values())))

</pallas_src>

<mosaic_0001>
#map = affine_map<(d0, d1) -> (0)>
#map1 = affine_map<(d0, d1) -> (0, 0)>
#map2 = affine_map<(d0, d1) -> (0, 0, 0)>
module attributes {stable_mosaic.version = 14 : i64} {
  func.func @k(%arg0: i32, %arg1: i32, %arg2: memref<6400000xi32, #tpu.memory_space<hbm>>, %arg3: memref<6400000xi32, #tpu.memory_space<hbm>>, %arg4: memref<200000x16xf32, #tpu.memory_space<hbm>>, %arg5: memref<6272x16xf32, #tpu.memory_space<hbm>>, %arg6: memref<2x100352x16xf32, #tpu.memory_space<hbm>>, %arg7: memref<400xi32, #tpu.memory_space<vmem>>, %arg8: memref<400xi32, #tpu.memory_space<vmem>>, %arg9: memref<400xi32, #tpu.memory_space<vmem>>, %arg10: memref<400xi32, #tpu.memory_space<vmem>>, %arg11: memref<400xi32, #tpu.memory_space<vmem>>, %arg12: memref<400xi32, #tpu.memory_space<vmem>>, %arg13: memref<400xi32, #tpu.memory_space<vmem>>, %arg14: memref<400xi32, #tpu.memory_space<vmem>>, %arg15: memref<400x16xf32, #tpu.memory_space<vmem>>, %arg16: memref<400x16xf32, #tpu.memory_space<vmem>>, %arg17: memref<100352x16xf32, #tpu.memory_space<vmem_shared>>, %arg18: memref<!tpu.dma_semaphore, #tpu.memory_space<semaphore_mem>>, %arg19: memref<!tpu.dma_semaphore, #tpu.memory_space<semaphore_mem>>, %arg20: memref<!tpu.dma_semaphore, #tpu.memory_space<semaphore_mem>>, %arg21: memref<!tpu.dma_semaphore, #tpu.memory_space<semaphore_mem>>) attributes {dimension_semantics = [#tpu.dimension_semantics<core_parallel>, #tpu.dimension_semantics<subcore_parallel>], iteration_bounds = array<i64: 2, 16>, scalar_prefetch = 0 : i64, scratch_operands = 15 : i64, tpu.core_type = #tpu.core_type<sc_vector_subcore>, window_params = [{transform_indices = #map}, {transform_indices = #map}, {transform_indices = #map1}, {transform_indices = #map1}, {transform_indices = #map2}]} {
    %mul3A = arith.constant 6272 : i32
    %mul3A_0 = arith.muli %arg1, %mul3A : i32
    "tpu.region"() ({
      %run_scoped3A = tpu.sem_alloc : memref<!tpu.dma_semaphore, #tpu.memory_space<semaphore_mem>>
      %dma_start3A_48 = arith.constant 0 : i32
      %dma_start3A_49 = tpu.memref_slice %arg17[%mul3A_0, %dma_start3A_48] : memref<100352x16xf32, #tpu.memory_space<vmem_shared>> -> memref<6272x16xf32, #tpu.memory_space<vmem_shared>>
      tpu.enqueue_dma source(%arg5 : memref<6272x16xf32, #tpu.memory_space<hbm>>) target(%dma_start3A_49 : memref<6272x16xf32, #tpu.memory_space<vmem_shared>>) target_semaphore(%run_scoped3A : memref<!tpu.dma_semaphore, #tpu.memory_space<semaphore_mem>>)
      %dma_wait3A_50 = arith.constant 0 : i32
      %dma_wait3A_51 = tpu.memref_slice %arg17[%mul3A_0, %dma_wait3A_50] : memref<100352x16xf32, #tpu.memory_space<vmem_shared>> -> memref<6272x16xf32, #tpu.memory_space<vmem_shared>>
      tpu.wait_dma2 semaphore(%run_scoped3A : memref<!tpu.dma_semaphore, #tpu.memory_space<semaphore_mem>>) src(%arg5 : memref<6272x16xf32, #tpu.memory_space<hbm>>) dst(%dma_wait3A_51 : memref<6272x16xf32, #tpu.memory_space<vmem_shared>>)
      tpu.yield
    }) : () -> ()
    %barrier3A = arith.constant 0 : index
    tpu.barrier barrier_id(%barrier3A)
    %mul3A_1 = arith.constant 1000 : i32
    %mul3A_2 = arith.muli %arg1, %mul3A_1 : i32
    %broadcast_in_dim3A = arith.constant 0 : i32
    %broadcast_in_dim3A_3 = vector.broadcast %broadcast_in_dim3A : i32 to vector<16xi32>
    %mul3A_4 = arith.constant 100000 : i32
    %mul3A_5 = arith.muli %arg0, %mul3A_4 : i32
    %add3A = vector.broadcast %mul3A_5 : i32 to vector<16xi32>
    %add3A_6 = arith.addi %broadcast_in_dim3A_3, %add3A : vector<16xi32>
    %mul3A_7 = arith.constant 400 : i32
    %mul3A_8 = arith.muli %mul3A_2, %mul3A_7 : i32
    %dma_start3A = tpu.memref_slice %arg2[%mul3A_8] : memref<6400000xi32, #tpu.memory_space<hbm>> -> memref<400xi32, #tpu.memory_space<hbm>>
    %dma_start3A_9 = tpu.memref_slice %arg2[%mul3A_8] : memref<6400000xi32, #tpu.memory_space<hbm>> -> memref<400xi32, #tpu.memory_space<hbm>>
    tpu.enqueue_dma source(%dma_start3A_9 : memref<400xi32, #tpu.memory_space<hbm>>) target(%arg7 : memref<400xi32, #tpu.memory_space<vmem>>) target_semaphore(%arg18 : memref<!tpu.dma_semaphore, #tpu.memory_space<semaphore_mem>>)
    %mul3A_10 = arith.constant 400 : i32
    %mul3A_11 = arith.muli %mul3A_2, %mul3A_10 : i32
    %dma_start3A_12 = tpu.memref_slice %arg3[%mul3A_11] : memref<6400000xi32, #tpu.memory_space<hbm>> -> memref<400xi32, #tpu.memory_space<hbm>>
    %dma_start3A_13 = tpu.memref_slice %arg3[%mul3A_11] : memref<6400000xi32, #tpu.memory_space<hbm>> -> memref<400xi32, #tpu.memory_space<hbm>>
    tpu.enqueue_dma source(%dma_start3A_13 : memref<400xi32, #tpu.memory_space<hbm>>) target(%arg11 : memref<400xi32, #tpu.memory_space<vmem>>) target_semaphore(%arg18 : memref<!tpu.dma_semaphore, #tpu.memory_space<semaphore_mem>>)
    %mul3A_14 = arith.constant 400 : i32
    %mul3A_15 = arith.muli %mul3A_2, %mul3A_14 : i32
    %dma_wait3A = tpu.memref_slice %arg2[%mul3A_15] : memref<6400000xi32, #tpu.memory_space<hbm>> -> memref<400xi32, #tpu.memory_space<hbm>>
    %dma_wait3A_16 = tpu.memref_slice %arg2[%mul3A_15] : memref<6400000xi32, #tpu.memory_space<hbm>> -> memref<400xi32, #tpu.memory_space<hbm>>
    tpu.wait_dma2 semaphore(%arg18 : memref<!tpu.dma_semaphore, #tpu.memory_space<semaphore_mem>>) src(%dma_wait3A_16 : memref<400xi32, #tpu.memory_space<hbm>>) dst(%arg7 : memref<400xi32, #tpu.memory_space<vmem>>)
    %mul3A_17 = arith.constant 400 : i32
    %mul3A_18 = arith.muli %mul3A_2, %mul3A_17 : i32
    %dma_wait3A_19 = tpu.memref_slice %arg3[%mul3A_18] : memref<6400000xi32, #tpu.memory_space<hbm>> -> memref<400xi32, #tpu.memory_space<hbm>>
    %dma_wait3A_20 = tpu.memref_slice %arg3[%mul3A_18] : memref<6400000xi32, #tpu.memory_space<hbm>> -> memref<400xi32, #tpu.memory_space<hbm>>
    tpu.wait_dma2 semaphore(%arg18 : memref<!tpu.dma_semaphore, #tpu.memory_space<semaphore_mem>>) src(%dma_wait3A_20 : memref<400xi32, #tpu.memory_space<hbm>>) dst(%arg11 : memref<400xi32, #tpu.memory_space<vmem>>)
    %scan3A = arith.constant 0 : i32
    %scan3A_21 = arith.constant 0 : i32
    %scan3A_22 = arith.constant 25 : i32
    %scan3A_23 = arith.addi %scan3A_21, %scan3A_22 : i32
    %scan3A_24 = arith.constant 1 : i32
    %scan3A_25 = scf.for %scan3A_48 = %scan3A_21 to %scan3A_23 step %scan3A_24 iter_args(%scan3A_49 = %scan3A) -> (i32)  : i32 {
      %mul3A_50 = arith.constant 16 : i32
      %mul3A_51 = arith.muli %scan3A_48, %mul3A_50 : i32
      %get3A = arith.index_cast %mul3A_51 : i32 to index
      %get3A_52 = tpu.vector_load %arg7[%get3A] {strides = array<i32>} : memref<400xi32, #tpu.memory_space<vmem>>, vector<16xi32>,
      %get3A_53 = vector.shape_cast %get3A_52 : vector<16xi32> to vector<16xi32>
      %add3A_54 = arith.addi %get3A_53, %add3A_6 : vector<16xi32>
      %mul3A_55 = arith.constant 16 : i32
      %mul3A_56 = arith.muli %scan3A_48, %mul3A_55 : i32
      %swap3A = arith.index_cast %mul3A_56 : i32 to index
      %swap3A_57 = tpu.vector_load %arg7[%swap3A] {strides = array<i32>} : memref<400xi32, #tpu.memory_space<vmem>>, vector<16xi32>,
      %swap3A_58 = vector.shape_cast %swap3A_57 : vector<16xi32> to vector<16xi32>
      %swap3A_59 = vector.shape_cast %add3A_54 : vector<16xi32> to vector<16xi32>
      tpu.vector_store %arg7[%swap3A], %swap3A_59 {strides = array<i32>} : memref<400xi32, #tpu.memory_space<vmem>>, vector<16xi32>,
      %scan3A_60 = arith.constant 0 : i32
      scf.yield %scan3A_60 : i32
    }
    %scan3A_26 = arith.constant 25 : i32
    %add3A_27 = arith.constant 1 : i32
    %add3A_28 = arith.addi %mul3A_2, %add3A_27 : i32
    %mul3A_29 = arith.constant 400 : i32
    %mul3A_30 = arith.muli %add3A_28, %mul3A_29 : i32
    %dma_start3A_31 = tpu.memref_slice %arg2[%mul3A_30] : memref<6400000xi32, #tpu.memory_space<hbm>> -> memref<400xi32, #tpu.memory_space<hbm>>
    %dma_start3A_32 = tpu.memref_slice %arg2[%mul3A_30] : memref<6400000xi32, #tpu.memory_space<hbm>> -> memref<400xi32, #tpu.memory_space<hbm>>
    tpu.enqueue_dma source(%dma_start3A_32 : memref<400xi32, #tpu.memory_space<hbm>>) target(%arg8 : memref<400xi32, #tpu.memory_space<vmem>>) target_semaphore(%arg18 : memref<!tpu.dma_semaphore, #tpu.memory_space<semaphore_mem>>)
    %mul3A_33 = arith.constant 400 : i32
    %mul3A_34 = arith.muli %add3A_28, %mul3A_33 : i32
    %dma_start3A_35 = tpu.memref_slice %arg3[%mul3A_34] : memref<6400000xi32, #tpu.memory_space<hbm>> -> memref<400xi32, #tpu.memory_space<hbm>>
    %dma_start3A_36 = tpu.memref_slice %arg3[%mul3A_34] : memref<6400000xi32, #tpu.memory_space<hbm>> -> memref<400xi32, #tpu.memory_space<hbm>>
    tpu.enqueue_dma source(%dma_start3A_36 : memref<400xi32, #tpu.memory_space<hbm>>) target(%arg12 : memref<400xi32, #tpu.memory_space<vmem>>) target_semaphore(%arg18 : memref<!tpu.dma_semaphore, #tpu.memory_space<semaphore_mem>>)
    %dma_start3A_37 = arith.constant 0 : i32
    %dma_start3A_38 = arith.constant 0 : i32
    %dma_start3A_39 = tpu.memref_slice %arg4[%dma_start3A_37, %dma_start3A_38] : memref<200000x16xf32, #tpu.memory_space<hbm>> -> memref<200000x16xf32, #tpu.memory_space<hbm>>
    tpu.enqueue_indirect_dma source(%dma_start3A_39 : memref<200000x16xf32, #tpu.memory_space<hbm>>) target(%arg15 : memref<400x16xf32, #tpu.memory_space<vmem>>) offsets(%arg7 : memref<400xi32, #tpu.memory_space<vmem>>) semaphore(%arg19 : memref<!tpu.dma_semaphore, #tpu.memory_space<semaphore_mem>>)
    %scan3A_40 = arith.constant 0 : i32
    %scan3A_41 = arith.constant 0 : i32
    %scan3A_42 = arith.constant 1000 : i32
    %scan3A_43 = arith.addi %scan3A_41, %scan3A_42 : i32
    %scan3A_44 = arith.constant 1 : i32
    %scan3A_45 = scf.for %scan3A_48 = %scan3A_41 to %scan3A_43 step %scan3A_44 iter_args(%scan3A_49 = %scan3A_40) -> (i32)  : i32 {
      %and3A = arith.constant 3 : i32
      %and3A_50 = arith.andi %scan3A_48, %and3A : i32
      %eq3A = arith.constant 0 : i32
      %eq3A_51 = arith.cmpi eq, %and3A_50, %eq3A : i32
      %convert_element_type3A = arith.extui %eq3A_51 : i1 to i32
      %cond3A = arith.constant 0 : i32
      %cond3A_52 = arith.cmpi ne, %convert_element_type3A, %cond3A : i32
      scf.if %cond3A_52 {
        %add3A_75 = arith.constant 1 : i32
        %add3A_76 = arith.addi %scan3A_48, %add3A_75 : i32
        %lt3A = arith.constant 1000 : i32
        %lt3A_77 = arith.cmpi slt, %add3A_76, %lt3A : i32
        %convert_element_type3A_78 = arith.extui %lt3A_77 : i1 to i32
        %cond3A_79 = arith.constant 0 : i32
        %cond3A_80 = arith.cmpi ne, %convert_element_type3A_78, %cond3A_79 : i32
        scf.if %cond3A_80 {
          %add3A_104 = arith.addi %mul3A_2, %scan3A_48 : i32
          %add3A_105 = arith.constant 1 : i32
          %add3A_106 = arith.addi %add3A_104, %add3A_105 : i32
          %mul3A_107 = arith.constant 400 : i32
          %mul3A_108 = arith.muli %add3A_106, %mul3A_107 : i32
          %dma_wait3A_109 = tpu.memref_slice %arg2[%mul3A_108] : memref<6400000xi32, #tpu.memory_space<hbm>> -> memref<400xi32, #tpu.memory_space<hbm>>
          %dma_wait3A_110 = tpu.memref_slice %arg2[%mul3A_108] : memref<6400000xi32, #tpu.memory_space<hbm>> -> memref<400xi32, #tpu.memory_space<hbm>>
          tpu.wait_dma2 semaphore(%arg18 : memref<!tpu.dma_semaphore, #tpu.memory_space<semaphore_mem>>) src(%dma_wait3A_110 : memref<400xi32, #tpu.memory_space<hbm>>) dst(%arg8 : memref<400xi32, #tpu.memory_space<vmem>>)
          %mul3A_111 = arith.constant 400 : i32
          %mul3A_112 = arith.muli %add3A_106, %mul3A_111 : i32
          %dma_wait3A_113 = tpu.memref_slice %arg3[%mul3A_112] : memref<6400000xi32, #tpu.memory_space<hbm>> -> memref<400xi32, #tpu.memory_space<hbm>>
          %dma_wait3A_114 = tpu.memref_slice %arg3[%mul3A_112] : memref<6400000xi32, #tpu.memory_space<hbm>> -> memref<400xi32, #tpu.memory_space<hbm>>
          tpu.wait_dma2 semaphore(%arg18 : memref<!tpu.dma_semaphore, #tpu.memory_space<semaphore_mem>>) src(%dma_wait3A_114 : memref<400xi32, #tpu.memory_space<hbm>>) dst(%arg12 : memref<400xi32, #tpu.memory_space<vmem>>)
          %scan3A_115 = arith.constant 0 : i32
          %scan3A_116 = arith.constant 0 : i32
          %scan3A_117 = arith.constant 25 : i32
          %scan3A_118 = arith.addi %scan3A_116, %scan3A_117 : i32
          %scan3A_119 = arith.constant 1 : i32
          %scan3A_120 = scf.for %scan3A_122 = %scan3A_116 to %scan3A_118 step %scan3A_119 iter_args(%scan3A_123 = %scan3A_115) -> (i32)  : i32 {
            %mul3A_124 = arith.constant 16 : i32
            %mul3A_125 = arith.muli %scan3A_122, %mul3A_124 : i32
            %get3A = arith.index_cast %mul3A_125 : i32 to index
            %get3A_126 = tpu.vector_load %arg8[%get3A] {strides = array<i32>} : memref<400xi32, #tpu.memory_space<vmem>>, vector<16xi32>,
            %get3A_127 = vector.shape_cast %get3A_126 : vector<16xi32> to vector<16xi32>
            %add3A_128 = arith.addi %get3A_127, %add3A_6 : vector<16xi32>
            %mul3A_129 = arith.constant 16 : i32
            %mul3A_130 = arith.muli %scan3A_122, %mul3A_129 : i32
            %swap3A = arith.index_cast %mul3A_130 : i32 to index
            %swap3A_131 = tpu.vector_load %arg8[%swap3A] {strides = array<i32>} : memref<400xi32, #tpu.memory_space<vmem>>, vector<16xi32>,
            %swap3A_132 = vector.shape_cast %swap3A_131 : vector<16xi32> to vector<16xi32>
            %swap3A_133 = vector.shape_cast %add3A_128 : vector<16xi32> to vector<16xi32>
            tpu.vector_store %arg8[%swap3A], %swap3A_133 {strides = array<i32>} : memref<400xi32, #tpu.memory_space<vmem>>, vector<16xi32>,
            %scan3A_134 = arith.constant 0 : i32
            scf.yield %scan3A_134 : i32
          }
          %scan3A_121 = arith.constant 25 : i32
        } else {
        }
        %dma_wait3A_81 = arith.constant 0 : i32
        %dma_wait3A_82 = arith.constant 0 : i32
        %dma_wait3A_83 = tpu.memref_slice %arg4[%dma_wait3A_81, %dma_wait3A_82] : memref<200000x16xf32, #tpu.memory_space<hbm>> -> memref<200000x16xf32, #tpu.memory_space<hbm>>
        tpu.wait_indirect_dma semaphore(%arg19 : memref<!tpu.dma_semaphore, #tpu.memory_space<semaphore_mem>>) src(%dma_wait3A_83 : memref<200000x16xf32, #tpu.memory_space<hbm>>) dst(%arg15 : memref<400x16xf32, #tpu.memory_space<vmem>>)
        %dma_start3A_84 = arith.constant 0 : i32
        %dma_start3A_85 = arith.constant 0 : i32
        %dma_start3A_86 = tpu.memref_slice %arg17[%dma_start3A_84, %dma_start3A_85] : memref<100352x16xf32, #tpu.memory_space<vmem_shared>> -> memref<100352x16xf32, #tpu.memory_space<vmem_shared>>
        tpu.enqueue_indirect_dma source(%arg15 : memref<400x16xf32, #tpu.memory_space<vmem>>) target(%dma_start3A_86 : memref<100352x16xf32, #tpu.memory_space<vmem_shared>>) offsets(%arg11 : memref<400xi32, #tpu.memory_space<vmem>>) semaphore(%arg20 : memref<!tpu.dma_semaphore, #tpu.memory_space<semaphore_mem>>) {add = true}
        %add3A_87 = arith.constant 1 : i32
        %add3A_88 = arith.addi %scan3A_48, %add3A_87 : i32
        %lt3A_89 = arith.constant 1000 : i32
        %lt3A_90 = arith.cmpi slt, %add3A_88, %lt3A_89 : i32
        %convert_element_type3A_91 = arith.extui %lt3A_90 : i1 to i32
        %cond3A_92 = arith.constant 0 : i32
        %cond3A_93 = arith.cmpi ne, %convert_element_type3A_91, %cond3A_92 : i32
        scf.if %cond3A_93 {
          %dma_start3A_104 = arith.constant 0 : i32
          %dma_start3A_105 = arith.constant 0 : i32
          %dma_start3A_106 = tpu.memref_slice %arg4[%dma_start3A_104, %dma_start3A_105] : memref<200000x16xf32, #tpu.memory_space<hbm>> -> memref<200000x16xf32, #tpu.memory_space<hbm>>
          tpu.enqueue_indirect_dma source(%dma_start3A_106 : memref<200000x16xf32, #tpu.memory_space<hbm>>) target(%arg16 : memref<400x16xf32, #tpu.memory_space<vmem>>) offsets(%arg8 : memref<400xi32, #tpu.memory_space<vmem>>) semaphore(%arg19 : memref<!tpu.dma_semaphore, #tpu.memory_space<semaphore_mem>>)
        } else {
        }
        %add3A_94 = arith.constant 2 : i32
        %add3A_95 = arith.addi %scan3A_48, %add3A_94 : i32
        %lt3A_96 = arith.constant 1000 : i32
        %lt3A_97 = arith.cmpi slt, %add3A_95, %lt3A_96 : i32
        %convert_element_type3A_98 = arith.extui %lt3A_97 : i1 to i32
        %cond3A_99 = arith.constant 0 : i32
        %cond3A_100 = arith.cmpi ne, %convert_element_type3A_98, %cond3A_99 : i32
        scf.if %cond3A_100 {
          %add3A_104 = arith.addi %mul3A_2, %scan3A_48 : i32
          %add3A_105 = arith.constant 2 : i32
          %add3A_106 = arith.addi %add3A_104, %add3A_105 : i32
          %mul3A_107 = arith.constant 400 : i32
          %mul3A_108 = arith.muli %add3A_106, %mul3A_107 : i32
          %dma_start3A_109 = tpu.memref_slice %arg2[%mul3A_108] : memref<6400000xi32, #tpu.memory_space<hbm>> -> memref<400xi32, #tpu.memory_space<hbm>>
          %dma_start3A_110 = tpu.memref_slice %arg2[%mul3A_108] : memref<6400000xi32, #tpu.memory_space<hbm>> -> memref<400xi32, #tpu.memory_space<hbm>>
          tpu.enqueue_dma source(%dma_start3A_110 : memref<400xi32, #tpu.memory_space<hbm>>) target(%arg9 : memref<400xi32, #tpu.memory_space<vmem>>) target_semaphore(%arg18 : memref<!tpu.dma_semaphore, #tpu.memory_space<semaphore_mem>>)
          %mul3A_111 = arith.constant 400 : i32
          %mul3A_112 = arith.muli %add3A_106, %mul3A_111 : i32
          %dma_start3A_113 = tpu.memref_slice %arg3[%mul3A_112] : memref<6400000xi32, #tpu.memory_space<hbm>> -> memref<400xi32, #tpu.memory_space<hbm>>
          %dma_start3A_114 = tpu.memref_slice %arg3[%mul3A_112] : memref<6400000xi32, #tpu.memory_space<hbm>> -> memref<400xi32, #tpu.memory_space<hbm>>
          tpu.enqueue_dma source(%dma_start3A_114 : memref<400xi32, #tpu.memory_space<hbm>>) target(%arg13 : memref<400xi32, #tpu.memory_space<vmem>>) target_semaphore(%arg18 : memref<!tpu.dma_semaphore, #tpu.memory_space<semaphore_mem>>)
        } else {
        }
        %dma_wait3A_101 = arith.constant 0 : i32
        %dma_wait3A_102 = arith.constant 0 : i32
        %dma_wait3A_103 = tpu.memref_slice %arg17[%dma_wait3A_101, %dma_wait3A_102] : memref<100352x16xf32, #tpu.memory_space<vmem_shared>> -> memref<100352x16xf32, #tpu.memory_space<vmem_shared>>
        tpu.wait_indirect_dma semaphore(%arg20 : memref<!tpu.dma_semaphore, #tpu.memory_space<semaphore_mem>>) src(%arg15 : memref<400x16xf32, #tpu.memory_space<vmem>>) dst(%dma_wait3A_103 : memref<100352x16xf32, #tpu.memory_space<vmem_shared>>)
      } else {
      }
      %and3A_53 = arith.constant 3 : i32
      %and3A_54 = arith.andi %scan3A_48, %and3A_53 : i32
      %eq3A_55 = arith.constant 1 : i32
      %eq3A_56 = arith.cmpi eq, %and3A_54, %eq3A_55 : i32
      %convert_element_type3A_57 = arith.extui %eq3A_56 : i1 to i32
      %cond3A_58 = arith.constant 0 : i32
      %cond3A_59 = arith.cmpi ne, %convert_element_type3A_57, %cond3A_58 : i32
      scf.if %cond3A_59 {
        %add3A_75 = arith.constant 1 : i32
        %add3A_76 = arith.addi %scan3A_48, %add3A_75 : i32
        %lt3A = arith.constant 1000 : i32
        %lt3A_77 = arith.cmpi slt, %add3A_76, %lt3A : i32
        %convert_element_type3A_78 = arith.extui %lt3A_77 : i1 to i32
        %cond3A_79 = arith.constant 0 : i32
        %cond3A_80 = arith.cmpi ne, %convert_element_type3A_78, %cond3A_79 : i32
        scf.if %cond3A_80 {
          %add3A_104 = arith.addi %mul3A_2, %scan3A_48 : i32
          %add3A_105 = arith.constant 1 : i32
          %add3A_106 = arith.addi %add3A_104, %add3A_105 : i32
          %mul3A_107 = arith.constant 400 : i32
          %mul3A_108 = arith.muli %add3A_106, %mul3A_107 : i32
          %dma_wait3A_109 = tpu.memref_slice %arg2[%mul3A_108] : memref<6400000xi32, #tpu.memory_space<hbm>> -> memref<400xi32, #tpu.memory_space<hbm>>
          %dma_wait3A_110 = tpu.memref_slice %arg2[%mul3A_108] : memref<6400000xi32, #tpu.memory_space<hbm>> -> memref<400xi32, #tpu.memory_space<hbm>>
          tpu.wait_dma2 semaphore(%arg18 : memref<!tpu.dma_semaphore, #tpu.memory_space<semaphore_mem>>) src(%dma_wait3A_110 : memref<400xi32, #tpu.memory_space<hbm>>) dst(%arg9 : memref<400xi32, #tpu.memory_space<vmem>>)
          %mul3A_111 = arith.constant 400 : i32
          %mul3A_112 = arith.muli %add3A_106, %mul3A_111 : i32
          %dma_wait3A_113 = tpu.memref_slice %arg3[%mul3A_112] : memref<6400000xi32, #tpu.memory_space<hbm>> -> memref<400xi32, #tpu.memory_space<hbm>>
          %dma_wait3A_114 = tpu.memref_slice %arg3[%mul3A_112] : memref<6400000xi32, #tpu.memory_space<hbm>> -> memref<400xi32, #tpu.memory_space<hbm>>
          tpu.wait_dma2 semaphore(%arg18 : memref<!tpu.dma_semaphore, #tpu.memory_space<semaphore_mem>>) src(%dma_wait3A_114 : memref<400xi32, #tpu.memory_space<hbm>>) dst(%arg13 : memref<400xi32, #tpu.memory_space<vmem>>)
          %scan3A_115 = arith.constant 0 : i32
          %scan3A_116 = arith.constant 0 : i32
          %scan3A_117 = arith.constant 25 : i32
          %scan3A_118 = arith.addi %scan3A_116, %scan3A_117 : i32
          %scan3A_119 = arith.constant 1 : i32
          %scan3A_120 = scf.for %scan3A_122 = %scan3A_116 to %scan3A_118 step %scan3A_119 iter_args(%scan3A_123 = %scan3A_115) -> (i32)  : i32 {
            %mul3A_124 = arith.constant 16 : i32
            %mul3A_125 = arith.muli %scan3A_122, %mul3A_124 : i32
            %get3A = arith.index_cast %mul3A_125 : i32 to index
            %get3A_126 = tpu.vector_load %arg9[%get3A] {strides = array<i32>} : memref<400xi32, #tpu.memory_space<vmem>>, vector<16xi32>,
            %get3A_127 = vector.shape_cast %get3A_126 : vector<16xi32> to vector<16xi32>
            %add3A_128 = arith.addi %get3A_127, %add3A_6 : vector<16xi32>
            %mul3A_129 = arith.constant 16 : i32
            %mul3A_130 = arith.muli %scan3A_122, %mul3A_129 : i32
            %swap3A = arith.index_cast %mul3A_130 : i32 to index
            %swap3A_131 = tpu.vector_load %arg9[%swap3A] {strides = array<i32>} : memref<400xi32, #tpu.memory_space<vmem>>, vector<16xi32>,
            %swap3A_132 = vector.shape_cast %swap3A_131 : vector<16xi32> to vector<16xi32>
            %swap3A_133 = vector.shape_cast %add3A_128 : vector<16xi32> to vector<16xi32>
            tpu.vector_store %arg9[%swap3A], %swap3A_133 {strides = array<i32>} : memref<400xi32, #tpu.memory_space<vmem>>, vector<16xi32>,
            %scan3A_134 = arith.constant 0 : i32
            scf.yield %scan3A_134 : i32
          }
          %scan3A_121 = arith.constant 25 : i32
        } else {
        }
        %dma_wait3A_81 = arith.constant 0 : i32
        %dma_wait3A_82 = arith.constant 0 : i32
        %dma_wait3A_83 = tpu.memref_slice %arg4[%dma_wait3A_81, %dma_wait3A_82] : memref<200000x16xf32, #tpu.memory_space<hbm>> -> memref<200000x16xf32, #tpu.memory_space<hbm>>
        tpu.wait_indirect_dma semaphore(%arg19 : memref<!tpu.dma_semaphore, #tpu.memory_space<semaphore_mem>>) src(%dma_wait3A_83 : memref<200000x16xf32, #tpu.memory_space<hbm>>) dst(%arg16 : memref<400x16xf32, #tpu.memory_space<vmem>>)
        %dma_start3A_84 = arith.constant 0 : i32
        %dma_start3A_85 = arith.constant 0 : i32
        %dma_start3A_86 = tpu.memref_slice %arg17[%dma_start3A_84, %dma_start3A_85] : memref<100352x16xf32, #tpu.memory_space<vmem_shared>> -> memref<100352x16xf32, #tpu.memory_space<vmem_shared>>
        tpu.enqueue_indirect_dma source(%arg16 : memref<400x16xf32, #tpu.memory_space<vmem>>) target(%dma_start3A_86 : memref<100352x16xf32, #tpu.memory_space<vmem_shared>>) offsets(%arg12 : memref<400xi32, #tpu.memory_space<vmem>>) semaphore(%arg20 : memref<!tpu.dma_semaphore, #tpu.memory_space<semaphore_mem>>) {add = true}
        %add3A_87 = arith.constant 1 : i32
        %add3A_88 = arith.addi %scan3A_48, %add3A_87 : i32
        %lt3A_89 = arith.constant 1000 : i32
        %lt3A_90 = arith.cmpi slt, %add3A_88, %lt3A_89 : i32
        %convert_element_type3A_91 = arith.extui %lt3A_90 : i1 to i32
        %cond3A_92 = arith.constant 0 : i32
        %cond3A_93 = arith.cmpi ne, %convert_element_type3A_91, %cond3A_92 : i32
        scf.if %cond3A_93 {
          %dma_start3A_104 = arith.constant 0 : i32
          %dma_start3A_105 = arith.constant 0 : i32
          %dma_start3A_106 = tpu.memref_slice %arg4[%dma_start3A_104, %dma_start3A_105] : memref<200000x16xf32, #tpu.memory_space<hbm>> -> memref<200000x16xf32, #tpu.memory_space<hbm>>
          tpu.enqueue_indirect_dma source(%dma_start3A_106 : memref<200000x16xf32, #tpu.memory_space<hbm>>) target(%arg15 : memref<400x16xf32, #tpu.memory_space<vmem>>) offsets(%arg9 : memref<400xi32, #tpu.memory_space<vmem>>) semaphore(%arg19 : memref<!tpu.dma_semaphore, #tpu.memory_space<semaphore_mem>>)
        } else {
        }
        %add3A_94 = arith.constant 2 : i32
        %add3A_95 = arith.addi %scan3A_48, %add3A_94 : i32
        %lt3A_96 = arith.constant 1000 : i32
        %lt3A_97 = arith.cmpi slt, %add3A_95, %lt3A_96 : i32
        %convert_element_type3A_98 = arith.extui %lt3A_97 : i1 to i32
        %cond3A_99 = arith.constant 0 : i32
        %cond3A_100 = arith.cmpi ne, %convert_element_type3A_98, %cond3A_99 : i32
        scf.if %cond3A_100 {
          %add3A_104 = arith.addi %mul3A_2, %scan3A_48 : i32
          %add3A_105 = arith.constant 2 : i32
          %add3A_106 = arith.addi %add3A_104, %add3A_105 : i32
          %mul3A_107 = arith.constant 400 : i32
          %mul3A_108 = arith.muli %add3A_106, %mul3A_107 : i32
          %dma_start3A_109 = tpu.memref_slice %arg2[%mul3A_108] : memref<6400000xi32, #tpu.memory_space<hbm>> -> memref<400xi32, #tpu.memory_space<hbm>>
          %dma_start3A_110 = tpu.memref_slice %arg2[%mul3A_108] : memref<6400000xi32, #tpu.memory_space<hbm>> -> memref<400xi32, #tpu.memory_space<hbm>>
          tpu.enqueue_dma source(%dma_start3A_110 : memref<400xi32, #tpu.memory_space<hbm>>) target(%arg10 : memref<400xi32, #tpu.memory_space<vmem>>) target_semaphore(%arg18 : memref<!tpu.dma_semaphore, #tpu.memory_space<semaphore_mem>>)
          %mul3A_111 = arith.constant 400 : i32
          %mul3A_112 = arith.muli %add3A_106, %mul3A_111 : i32
          %dma_start3A_113 = tpu.memref_slice %arg3[%mul3A_112] : memref<6400000xi32, #tpu.memory_space<hbm>> -> memref<400xi32, #tpu.memory_space<hbm>>
          %dma_start3A_114 = tpu.memref_slice %arg3[%mul3A_112] : memref<6400000xi32, #tpu.memory_space<hbm>> -> memref<400xi32, #tpu.memory_space<hbm>>
          tpu.enqueue_dma source(%dma_start3A_114 : memref<400xi32, #tpu.memory_space<hbm>>) target(%arg14 : memref<400xi32, #tpu.memory_space<vmem>>) target_semaphore(%arg18 : memref<!tpu.dma_semaphore, #tpu.memory_space<semaphore_mem>>)
        } else {
        }
        %dma_wait3A_101 = arith.constant 0 : i32
        %dma_wait3A_102 = arith.constant 0 : i32
        %dma_wait3A_103 = tpu.memref_slice %arg17[%dma_wait3A_101, %dma_wait3A_102] : memref<100352x16xf32, #tpu.memory_space<vmem_shared>> -> memref<100352x16xf32, #tpu.memory_space<vmem_shared>>
        tpu.wait_indirect_dma semaphore(%arg20 : memref<!tpu.dma_semaphore, #tpu.memory_space<semaphore_mem>>) src(%arg16 : memref<400x16xf32, #tpu.memory_space<vmem>>) dst(%dma_wait3A_103 : memref<100352x16xf32, #tpu.memory_space<vmem_shared>>)
      } else {
      }
      %and3A_60 = arith.constant 3 : i32
      %and3A_61 = arith.andi %scan3A_48, %and3A_60 : i32
      %eq3A_62 = arith.constant 2 : i32
      %eq3A_63 = arith.cmpi eq, %and3A_61, %eq3A_62 : i32
      %convert_element_type3A_64 = arith.extui %eq3A_63 : i1 to i32
      %cond3A_65 = arith.constant 0 : i32
      %cond3A_66 = arith.cmpi ne, %convert_element_type3A_64, %cond3A_65 : i32
      scf.if %cond3A_66 {
        %add3A_75 = arith.constant 1 : i32
        %add3A_76 = arith.addi %scan3A_48, %add3A_75 : i32
        %lt3A = arith.constant 1000 : i32
        %lt3A_77 = arith.cmpi slt, %add3A_76, %lt3A : i32
        %convert_element_type3A_78 = arith.extui %lt3A_77 : i1 to i32
        %cond3A_79 = arith.constant 0 : i32
        %cond3A_80 = arith.cmpi ne, %convert_element_type3A_78, %cond3A_79 : i32
        scf.if %cond3A_80 {
          %add3A_104 = arith.addi %mul3A_2, %scan3A_48 : i32
          %add3A_105 = arith.constant 1 : i32
          %add3A_106 = arith.addi %add3A_104, %add3A_105 : i32
          %mul3A_107 = arith.constant 400 : i32
          %mul3A_108 = arith.muli %add3A_106, %mul3A_107 : i32
          %dma_wait3A_109 = tpu.memref_slice %arg2[%mul3A_108] : memref<6400000xi32, #tpu.memory_space<hbm>> -> memref<400xi32, #tpu.memory_space<hbm>>
          %dma_wait3A_110 = tpu.memref_slice %arg2[%mul3A_108] : memref<6400000xi32, #tpu.memory_space<hbm>> -> memref<400xi32, #tpu.memory_space<hbm>>
          tpu.wait_dma2 semaphore(%arg18 : memref<!tpu.dma_semaphore, #tpu.memory_space<semaphore_mem>>) src(%dma_wait3A_110 : memref<400xi32, #tpu.memory_space<hbm>>) dst(%arg10 : memref<400xi32, #tpu.memory_space<vmem>>)
          %mul3A_111 = arith.constant 400 : i32
          %mul3A_112 = arith.muli %add3A_106, %mul3A_111 : i32
          %dma_wait3A_113 = tpu.memref_slice %arg3[%mul3A_112] : memref<6400000xi32, #tpu.memory_space<hbm>> -> memref<400xi32, #tpu.memory_space<hbm>>
          %dma_wait3A_114 = tpu.memref_slice %arg3[%mul3A_112] : memref<6400000xi32, #tpu.memory_space<hbm>> -> memref<400xi32, #tpu.memory_space<hbm>>
          tpu.wait_dma2 semaphore(%arg18 : memref<!tpu.dma_semaphore, #tpu.memory_space<semaphore_mem>>) src(%dma_wait3A_114 : memref<400xi32, #tpu.memory_space<hbm>>) dst(%arg14 : memref<400xi32, #tpu.memory_space<vmem>>)
          %scan3A_115 = arith.constant 0 : i32
          %scan3A_116 = arith.constant 0 : i32
          %scan3A_117 = arith.constant 25 : i32
          %scan3A_118 = arith.addi %scan3A_116, %scan3A_117 : i32
          %scan3A_119 = arith.constant 1 : i32
          %scan3A_120 = scf.for %scan3A_122 = %scan3A_116 to %scan3A_118 step %scan3A_119 iter_args(%scan3A_123 = %scan3A_115) -> (i32)  : i32 {
            %mul3A_124 = arith.constant 16 : i32
            %mul3A_125 = arith.muli %scan3A_122, %mul3A_124 : i32
            %get3A = arith.index_cast %mul3A_125 : i32 to index
            %get3A_126 = tpu.vector_load %arg10[%get3A] {strides = array<i32>} : memref<400xi32, #tpu.memory_space<vmem>>, vector<16xi32>,
            %get3A_127 = vector.shape_cast %get3A_126 : vector<16xi32> to vector<16xi32>
            %add3A_128 = arith.addi %get3A_127, %add3A_6 : vector<16xi32>
            %mul3A_129 = arith.constant 16 : i32
            %mul3A_130 = arith.muli %scan3A_122, %mul3A_129 : i32
            %swap3A = arith.index_cast %mul3A_130 : i32 to index
            %swap3A_131 = tpu.vector_load %arg10[%swap3A] {strides = array<i32>} : memref<400xi32, #tpu.memory_space<vmem>>, vector<16xi32>,
            %swap3A_132 = vector.shape_cast %swap3A_131 : vector<16xi32> to vector<16xi32>
            %swap3A_133 = vector.shape_cast %add3A_128 : vector<16xi32> to vector<16xi32>
            tpu.vector_store %arg10[%swap3A], %swap3A_133 {strides = array<i32>} : memref<400xi32, #tpu.memory_space<vmem>>, vector<16xi32>,
            %scan3A_134 = arith.constant 0 : i32
            scf.yield %scan3A_134 : i32
          }
          %scan3A_121 = arith.constant 25 : i32
        } else {
        }
        %dma_wait3A_81 = arith.constant 0 : i32
        %dma_wait3A_82 = arith.constant 0 : i32
        %dma_wait3A_83 = tpu.memref_slice %arg4[%dma_wait3A_81, %dma_wait3A_82] : memref<200000x16xf32, #tpu.memory_space<hbm>> -> memref<200000x16xf32, #tpu.memory_space<hbm>>
        tpu.wait_indirect_dma semaphore(%arg19 : memref<!tpu.dma_semaphore, #tpu.memory_space<semaphore_mem>>) src(%dma_wait3A_83 : memref<200000x16xf32, #tpu.memory_space<hbm>>) dst(%arg15 : memref<400x16xf32, #tpu.memory_space<vmem>>)
        %dma_start3A_84 = arith.constant 0 : i32
        %dma_start3A_85 = arith.constant 0 : i32
        %dma_start3A_86 = tpu.memref_slice %arg17[%dma_start3A_84, %dma_start3A_85] : memref<100352x16xf32, #tpu.memory_space<vmem_shared>> -> memref<100352x16xf32, #tpu.memory_space<vmem_shared>>
        tpu.enqueue_indirect_dma source(%arg15 : memref<400x16xf32, #tpu.memory_space<vmem>>) target(%dma_start3A_86 : memref<100352x16xf32, #tpu.memory_space<vmem_shared>>) offsets(%arg13 : memref<400xi32, #tpu.memory_space<vmem>>) semaphore(%arg20 : memref<!tpu.dma_semaphore, #tpu.memory_space<semaphore_mem>>) {add = true}
        %add3A_87 = arith.constant 1 : i32
        %add3A_88 = arith.addi %scan3A_48, %add3A_87 : i32
        %lt3A_89 = arith.constant 1000 : i32
        %lt3A_90 = arith.cmpi slt, %add3A_88, %lt3A_89 : i32
        %convert_element_type3A_91 = arith.extui %lt3A_90 : i1 to i32
        %cond3A_92 = arith.constant 0 : i32
        %cond3A_93 = arith.cmpi ne, %convert_element_type3A_91, %cond3A_92 : i32
        scf.if %cond3A_93 {
          %dma_start3A_104 = arith.constant 0 : i32
          %dma_start3A_105 = arith.constant 0 : i32
          %dma_start3A_106 = tpu.memref_slice %arg4[%dma_start3A_104, %dma_start3A_105] : memref<200000x16xf32, #tpu.memory_space<hbm>> -> memref<200000x16xf32, #tpu.memory_space<hbm>>
          tpu.enqueue_indirect_dma source(%dma_start3A_106 : memref<200000x16xf32, #tpu.memory_space<hbm>>) target(%arg16 : memref<400x16xf32, #tpu.memory_space<vmem>>) offsets(%arg10 : memref<400xi32, #tpu.memory_space<vmem>>) semaphore(%arg19 : memref<!tpu.dma_semaphore, #tpu.memory_space<semaphore_mem>>)
        } else {
        }
        %add3A_94 = arith.constant 2 : i32
        %add3A_95 = arith.addi %scan3A_48, %add3A_94 : i32
        %lt3A_96 = arith.constant 1000 : i32
        %lt3A_97 = arith.cmpi slt, %add3A_95, %lt3A_96 : i32
        %convert_element_type3A_98 = arith.extui %lt3A_97 : i1 to i32
        %cond3A_99 = arith.constant 0 : i32
        %cond3A_100 = arith.cmpi ne, %convert_element_type3A_98, %cond3A_99 : i32
        scf.if %cond3A_100 {
          %add3A_104 = arith.addi %mul3A_2, %scan3A_48 : i32
          %add3A_105 = arith.constant 2 : i32
          %add3A_106 = arith.addi %add3A_104, %add3A_105 : i32
          %mul3A_107 = arith.constant 400 : i32
          %mul3A_108 = arith.muli %add3A_106, %mul3A_107 : i32
          %dma_start3A_109 = tpu.memref_slice %arg2[%mul3A_108] : memref<6400000xi32, #tpu.memory_space<hbm>> -> memref<400xi32, #tpu.memory_space<hbm>>
          %dma_start3A_110 = tpu.memref_slice %arg2[%mul3A_108] : memref<6400000xi32, #tpu.memory_space<hbm>> -> memref<400xi32, #tpu.memory_space<hbm>>
          tpu.enqueue_dma source(%dma_start3A_110 : memref<400xi32, #tpu.memory_space<hbm>>) target(%arg7 : memref<400xi32, #tpu.memory_space<vmem>>) target_semaphore(%arg18 : memref<!tpu.dma_semaphore, #tpu.memory_space<semaphore_mem>>)
          %mul3A_111 = arith.constant 400 : i32
          %mul3A_112 = arith.muli %add3A_106, %mul3A_111 : i32
          %dma_start3A_113 = tpu.memref_slice %arg3[%mul3A_112] : memref<6400000xi32, #tpu.memory_space<hbm>> -> memref<400xi32, #tpu.memory_space<hbm>>
          %dma_start3A_114 = tpu.memref_slice %arg3[%mul3A_112] : memref<6400000xi32, #tpu.memory_space<hbm>> -> memref<400xi32, #tpu.memory_space<hbm>>
          tpu.enqueue_dma source(%dma_start3A_114 : memref<400xi32, #tpu.memory_space<hbm>>) target(%arg11 : memref<400xi32, #tpu.memory_space<vmem>>) target_semaphore(%arg18 : memref<!tpu.dma_semaphore, #tpu.memory_space<semaphore_mem>>)
        } else {
        }
        %dma_wait3A_101 = arith.constant 0 : i32
        %dma_wait3A_102 = arith.constant 0 : i32
        %dma_wait3A_103 = tpu.memref_slice %arg17[%dma_wait3A_101, %dma_wait3A_102] : memref<100352x16xf32, #tpu.memory_space<vmem_shared>> -> memref<100352x16xf32, #tpu.memory_space<vmem_shared>>
        tpu.wait_indirect_dma semaphore(%arg20 : memref<!tpu.dma_semaphore, #tpu.memory_space<semaphore_mem>>) src(%arg15 : memref<400x16xf32, #tpu.memory_space<vmem>>) dst(%dma_wait3A_103 : memref<100352x16xf32, #tpu.memory_space<vmem_shared>>)
      } else {
      }
      %and3A_67 = arith.constant 3 : i32
      %and3A_68 = arith.andi %scan3A_48, %and3A_67 : i32
      %eq3A_69 = arith.constant 3 : i32
      %eq3A_70 = arith.cmpi eq, %and3A_68, %eq3A_69 : i32
      %convert_element_type3A_71 = arith.extui %eq3A_70 : i1 to i32
      %cond3A_72 = arith.constant 0 : i32
      %cond3A_73 = arith.cmpi ne, %convert_element_type3A_71, %cond3A_72 : i32
      scf.if %cond3A_73 {
        %add3A_75 = arith.constant 1 : i32
        %add3A_76 = arith.addi %scan3A_48, %add3A_75 : i32
        %lt3A = arith.constant 1000 : i32
        %lt3A_77 = arith.cmpi slt, %add3A_76, %lt3A : i32
        %convert_element_type3A_78 = arith.extui %lt3A_77 : i1 to i32
        %cond3A_79 = arith.constant 0 : i32
        %cond3A_80 = arith.cmpi ne, %convert_element_type3A_78, %cond3A_79 : i32
        scf.if %cond3A_80 {
          %add3A_104 = arith.addi %mul3A_2, %scan3A_48 : i32
          %add3A_105 = arith.constant 1 : i32
          %add3A_106 = arith.addi %add3A_104, %add3A_105 : i32
          %mul3A_107 = arith.constant 400 : i32
          %mul3A_108 = arith.muli %add3A_106, %mul3A_107 : i32
          %dma_wait3A_109 = tpu.memref_slice %arg2[%mul3A_108] : memref<6400000xi32, #tpu.memory_space<hbm>> -> memref<400xi32, #tpu.memory_space<hbm>>
          %dma_wait3A_110 = tpu.memref_slice %arg2[%mul3A_108] : memref<6400000xi32, #tpu.memory_space<hbm>> -> memref<400xi32, #tpu.memory_space<hbm>>
          tpu.wait_dma2 semaphore(%arg18 : memref<!tpu.dma_semaphore, #tpu.memory_space<semaphore_mem>>) src(%dma_wait3A_110 : memref<400xi32, #tpu.memory_space<hbm>>) dst(%arg7 : memref<400xi32, #tpu.memory_space<vmem>>)
          %mul3A_111 = arith.constant 400 : i32
          %mul3A_112 = arith.muli %add3A_106, %mul3A_111 : i32
          %dma_wait3A_113 = tpu.memref_slice %arg3[%mul3A_112] : memref<6400000xi32, #tpu.memory_space<hbm>> -> memref<400xi32, #tpu.memory_space<hbm>>
          %dma_wait3A_114 = tpu.memref_slice %arg3[%mul3A_112] : memref<6400000xi32, #tpu.memory_space<hbm>> -> memref<400xi32, #tpu.memory_space<hbm>>
          tpu.wait_dma2 semaphore(%arg18 : memref<!tpu.dma_semaphore, #tpu.memory_space<semaphore_mem>>) src(%dma_wait3A_114 : memref<400xi32, #tpu.memory_space<hbm>>) dst(%arg11 : memref<400xi32, #tpu.memory_space<vmem>>)
          %scan3A_115 = arith.constant 0 : i32
          %scan3A_116 = arith.constant 0 : i32
          %scan3A_117 = arith.constant 25 : i32
          %scan3A_118 = arith.addi %scan3A_116, %scan3A_117 : i32
          %scan3A_119 = arith.constant 1 : i32
          %scan3A_120 = scf.for %scan3A_122 = %scan3A_116 to %scan3A_118 step %scan3A_119 iter_args(%scan3A_123 = %scan3A_115) -> (i32)  : i32 {
            %mul3A_124 = arith.constant 16 : i32
            %mul3A_125 = arith.muli %scan3A_122, %mul3A_124 : i32
            %get3A = arith.index_cast %mul3A_125 : i32 to index
            %get3A_126 = tpu.vector_load %arg7[%get3A] {strides = array<i32>} : memref<400xi32, #tpu.memory_space<vmem>>, vector<16xi32>,
            %get3A_127 = vector.shape_cast %get3A_126 : vector<16xi32> to vector<16xi32>
            %add3A_128 = arith.addi %get3A_127, %add3A_6 : vector<16xi32>
            %mul3A_129 = arith.constant 16 : i32
            %mul3A_130 = arith.muli %scan3A_122, %mul3A_129 : i32
            %swap3A = arith.index_cast %mul3A_130 : i32 to index
            %swap3A_131 = tpu.vector_load %arg7[%swap3A] {strides = array<i32>} : memref<400xi32, #tpu.memory_space<vmem>>, vector<16xi32>,
            %swap3A_132 = vector.shape_cast %swap3A_131 : vector<16xi32> to vector<16xi32>
            %swap3A_133 = vector.shape_cast %add3A_128 : vector<16xi32> to vector<16xi32>
            tpu.vector_store %arg7[%swap3A], %swap3A_133 {strides = array<i32>} : memref<400xi32, #tpu.memory_space<vmem>>, vector<16xi32>,
            %scan3A_134 = arith.constant 0 : i32
            scf.yield %scan3A_134 : i32
          }
          %scan3A_121 = arith.constant 25 : i32
        } else {
        }
        %dma_wait3A_81 = arith.constant 0 : i32
        %dma_wait3A_82 = arith.constant 0 : i32
        %dma_wait3A_83 = tpu.memref_slice %arg4[%dma_wait3A_81, %dma_wait3A_82] : memref<200000x16xf32, #tpu.memory_space<hbm>> -> memref<200000x16xf32, #tpu.memory_space<hbm>>
        tpu.wait_indirect_dma semaphore(%arg19 : memref<!tpu.dma_semaphore, #tpu.memory_space<semaphore_mem>>) src(%dma_wait3A_83 : memref<200000x16xf32, #tpu.memory_space<hbm>>) dst(%arg16 : memref<400x16xf32, #tpu.memory_space<vmem>>)
        %dma_start3A_84 = arith.constant 0 : i32
        %dma_start3A_85 = arith.constant 0 : i32
        %dma_start3A_86 = tpu.memref_slice %arg17[%dma_start3A_84, %dma_start3A_85] : memref<100352x16xf32, #tpu.memory_space<vmem_shared>> -> memref<100352x16xf32, #tpu.memory_space<vmem_shared>>
        tpu.enqueue_indirect_dma source(%arg16 : memref<400x16xf32, #tpu.memory_space<vmem>>) target(%dma_start3A_86 : memref<100352x16xf32, #tpu.memory_space<vmem_shared>>) offsets(%arg14 : memref<400xi32, #tpu.memory_space<vmem>>) semaphore(%arg20 : memref<!tpu.dma_semaphore, #tpu.memory_space<semaphore_mem>>) {add = true}
        %add3A_87 = arith.constant 1 : i32
        %add3A_88 = arith.addi %scan3A_48, %add3A_87 : i32
        %lt3A_89 = arith.constant 1000 : i32
        %lt3A_90 = arith.cmpi slt, %add3A_88, %lt3A_89 : i32
        %convert_element_type3A_91 = arith.extui %lt3A_90 : i1 to i32
        %cond3A_92 = arith.constant 0 : i32
        %cond3A_93 = arith.cmpi ne, %convert_element_type3A_91, %cond3A_92 : i32
        scf.if %cond3A_93 {
          %dma_start3A_104 = arith.constant 0 : i32
          %dma_start3A_105 = arith.constant 0 : i32
          %dma_start3A_106 = tpu.memref_slice %arg4[%dma_start3A_104, %dma_start3A_105] : memref<200000x16xf32, #tpu.memory_space<hbm>> -> memref<200000x16xf32, #tpu.memory_space<hbm>>
          tpu.enqueue_indirect_dma source(%dma_start3A_106 : memref<200000x16xf32, #tpu.memory_space<hbm>>) target(%arg15 : memref<400x16xf32, #tpu.memory_space<vmem>>) offsets(%arg7 : memref<400xi32, #tpu.memory_space<vmem>>) semaphore(%arg19 : memref<!tpu.dma_semaphore, #tpu.memory_space<semaphore_mem>>)
        } else {
        }
        %add3A_94 = arith.constant 2 : i32
        %add3A_95 = arith.addi %scan3A_48, %add3A_94 : i32
        %lt3A_96 = arith.constant 1000 : i32
        %lt3A_97 = arith.cmpi slt, %add3A_95, %lt3A_96 : i32
        %convert_element_type3A_98 = arith.extui %lt3A_97 : i1 to i32
        %cond3A_99 = arith.constant 0 : i32
        %cond3A_100 = arith.cmpi ne, %convert_element_type3A_98, %cond3A_99 : i32
        scf.if %cond3A_100 {
          %add3A_104 = arith.addi %mul3A_2, %scan3A_48 : i32
          %add3A_105 = arith.constant 2 : i32
          %add3A_106 = arith.addi %add3A_104, %add3A_105 : i32
          %mul3A_107 = arith.constant 400 : i32
          %mul3A_108 = arith.muli %add3A_106, %mul3A_107 : i32
          %dma_start3A_109 = tpu.memref_slice %arg2[%mul3A_108] : memref<6400000xi32, #tpu.memory_space<hbm>> -> memref<400xi32, #tpu.memory_space<hbm>>
          %dma_start3A_110 = tpu.memref_slice %arg2[%mul3A_108] : memref<6400000xi32, #tpu.memory_space<hbm>> -> memref<400xi32, #tpu.memory_space<hbm>>
          tpu.enqueue_dma source(%dma_start3A_110 : memref<400xi32, #tpu.memory_space<hbm>>) target(%arg8 : memref<400xi32, #tpu.memory_space<vmem>>) target_semaphore(%arg18 : memref<!tpu.dma_semaphore, #tpu.memory_space<semaphore_mem>>)
          %mul3A_111 = arith.constant 400 : i32
          %mul3A_112 = arith.muli %add3A_106, %mul3A_111 : i32
          %dma_start3A_113 = tpu.memref_slice %arg3[%mul3A_112] : memref<6400000xi32, #tpu.memory_space<hbm>> -> memref<400xi32, #tpu.memory_space<hbm>>
          %dma_start3A_114 = tpu.memref_slice %arg3[%mul3A_112] : memref<6400000xi32, #tpu.memory_space<hbm>> -> memref<400xi32, #tpu.memory_space<hbm>>
          tpu.enqueue_dma source(%dma_start3A_114 : memref<400xi32, #tpu.memory_space<hbm>>) target(%arg12 : memref<400xi32, #tpu.memory_space<vmem>>) target_semaphore(%arg18 : memref<!tpu.dma_semaphore, #tpu.memory_space<semaphore_mem>>)
        } else {
        }
        %dma_wait3A_101 = arith.constant 0 : i32
        %dma_wait3A_102 = arith.constant 0 : i32
        %dma_wait3A_103 = tpu.memref_slice %arg17[%dma_wait3A_101, %dma_wait3A_102] : memref<100352x16xf32, #tpu.memory_space<vmem_shared>> -> memref<100352x16xf32, #tpu.memory_space<vmem_shared>>
        tpu.wait_indirect_dma semaphore(%arg20 : memref<!tpu.dma_semaphore, #tpu.memory_space<semaphore_mem>>) src(%arg16 : memref<400x16xf32, #tpu.memory_space<vmem>>) dst(%dma_wait3A_103 : memref<100352x16xf32, #tpu.memory_space<vmem_shared>>)
      } else {
      }
      %scan3A_74 = arith.constant 0 : i32
      scf.yield %scan3A_74 : i32
    }
    %scan3A_46 = arith.constant 1000 : i32
    %barrier3A_47 = arith.constant 0 : index
    tpu.barrier barrier_id(%barrier3A_47)
    "tpu.region"() ({
      %run_scoped3A = tpu.sem_alloc : memref<!tpu.dma_semaphore, #tpu.memory_space<semaphore_mem>>
      %dma_start3A_48 = arith.constant 0 : i32
      %dma_start3A_49 = tpu.memref_slice %arg6[%arg0, %mul3A_0, %dma_start3A_48] : memref<2x100352x16xf32, #tpu.memory_space<hbm>> -> memref<1x6272x16xf32, #tpu.memory_space<hbm>>
      %dma_start3A_50 = tpu.memref_squeeze %dma_start3A_49 : memref<1x6272x16xf32, #tpu.memory_space<hbm>> -> memref<6272x16xf32, #tpu.memory_space<hbm>>
      %dma_start3A_51 = arith.constant 0 : i32
      %dma_start3A_52 = tpu.memref_slice %arg17[%mul3A_0, %dma_start3A_51] : memref<100352x16xf32, #tpu.memory_space<vmem_shared>> -> memref<6272x16xf32, #tpu.memory_space<vmem_shared>>
      tpu.enqueue_dma source(%dma_start3A_52 : memref<6272x16xf32, #tpu.memory_space<vmem_shared>>) target(%dma_start3A_50 : memref<6272x16xf32, #tpu.memory_space<hbm>>) target_semaphore(%run_scoped3A : memref<!tpu.dma_semaphore, #tpu.memory_space<semaphore_mem>>)
      %dma_wait3A_53 = arith.constant 0 : i32
      %dma_wait3A_54 = tpu.memref_slice %arg6[%arg0, %mul3A_0, %dma_wait3A_53] : memref<2x100352x16xf32, #tpu.memory_space<hbm>> -> memref<1x6272x16xf32, #tpu.memory_space<hbm>>
      %dma_wait3A_55 = tpu.memref_squeeze %dma_wait3A_54 : memref<1x6272x16xf32, #tpu.memory_space<hbm>> -> memref<6272x16xf32, #tpu.memory_space<hbm>>
      %dma_wait3A_56 = arith.constant 0 : i32
      %dma_wait3A_57 = tpu.memref_slice %arg17[%mul3A_0, %dma_wait3A_56] : memref<100352x16xf32, #tpu.memory_space<vmem_shared>> -> memref<6272x16xf32, #tpu.memory_space<vmem_shared>>
      tpu.wait_dma2 semaphore(%run_scoped3A : memref<!tpu.dma_semaphore, #tpu.memory_space<semaphore_mem>>) src(%dma_wait3A_57 : memref<6272x16xf32, #tpu.memory_space<vmem_shared>>) dst(%dma_wait3A_55 : memref<6272x16xf32, #tpu.memory_space<hbm>>)
      tpu.yield
    }) : () -> ()
    return
  }
}

#map = affine_map<(d0, d1) -> (0)>
module attributes {stable_mosaic.version = 14 : i64} {
  func.func @k(%arg0: i32, %arg1: i32, %arg2: memref<6400000xi32, #tpu.memory_space<hbm>>, %arg3: memref<100352xf32, #tpu.memory_space<hbm>>, %arg4: memref<3200xi32, #tpu.memory_space<vmem>>, %arg5: memref<3200xi32, #tpu.memory_space<vmem>>, %arg6: memref<3200xi32, #tpu.memory_space<vmem>>, %arg7: memref<3200xi32, #tpu.memory_space<vmem>>, %arg8: memref<6272xf32, #tpu.memory_space<vmem>>, %arg9: memref<3136xf32, #tpu.memory_space<vmem>>, %arg10: memref<100352xf32, #tpu.memory_space<vmem_shared>>, %arg11: memref<!tpu.dma_semaphore, #tpu.memory_space<semaphore_mem>>, %arg12: memref<!tpu.dma_semaphore, #tpu.memory_space<semaphore_mem>>, %arg13: memref<!tpu.dma_semaphore, #tpu.memory_space<semaphore_mem>>) attributes {dimension_semantics = [#tpu.dimension_semantics<core_parallel>, #tpu.dimension_semantics<subcore_parallel>], iteration_bounds = array<i64: 2, 16>, scalar_prefetch = 0 : i64, scratch_operands = 10 : i64, tpu.core_type = #tpu.core_type<sc_vector_subcore>, window_params = [{transform_indices = #map}, {transform_indices = #map}]} {
    %broadcast_in_dim3A = arith.constant 1.000000e+00 : f32
    %broadcast_in_dim3A_0 = vector.broadcast %broadcast_in_dim3A : f32 to vector<16xf32>
    %scan3A = arith.constant 0 : i32
    %scan3A_1 = arith.constant 0 : i32
    %scan3A_2 = arith.constant 392 : i32
    %scan3A_3 = arith.addi %scan3A_1, %scan3A_2 : i32
    %scan3A_4 = arith.constant 1 : i32
    %scan3A_5 = scf.for %scan3A_29 = %scan3A_1 to %scan3A_3 step %scan3A_4 iter_args(%scan3A_30 = %scan3A) -> (i32)  : i32 {
      %mul3A_31 = arith.constant 16 : i32
      %mul3A_32 = arith.muli %scan3A_29, %mul3A_31 : i32
      %swap3A = arith.index_cast %mul3A_32 : i32 to index
      %swap3A_33 = tpu.vector_load %arg8[%swap3A] {strides = array<i32>} : memref<6272xf32, #tpu.memory_space<vmem>>, vector<16xf32>,
      %swap3A_34 = vector.shape_cast %swap3A_33 : vector<16xf32> to vector<16xf32>
      %swap3A_35 = vector.shape_cast %broadcast_in_dim3A_0 : vector<16xf32> to vector<16xf32>
      tpu.vector_store %arg8[%swap3A], %swap3A_35 {strides = array<i32>} : memref<6272xf32, #tpu.memory_space<vmem>>, vector<16xf32>,
      %scan3A_36 = arith.constant 0 : i32
      scf.yield %scan3A_36 : i32
    }
    %scan3A_6 = arith.constant 392 : i32
    %mul3A = arith.constant 6272 : i32
    %mul3A_7 = arith.muli %arg1, %mul3A : i32
    "tpu.region"() ({
      %run_scoped3A = tpu.sem_alloc : memref<!tpu.dma_semaphore, #tpu.memory_space<semaphore_mem>>
      %dma_start3A = tpu.memref_slice %arg10[%mul3A_7] : memref<100352xf32, #tpu.memory_space<vmem_shared>> -> memref<6272xf32, #tpu.memory_space<vmem_shared>>
      %dma_start3A_29 = tpu.memref_slice %arg10[%mul3A_7] : memref<100352xf32, #tpu.memory_space<vmem_shared>> -> memref<6272xf32, #tpu.memory_space<vmem_shared>>
      tpu.enqueue_dma source(%arg8 : memref<6272xf32, #tpu.memory_space<vmem>>) target(%dma_start3A_29 : memref<6272xf32, #tpu.memory_space<vmem_shared>>) target_semaphore(%run_scoped3A : memref<!tpu.dma_semaphore, #tpu.memory_space<semaphore_mem>>)
      %dma_wait3A = tpu.memref_slice %arg10[%mul3A_7] : memref<100352xf32, #tpu.memory_space<vmem_shared>> -> memref<6272xf32, #tpu.memory_space<vmem_shared>>
      %dma_wait3A_30 = tpu.memref_slice %arg10[%mul3A_7] : memref<100352xf32, #tpu.memory_space<vmem_shared>> -> memref<6272xf32, #tpu.memory_space<vmem_shared>>
      tpu.wait_dma2 semaphore(%run_scoped3A : memref<!tpu.dma_semaphore, #tpu.memory_space<semaphore_mem>>) src(%arg8 : memref<6272xf32, #tpu.memory_space<vmem>>) dst(%dma_wait3A_30 : memref<6272xf32, #tpu.memory_space<vmem_shared>>)
      tpu.yield
    }) : () -> ()
    %barrier3A = arith.constant 0 : index
    tpu.barrier barrier_id(%barrier3A)
    %mul3A_8 = arith.constant 125 : i32
    %mul3A_9 = arith.muli %arg1, %mul3A_8 : i32
    %scan3A_10 = arith.constant 0 : i32
    %scan3A_11 = arith.constant 0 : i32
    %scan3A_12 = arith.constant 125 : i32
    %scan3A_13 = arith.addi %scan3A_11, %scan3A_12 : i32
    %scan3A_14 = arith.constant 1 : i32
    %scan3A_15 = scf.for %scan3A_29 = %scan3A_11 to %scan3A_13 step %scan3A_14 iter_args(%scan3A_30 = %scan3A_10) -> (i32)  : i32 {
      %and3A = arith.constant 3 : i32
      %and3A_31 = arith.andi %scan3A_29, %and3A : i32
      %eq3A = arith.constant 0 : i32
      %eq3A_32 = arith.cmpi eq, %and3A_31, %eq3A : i32
      %convert_element_type3A = arith.extui %eq3A_32 : i1 to i32
      %cond3A = arith.constant 0 : i32
      %cond3A_33 = arith.cmpi ne, %convert_element_type3A, %cond3A : i32
      scf.if %cond3A_33 {
        %add3A_56 = arith.addi %mul3A_9, %scan3A_29 : i32
        %mul3A_57 = arith.constant 3200 : i32
        %mul3A_58 = arith.muli %add3A_56, %mul3A_57 : i32
        %dma_start3A = tpu.memref_slice %arg2[%mul3A_58] : memref<6400000xi32, #tpu.memory_space<hbm>> -> memref<3200xi32, #tpu.memory_space<hbm>>
        %dma_start3A_59 = tpu.memref_slice %arg2[%mul3A_58] : memref<6400000xi32, #tpu.memory_space<hbm>> -> memref<3200xi32, #tpu.memory_space<hbm>>
        tpu.enqueue_dma source(%dma_start3A_59 : memref<3200xi32, #tpu.memory_space<hbm>>) target(%arg4 : memref<3200xi32, #tpu.memory_space<vmem>>) target_semaphore(%arg11 : memref<!tpu.dma_semaphore, #tpu.memory_space<semaphore_mem>>)
        %add3A_60 = arith.addi %mul3A_9, %scan3A_29 : i32
        %mul3A_61 = arith.constant 3200 : i32
        %mul3A_62 = arith.muli %add3A_60, %mul3A_61 : i32
        %dma_wait3A = tpu.memref_slice %arg2[%mul3A_62] : memref<6400000xi32, #tpu.memory_space<hbm>> -> memref<3200xi32, #tpu.memory_space<hbm>>
        %dma_wait3A_63 = tpu.memref_slice %arg2[%mul3A_62] : memref<6400000xi32, #tpu.memory_space<hbm>> -> memref<3200xi32, #tpu.memory_space<hbm>>
        tpu.wait_dma2 semaphore(%arg11 : memref<!tpu.dma_semaphore, #tpu.memory_space<semaphore_mem>>) src(%dma_wait3A_63 : memref<3200xi32, #tpu.memory_space<hbm>>) dst(%arg4 : memref<3200xi32, #tpu.memory_space<vmem>>)
        %dma_start3A_64 = arith.constant 0 : i32
        %dma_start3A_65 = tpu.memref_slice %arg8[%dma_start3A_64] : memref<6272xf32, #tpu.memory_space<vmem>> -> memref<3200xf32, #tpu.memory_space<vmem>>
        %dma_start3A_66 = arith.constant 0 : i32
        %dma_start3A_67 = tpu.memref_slice %arg10[%dma_start3A_66] : memref<100352xf32, #tpu.memory_space<vmem_shared>> -> memref<100352xf32, #tpu.memory_space<vmem_shared>>
        tpu.enqueue_indirect_dma source(%dma_start3A_65 : memref<3200xf32, #tpu.memory_space<vmem>>) target(%dma_start3A_67 : memref<100352xf32, #tpu.memory_space<vmem_shared>>) offsets(%arg4 : memref<3200xi32, #tpu.memory_space<vmem>>) semaphore(%arg12 : memref<!tpu.dma_semaphore, #tpu.memory_space<semaphore_mem>>) {add = true}
        %dma_wait3A_68 = arith.constant 0 : i32
        %dma_wait3A_69 = tpu.memref_slice %arg8[%dma_wait3A_68] : memref<6272xf32, #tpu.memory_space<vmem>> -> memref<3200xf32, #tpu.memory_space<vmem>>
        %dma_wait3A_70 = arith.constant 0 : i32
        %dma_wait3A_71 = tpu.memref_slice %arg10[%dma_wait3A_70] : memref<100352xf32, #tpu.memory_space<vmem_shared>> -> memref<100352xf32, #tpu.memory_space<vmem_shared>>
        tpu.wait_indirect_dma semaphore(%arg12 : memref<!tpu.dma_semaphore, #tpu.memory_space<semaphore_mem>>) src(%dma_wait3A_69 : memref<3200xf32, #tpu.memory_space<vmem>>) dst(%dma_wait3A_71 : memref<100352xf32, #tpu.memory_space<vmem_shared>>)
      } else {
      }
      %and3A_34 = arith.constant 3 : i32
      %and3A_35 = arith.andi %scan3A_29, %and3A_34 : i32
      %eq3A_36 = arith.constant 1 : i32
      %eq3A_37 = arith.cmpi eq, %and3A_35, %eq3A_36 : i32
      %convert_element_type3A_38 = arith.extui %eq3A_37 : i1 to i32
      %cond3A_39 = arith.constant 0 : i32
      %cond3A_40 = arith.cmpi ne, %convert_element_type3A_38, %cond3A_39 : i32
      scf.if %cond3A_40 {
        %add3A_56 = arith.addi %mul3A_9, %scan3A_29 : i32
        %mul3A_57 = arith.constant 3200 : i32
        %mul3A_58 = arith.muli %add3A_56, %mul3A_57 : i32
        %dma_start3A = tpu.memref_slice %arg2[%mul3A_58] : memref<6400000xi32, #tpu.memory_space<hbm>> -> memref<3200xi32, #tpu.memory_space<hbm>>
        %dma_start3A_59 = tpu.memref_slice %arg2[%mul3A_58] : memref<6400000xi32, #tpu.memory_space<hbm>> -> memref<3200xi32, #tpu.memory_space<hbm>>
        tpu.enqueue_dma source(%dma_start3A_59 : memref<3200xi32, #tpu.memory_space<hbm>>) target(%arg5 : memref<3200xi32, #tpu.memory_space<vmem>>) target_semaphore(%arg11 : memref<!tpu.dma_semaphore, #tpu.memory_space<semaphore_mem>>)
        %add3A_60 = arith.addi %mul3A_9, %scan3A_29 : i32
        %mul3A_61 = arith.constant 3200 : i32
        %mul3A_62 = arith.muli %add3A_60, %mul3A_61 : i32
        %dma_wait3A = tpu.memref_slice %arg2[%mul3A_62] : memref<6400000xi32, #tpu.memory_space<hbm>> -> memref<3200xi32, #tpu.memory_space<hbm>>
        %dma_wait3A_63 = tpu.memref_slice %arg2[%mul3A_62] : memref<6400000xi32, #tpu.memory_space<hbm>> -> memref<3200xi32, #tpu.memory_space<hbm>>
        tpu.wait_dma2 semaphore(%arg11 : memref<!tpu.dma_semaphore, #tpu.memory_space<semaphore_mem>>) src(%dma_wait3A_63 : memref<3200xi32, #tpu.memory_space<hbm>>) dst(%arg5 : memref<3200xi32, #tpu.memory_space<vmem>>)
        %dma_start3A_64 = arith.constant 0 : i32
        %dma_start3A_65 = tpu.memref_slice %arg8[%dma_start3A_64] : memref<6272xf32, #tpu.memory_space<vmem>> -> memref<3200xf32, #tpu.memory_space<vmem>>
        %dma_start3A_66 = arith.constant 0 : i32
        %dma_start3A_67 = tpu.memref_slice %arg10[%dma_start3A_66] : memref<100352xf32, #tpu.memory_space<vmem_shared>> -> memref<100352xf32, #tpu.memory_space<vmem_shared>>
        tpu.enqueue_indirect_dma source(%dma_start3A_65 : memref<3200xf32, #tpu.memory_space<vmem>>) target(%dma_start3A_67 : memref<100352xf32, #tpu.memory_space<vmem_shared>>) offsets(%arg5 : memref<3200xi32, #tpu.memory_space<vmem>>) semaphore(%arg12 : memref<!tpu.dma_semaphore, #tpu.memory_space<semaphore_mem>>) {add = true}
        %dma_wait3A_68 = arith.constant 0 : i32
        %dma_wait3A_69 = tpu.memref_slice %arg8[%dma_wait3A_68] : memref<6272xf32, #tpu.memory_space<vmem>> -> memref<3200xf32, #tpu.memory_space<vmem>>
        %dma_wait3A_70 = arith.constant 0 : i32
        %dma_wait3A_71 = tpu.memref_slice %arg10[%dma_wait3A_70] : memref<100352xf32, #tpu.memory_space<vmem_shared>> -> memref<100352xf32, #tpu.memory_space<vmem_shared>>
        tpu.wait_indirect_dma semaphore(%arg12 : memref<!tpu.dma_semaphore, #tpu.memory_space<semaphore_mem>>) src(%dma_wait3A_69 : memref<3200xf32, #tpu.memory_space<vmem>>) dst(%dma_wait3A_71 : memref<100352xf32, #tpu.memory_space<vmem_shared>>)
      } else {
      }
      %and3A_41 = arith.constant 3 : i32
      %and3A_42 = arith.andi %scan3A_29, %and3A_41 : i32
      %eq3A_43 = arith.constant 2 : i32
      %eq3A_44 = arith.cmpi eq, %and3A_42, %eq3A_43 : i32
      %convert_element_type3A_45 = arith.extui %eq3A_44 : i1 to i32
      %cond3A_46 = arith.constant 0 : i32
      %cond3A_47 = arith.cmpi ne, %convert_element_type3A_45, %cond3A_46 : i32
      scf.if %cond3A_47 {
        %add3A_56 = arith.addi %mul3A_9, %scan3A_29 : i32
        %mul3A_57 = arith.constant 3200 : i32
        %mul3A_58 = arith.muli %add3A_56, %mul3A_57 : i32
        %dma_start3A = tpu.memref_slice %arg2[%mul3A_58] : memref<6400000xi32, #tpu.memory_space<hbm>> -> memref<3200xi32, #tpu.memory_space<hbm>>
        %dma_start3A_59 = tpu.memref_slice %arg2[%mul3A_58] : memref<6400000xi32, #tpu.memory_space<hbm>> -> memref<3200xi32, #tpu.memory_space<hbm>>
        tpu.enqueue_dma source(%dma_start3A_59 : memref<3200xi32, #tpu.memory_space<hbm>>) target(%arg6 : memref<3200xi32, #tpu.memory_space<vmem>>) target_semaphore(%arg11 : memref<!tpu.dma_semaphore, #tpu.memory_space<semaphore_mem>>)
        %add3A_60 = arith.addi %mul3A_9, %scan3A_29 : i32
        %mul3A_61 = arith.constant 3200 : i32
        %mul3A_62 = arith.muli %add3A_60, %mul3A_61 : i32
        %dma_wait3A = tpu.memref_slice %arg2[%mul3A_62] : memref<6400000xi32, #tpu.memory_space<hbm>> -> memref<3200xi32, #tpu.memory_space<hbm>>
        %dma_wait3A_63 = tpu.memref_slice %arg2[%mul3A_62] : memref<6400000xi32, #tpu.memory_space<hbm>> -> memref<3200xi32, #tpu.memory_space<hbm>>
        tpu.wait_dma2 semaphore(%arg11 : memref<!tpu.dma_semaphore, #tpu.memory_space<semaphore_mem>>) src(%dma_wait3A_63 : memref<3200xi32, #tpu.memory_space<hbm>>) dst(%arg6 : memref<3200xi32, #tpu.memory_space<vmem>>)
        %dma_start3A_64 = arith.constant 0 : i32
        %dma_start3A_65 = tpu.memref_slice %arg8[%dma_start3A_64] : memref<6272xf32, #tpu.memory_space<vmem>> -> memref<3200xf32, #tpu.memory_space<vmem>>
        %dma_start3A_66 = arith.constant 0 : i32
        %dma_start3A_67 = tpu.memref_slice %arg10[%dma_start3A_66] : memref<100352xf32, #tpu.memory_space<vmem_shared>> -> memref<100352xf32, #tpu.memory_space<vmem_shared>>
        tpu.enqueue_indirect_dma source(%dma_start3A_65 : memref<3200xf32, #tpu.memory_space<vmem>>) target(%dma_start3A_67 : memref<100352xf32, #tpu.memory_space<vmem_shared>>) offsets(%arg6 : memref<3200xi32, #tpu.memory_space<vmem>>) semaphore(%arg12 : memref<!tpu.dma_semaphore, #tpu.memory_space<semaphore_mem>>) {add = true}
        %dma_wait3A_68 = arith.constant 0 : i32
        %dma_wait3A_69 = tpu.memref_slice %arg8[%dma_wait3A_68] : memref<6272xf32, #tpu.memory_space<vmem>> -> memref<3200xf32, #tpu.memory_space<vmem>>
        %dma_wait3A_70 = arith.constant 0 : i32
        %dma_wait3A_71 = tpu.memref_slice %arg10[%dma_wait3A_70] : memref<100352xf32, #tpu.memory_space<vmem_shared>> -> memref<100352xf32, #tpu.memory_space<vmem_shared>>
        tpu.wait_indirect_dma semaphore(%arg12 : memref<!tpu.dma_semaphore, #tpu.memory_space<semaphore_mem>>) src(%dma_wait3A_69 : memref<3200xf32, #tpu.memory_space<vmem>>) dst(%dma_wait3A_71 : memref<100352xf32, #tpu.memory_space<vmem_shared>>)
      } else {
      }
      %and3A_48 = arith.constant 3 : i32
      %and3A_49 = arith.andi %scan3A_29, %and3A_48 : i32
      %eq3A_50 = arith.constant 3 : i32
      %eq3A_51 = arith.cmpi eq, %and3A_49, %eq3A_50 : i32
      %convert_element_type3A_52 = arith.extui %eq3A_51 : i1 to i32
      %cond3A_53 = arith.constant 0 : i32
      %cond3A_54 = arith.cmpi ne, %convert_element_type3A_52, %cond3A_53 : i32
      scf.if %cond3A_54 {
        %add3A_56 = arith.addi %mul3A_9, %scan3A_29 : i32
        %mul3A_57 = arith.constant 3200 : i32
        %mul3A_58 = arith.muli %add3A_56, %mul3A_57 : i32
        %dma_start3A = tpu.memref_slice %arg2[%mul3A_58] : memref<6400000xi32, #tpu.memory_space<hbm>> -> memref<3200xi32, #tpu.memory_space<hbm>>
        %dma_start3A_59 = tpu.memref_slice %arg2[%mul3A_58] : memref<6400000xi32, #tpu.memory_space<hbm>> -> memref<3200xi32, #tpu.memory_space<hbm>>
        tpu.enqueue_dma source(%dma_start3A_59 : memref<3200xi32, #tpu.memory_space<hbm>>) target(%arg7 : memref<3200xi32, #tpu.memory_space<vmem>>) target_semaphore(%arg11 : memref<!tpu.dma_semaphore, #tpu.memory_space<semaphore_mem>>)
        %add3A_60 = arith.addi %mul3A_9, %scan3A_29 : i32
        %mul3A_61 = arith.constant 3200 : i32
        %mul3A_62 = arith.muli %add3A_60, %mul3A_61 : i32
        %dma_wait3A = tpu.memref_slice %arg2[%mul3A_62] : memref<6400000xi32, #tpu.memory_space<hbm>> -> memref<3200xi32, #tpu.memory_space<hbm>>
        %dma_wait3A_63 = tpu.memref_slice %arg2[%mul3A_62] : memref<6400000xi32, #tpu.memory_space<hbm>> -> memref<3200xi32, #tpu.memory_space<hbm>>
        tpu.wait_dma2 semaphore(%arg11 : memref<!tpu.dma_semaphore, #tpu.memory_space<semaphore_mem>>) src(%dma_wait3A_63 : memref<3200xi32, #tpu.memory_space<hbm>>) dst(%arg7 : memref<3200xi32, #tpu.memory_space<vmem>>)
        %dma_start3A_64 = arith.constant 0 : i32
        %dma_start3A_65 = tpu.memref_slice %arg8[%dma_start3A_64] : memref<6272xf32, #tpu.memory_space<vmem>> -> memref<3200xf32, #tpu.memory_space<vmem>>
        %dma_start3A_66 = arith.constant 0 : i32
        %dma_start3A_67 = tpu.memref_slice %arg10[%dma_start3A_66] : memref<100352xf32, #tpu.memory_space<vmem_shared>> -> memref<100352xf32, #tpu.memory_space<vmem_shared>>
        tpu.enqueue_indirect_dma source(%dma_start3A_65 : memref<3200xf32, #tpu.memory_space<vmem>>) target(%dma_start3A_67 : memref<100352xf32, #tpu.memory_space<vmem_shared>>) offsets(%arg7 : memref<3200xi32, #tpu.memory_space<vmem>>) semaphore(%arg12 : memref<!tpu.dma_semaphore, #tpu.memory_space<semaphore_mem>>) {add = true}
        %dma_wait3A_68 = arith.constant 0 : i32
        %dma_wait3A_69 = tpu.memref_slice %arg8[%dma_wait3A_68] : memref<6272xf32, #tpu.memory_space<vmem>> -> memref<3200xf32, #tpu.memory_space<vmem>>
        %dma_wait3A_70 = arith.constant 0 : i32
        %dma_wait3A_71 = tpu.memref_slice %arg10[%dma_wait3A_70] : memref<100352xf32, #tpu.memory_space<vmem_shared>> -> memref<100352xf32, #tpu.memory_space<vmem_shared>>
        tpu.wait_indirect_dma semaphore(%arg12 : memref<!tpu.dma_semaphore, #tpu.memory_space<semaphore_mem>>) src(%dma_wait3A_69 : memref<3200xf32, #tpu.memory_space<vmem>>) dst(%dma_wait3A_71 : memref<100352xf32, #tpu.memory_space<vmem_shared>>)
      } else {
      }
      %scan3A_55 = arith.constant 0 : i32
      scf.yield %scan3A_55 : i32
    }
    %scan3A_16 = arith.constant 125 : i32
    %barrier3A_17 = arith.constant 0 : index
    tpu.barrier barrier_id(%barrier3A_17)
    %mul3A_18 = arith.constant 50176 : i32
    %mul3A_19 = arith.muli %arg0, %mul3A_18 : i32
    %mul3A_20 = arith.constant 3136 : i32
    %mul3A_21 = arith.muli %arg1, %mul3A_20 : i32
    %add3A = arith.addi %mul3A_19, %mul3A_21 : i32
    "tpu.region"() ({
      %run_scoped3A = tpu.sem_alloc : memref<!tpu.dma_semaphore, #tpu.memory_space<semaphore_mem>>
      %dma_start3A = tpu.memref_slice %arg10[%add3A] : memref<100352xf32, #tpu.memory_space<vmem_shared>> -> memref<3136xf32, #tpu.memory_space<vmem_shared>>
      %dma_start3A_29 = tpu.memref_slice %arg10[%add3A] : memref<100352xf32, #tpu.memory_space<vmem_shared>> -> memref<3136xf32, #tpu.memory_space<vmem_shared>>
      tpu.enqueue_dma source(%dma_start3A_29 : memref<3136xf32, #tpu.memory_space<vmem_shared>>) target(%arg9 : memref<3136xf32, #tpu.memory_space<vmem>>) target_semaphore(%run_scoped3A : memref<!tpu.dma_semaphore, #tpu.memory_space<semaphore_mem>>)
      %dma_wait3A = tpu.memref_slice %arg10[%add3A] : memref<100352xf32, #tpu.memory_space<vmem_shared>> -> memref<3136xf32, #tpu.memory_space<vmem_shared>>
      %dma_wait3A_30 = tpu.memref_slice %arg10[%add3A] : memref<100352xf32, #tpu.memory_space<vmem_shared>> -> memref<3136xf32, #tpu.memory_space<vmem_shared>>
      tpu.wait_dma2 semaphore(%run_scoped3A : memref<!tpu.dma_semaphore, #tpu.memory_space<semaphore_mem>>) src(%dma_wait3A_30 : memref<3136xf32, #tpu.memory_space<vmem_shared>>) dst(%arg9 : memref<3136xf32, #tpu.memory_space<vmem>>)
      tpu.yield
    }) : () -> ()
    %scan3A_22 = arith.constant 0 : i32
    %scan3A_23 = arith.constant 0 : i32
    %scan3A_24 = arith.constant 196 : i32
    %scan3A_25 = arith.addi %scan3A_23, %scan3A_24 : i32
    %scan3A_26 = arith.constant 1 : i32
    %scan3A_27 = scf.for %scan3A_29 = %scan3A_23 to %scan3A_25 step %scan3A_26 iter_args(%scan3A_30 = %scan3A_22) -> (i32)  : i32 {
      %mul3A_31 = arith.constant 16 : i32
      %mul3A_32 = arith.muli %scan3A_29, %mul3A_31 : i32
      %get3A = arith.index_cast %mul3A_32 : i32 to index
      %get3A_33 = tpu.vector_load %arg9[%get3A] {strides = array<i32>} : memref<3136xf32, #tpu.memory_space<vmem>>, vector<16xf32>,
      %get3A_34 = vector.shape_cast %get3A_33 : vector<16xf32> to vector<16xf32>
      %bitcast_convert_type3A = tpu.bitcast %get3A_34 : vector<16xf32> -> vector<16xi32>
      %shift_right_logical3A = arith.constant 1 : i32
      %shift_right_logical3A_35 = vector.broadcast %shift_right_logical3A : i32 to vector<16xi32>
      %shift_right_logical3A_36 = arith.shrui %bitcast_convert_type3A, %shift_right_logical3A_35 : vector<16xi32>
      %sub3A = arith.constant 1597463007 : i32
      %sub3A_37 = vector.broadcast %sub3A : i32 to vector<16xi32>
      %sub3A_38 = arith.subi %sub3A_37, %shift_right_logical3A_36 : vector<16xi32>
      %bitcast_convert_type3A_39 = tpu.bitcast %sub3A_38 : vector<16xi32> -> vector<16xf32>
      %mul3A_40 = arith.constant 5.000000e-01 : f32
      %mul3A_41 = vector.broadcast %mul3A_40 : f32 to vector<16xf32>
      %mul3A_42 = arith.mulf %get3A_34, %mul3A_41 : vector<16xf32>
      %mul3A_43 = arith.mulf %mul3A_42, %bitcast_convert_type3A_39 : vector<16xf32>
      %mul3A_44 = arith.mulf %mul3A_43, %bitcast_convert_type3A_39 : vector<16xf32>
      %sub3A_45 = arith.constant 1.500000e+00 : f32
      %sub3A_46 = vector.broadcast %sub3A_45 : f32 to vector<16xf32>
      %sub3A_47 = arith.subf %sub3A_46, %mul3A_44 : vector<16xf32>
      %mul3A_48 = arith.mulf %bitcast_convert_type3A_39, %sub3A_47 : vector<16xf32>
      %mul3A_49 = arith.mulf %mul3A_42, %mul3A_48 : vector<16xf32>
      %mul3A_50 = arith.mulf %mul3A_49, %mul3A_48 : vector<16xf32>
      %sub3A_51 = arith.constant 1.500000e+00 : f32
      %sub3A_52 = vector.broadcast %sub3A_51 : f32 to vector<16xf32>
      %sub3A_53 = arith.subf %sub3A_52, %mul3A_50 : vector<16xf32>
      %mul3A_54 = arith.mulf %mul3A_48, %sub3A_53 : vector<16xf32>
      %mul3A_55 = arith.mulf %mul3A_42, %mul3A_54 : vector<16xf32>
      %mul3A_56 = arith.mulf %mul3A_55, %mul3A_54 : vector<16xf32>
      %sub3A_57 = arith.constant 1.500000e+00 : f32
      %sub3A_58 = vector.broadcast %sub3A_57 : f32 to vector<16xf32>
      %sub3A_59 = arith.subf %sub3A_58, %mul3A_56 : vector<16xf32>
      %mul3A_60 = arith.mulf %mul3A_54, %sub3A_59 : vector<16xf32>
      %mul3A_61 = arith.constant 16 : i32
      %mul3A_62 = arith.muli %scan3A_29, %mul3A_61 : i32
      %swap3A = arith.index_cast %mul3A_62 : i32 to index
      %swap3A_63 = tpu.vector_load %arg9[%swap3A] {strides = array<i32>} : memref<3136xf32, #tpu.memory_space<vmem>>, vector<16xf32>,
      %swap3A_64 = vector.shape_cast %swap3A_63 : vector<16xf32> to vector<16xf32>
      %swap3A_65 = vector.shape_cast %mul3A_60 : vector<16xf32> to vector<16xf32>
      tpu.vector_store %arg9[%swap3A], %swap3A_65 {strides = array<i32>} : memref<3136xf32, #tpu.memory_space<vmem>>, vector<16xf32>,
      %scan3A_66 = arith.constant 0 : i32
      scf.yield %scan3A_66 : i32
    }
    %scan3A_28 = arith.constant 196 : i32
    "tpu.region"() ({
      %run_scoped3A = tpu.sem_alloc : memref<!tpu.dma_semaphore, #tpu.memory_space<semaphore_mem>>
      %dma_start3A = tpu.memref_slice %arg3[%add3A] : memref<100352xf32, #tpu.memory_space<hbm>> -> memref<3136xf32, #tpu.memory_space<hbm>>
      %dma_start3A_29 = tpu.memref_slice %arg3[%add3A] : memref<100352xf32, #tpu.memory_space<hbm>> -> memref<3136xf32, #tpu.memory_space<hbm>>
      tpu.enqueue_dma source(%arg9 : memref<3136xf32, #tpu.memory_space<vmem>>) target(%dma_start3A_29 : memref<3136xf32, #tpu.memory_space<hbm>>) target_semaphore(%run_scoped3A : memref<!tpu.dma_semaphore, #tpu.memory_space<semaphore_mem>>)
      %dma_wait3A = tpu.memref_slice %arg3[%add3A] : memref<100352xf32, #tpu.memory_space<hbm>> -> memref<3136xf32, #tpu.memory_space<hbm>>
      %dma_wait3A_30 = tpu.memref_slice %arg3[%add3A] : memref<100352xf32, #tpu.memory_space<hbm>> -> memref<3136xf32, #tpu.memory_space<hbm>>
      tpu.wait_dma2 semaphore(%run_scoped3A : memref<!tpu.dma_semaphore, #tpu.memory_space<semaphore_mem>>) src(%arg9 : memref<3136xf32, #tpu.memory_space<vmem>>) dst(%dma_wait3A_30 : memref<3136xf32, #tpu.memory_space<hbm>>)
      tpu.yield
    }) : () -> ()
    return
  }
}

#map = affine_map<(d0, d1) -> (0)>
#map1 = affine_map<(d0, d1) -> (0, 0)>
#map2 = affine_map<(d0, d1) -> (0, 0, 0)>
module attributes {stable_mosaic.version = 14 : i64} {
  func.func @k(%arg0: i32, %arg1: i32, %arg2: memref<6400000xi32, #tpu.memory_space<hbm>>, %arg3: memref<6400000xi32, #tpu.memory_space<hbm>>, %arg4: memref<100000x16xf32, #tpu.memory_space<hbm>>, %arg5: memref<6272x16xf32, #tpu.memory_space<hbm>>, %arg6: memref<2x100352x16xf32, #tpu.memory_space<hbm>>, %arg7: memref<400xi32, #tpu.memory_space<vmem>>, %arg8: memref<400xi32, #tpu.memory_space<vmem>>, %arg9: memref<400xi32, #tpu.memory_space<vmem>>, %arg10: memref<400xi32, #tpu.memory_space<vmem>>, %arg11: memref<400xi32, #tpu.memory_space<vmem>>, %arg12: memref<400xi32, #tpu.memory_space<vmem>>, %arg13: memref<400xi32, #tpu.memory_space<vmem>>, %arg14: memref<400xi32, #tpu.memory_space<vmem>>, %arg15: memref<400x16xf32, #tpu.memory_space<vmem>>, %arg16: memref<400x16xf32, #tpu.memory_space<vmem>>, %arg17: memref<100352x16xf32, #tpu.memory_space<vmem_shared>>, %arg18: memref<!tpu.dma_semaphore, #tpu.memory_space<semaphore_mem>>, %arg19: memref<!tpu.dma_semaphore, #tpu.memory_space<semaphore_mem>>, %arg20: memref<!tpu.dma_semaphore, #tpu.memory_space<semaphore_mem>>, %arg21: memref<!tpu.dma_semaphore, #tpu.memory_space<semaphore_mem>>) attributes {dimension_semantics = [#tpu.dimension_semantics<core_parallel>, #tpu.dimension_semantics<subcore_parallel>], iteration_bounds = array<i64: 2, 16>, scalar_prefetch = 0 : i64, scratch_operands = 15 : i64, tpu.core_type = #tpu.core_type<sc_vector_subcore>, window_params = [{transform_indices = #map}, {transform_indices = #map}, {transform_indices = #map1}, {transform_indices = #map1}, {transform_indices = #map2}]} {
    %mul3A = arith.constant 6272 : i32
    %mul3A_0 = arith.muli %arg1, %mul3A : i32
    "tpu.region"() ({
      %run_scoped3A = tpu.sem_alloc : memref<!tpu.dma_semaphore, #tpu.memory_space<semaphore_mem>>
      %dma_start3A_39 = arith.constant 0 : i32
      %dma_start3A_40 = tpu.memref_slice %arg17[%mul3A_0, %dma_start3A_39] : memref<100352x16xf32, #tpu.memory_space<vmem_shared>> -> memref<6272x16xf32, #tpu.memory_space<vmem_shared>>
      tpu.enqueue_dma source(%arg5 : memref<6272x16xf32, #tpu.memory_space<hbm>>) target(%dma_start3A_40 : memref<6272x16xf32, #tpu.memory_space<vmem_shared>>) target_semaphore(%run_scoped3A : memref<!tpu.dma_semaphore, #tpu.memory_space<semaphore_mem>>)
      %dma_wait3A_41 = arith.constant 0 : i32
      %dma_wait3A_42 = tpu.memref_slice %arg17[%mul3A_0, %dma_wait3A_41] : memref<100352x16xf32, #tpu.memory_space<vmem_shared>> -> memref<6272x16xf32, #tpu.memory_space<vmem_shared>>
      tpu.wait_dma2 semaphore(%run_scoped3A : memref<!tpu.dma_semaphore, #tpu.memory_space<semaphore_mem>>) src(%arg5 : memref<6272x16xf32, #tpu.memory_space<hbm>>) dst(%dma_wait3A_42 : memref<6272x16xf32, #tpu.memory_space<vmem_shared>>)
      tpu.yield
    }) : () -> ()
    %barrier3A = arith.constant 0 : index
    tpu.barrier barrier_id(%barrier3A)
    %mul3A_1 = arith.constant 2 : i32
    %mul3A_2 = arith.muli %arg1, %mul3A_1 : i32
    %add3A = arith.addi %mul3A_2, %arg0 : i32
    %mul3A_3 = arith.constant 500 : i32
    %mul3A_4 = arith.muli %add3A, %mul3A_3 : i32
    %mul3A_5 = arith.constant 400 : i32
    %mul3A_6 = arith.muli %mul3A_4, %mul3A_5 : i32
    %dma_start3A = tpu.memref_slice %arg2[%mul3A_6] : memref<6400000xi32, #tpu.memory_space<hbm>> -> memref<400xi32, #tpu.memory_space<hbm>>
    %dma_start3A_7 = tpu.memref_slice %arg2[%mul3A_6] : memref<6400000xi32, #tpu.memory_space<hbm>> -> memref<400xi32, #tpu.memory_space<hbm>>
    tpu.enqueue_dma source(%dma_start3A_7 : memref<400xi32, #tpu.memory_space<hbm>>) target(%arg7 : memref<400xi32, #tpu.memory_space<vmem>>) target_semaphore(%arg18 : memref<!tpu.dma_semaphore, #tpu.memory_space<semaphore_mem>>)
    %mul3A_8 = arith.constant 400 : i32
    %mul3A_9 = arith.muli %mul3A_4, %mul3A_8 : i32
    %dma_start3A_10 = tpu.memref_slice %arg3[%mul3A_9] : memref<6400000xi32, #tpu.memory_space<hbm>> -> memref<400xi32, #tpu.memory_space<hbm>>
    %dma_start3A_11 = tpu.memref_slice %arg3[%mul3A_9] : memref<6400000xi32, #tpu.memory_space<hbm>> -> memref<400xi32, #tpu.memory_space<hbm>>
    tpu.enqueue_dma source(%dma_start3A_11 : memref<400xi32, #tpu.memory_space<hbm>>) target(%arg11 : memref<400xi32, #tpu.memory_space<vmem>>) target_semaphore(%arg18 : memref<!tpu.dma_semaphore, #tpu.memory_space<semaphore_mem>>)
    %mul3A_12 = arith.constant 400 : i32
    %mul3A_13 = arith.muli %mul3A_4, %mul3A_12 : i32
    %dma_wait3A = tpu.memref_slice %arg2[%mul3A_13] : memref<6400000xi32, #tpu.memory_space<hbm>> -> memref<400xi32, #tpu.memory_space<hbm>>
    %dma_wait3A_14 = tpu.memref_slice %arg2[%mul3A_13] : memref<6400000xi32, #tpu.memory_space<hbm>> -> memref<400xi32, #tpu.memory_space<hbm>>
    tpu.wait_dma2 semaphore(%arg18 : memref<!tpu.dma_semaphore, #tpu.memory_space<semaphore_mem>>) src(%dma_wait3A_14 : memref<400xi32, #tpu.memory_space<hbm>>) dst(%arg7 : memref<400xi32, #tpu.memory_space<vmem>>)
    %mul3A_15 = arith.constant 400 : i32
    %mul3A_16 = arith.muli %mul3A_4, %mul3A_15 : i32
    %dma_wait3A_17 = tpu.memref_slice %arg3[%mul3A_16] : memref<6400000xi32, #tpu.memory_space<hbm>> -> memref<400xi32, #tpu.memory_space<hbm>>
    %dma_wait3A_18 = tpu.memref_slice %arg3[%mul3A_16] : memref<6400000xi32, #tpu.memory_space<hbm>> -> memref<400xi32, #tpu.memory_space<hbm>>
    tpu.wait_dma2 semaphore(%arg18 : memref<!tpu.dma_semaphore, #tpu.memory_space<semaphore_mem>>) src(%dma_wait3A_18 : memref<400xi32, #tpu.memory_space<hbm>>) dst(%arg11 : memref<400xi32, #tpu.memory_space<vmem>>)
    %add3A_19 = arith.constant 1 : i32
    %add3A_20 = arith.addi %mul3A_4, %add3A_19 : i32
    %mul3A_21 = arith.constant 400 : i32
    %mul3A_22 = arith.muli %add3A_20, %mul3A_21 : i32
    %dma_start3A_23 = tpu.memref_slice %arg2[%mul3A_22] : memref<6400000xi32, #tpu.memory_space<hbm>> -> memref<400xi32, #tpu.memory_space<hbm>>
    %dma_start3A_24 = tpu.memref_slice %arg2[%mul3A_22] : memref<6400000xi32, #tpu.memory_space<hbm>> -> memref<400xi32, #tpu.memory_space<hbm>>
    tpu.enqueue_dma source(%dma_start3A_24 : memref<400xi32, #tpu.memory_space<hbm>>) target(%arg8 : memref<400xi32, #tpu.memory_space<vmem>>) target_semaphore(%arg18 : memref<!tpu.dma_semaphore, #tpu.memory_space<semaphore_mem>>)
    %mul3A_25 = arith.constant 400 : i32
    %mul3A_26 = arith.muli %add3A_20, %mul3A_25 : i32
    %dma_start3A_27 = tpu.memref_slice %arg3[%mul3A_26] : memref<6400000xi32, #tpu.memory_space<hbm>> -> memref<400xi32, #tpu.memory_space<hbm>>
    %dma_start3A_28 = tpu.memref_slice %arg3[%mul3A_26] : memref<6400000xi32, #tpu.memory_space<hbm>> -> memref<400xi32, #tpu.memory_space<hbm>>
    tpu.enqueue_dma source(%dma_start3A_28 : memref<400xi32, #tpu.memory_space<hbm>>) target(%arg12 : memref<400xi32, #tpu.memory_space<vmem>>) target_semaphore(%arg18 : memref<!tpu.dma_semaphore, #tpu.memory_space<semaphore_mem>>)
    %dma_start3A_29 = arith.constant 0 : i32
    %dma_start3A_30 = arith.constant 0 : i32
    %dma_start3A_31 = tpu.memref_slice %arg4[%dma_start3A_29, %dma_start3A_30] : memref<100000x16xf32, #tpu.memory_space<hbm>> -> memref<100000x16xf32, #tpu.memory_space<hbm>>
    tpu.enqueue_indirect_dma source(%dma_start3A_31 : memref<100000x16xf32, #tpu.memory_space<hbm>>) target(%arg15 : memref<400x16xf32, #tpu.memory_space<vmem>>) offsets(%arg7 : memref<400xi32, #tpu.memory_space<vmem>>) semaphore(%arg19 : memref<!tpu.dma_semaphore, #tpu.memory_space<semaphore_mem>>)
    %scan3A = arith.constant 0 : i32
    %scan3A_32 = arith.constant 0 : i32
    %scan3A_33 = arith.constant 500 : i32
    %scan3A_34 = arith.addi %scan3A_32, %scan3A_33 : i32
    %scan3A_35 = arith.constant 1 : i32
    %scan3A_36 = scf.for %scan3A_39 = %scan3A_32 to %scan3A_34 step %scan3A_35 iter_args(%scan3A_40 = %scan3A) -> (i32)  : i32 {
      %and3A = arith.constant 3 : i32
      %and3A_41 = arith.andi %scan3A_39, %and3A : i32
      %eq3A = arith.constant 0 : i32
      %eq3A_42 = arith.cmpi eq, %and3A_41, %eq3A : i32
      %convert_element_type3A = arith.extui %eq3A_42 : i1 to i32
      %cond3A = arith.constant 0 : i32
      %cond3A_43 = arith.cmpi ne, %convert_element_type3A, %cond3A : i32
      scf.if %cond3A_43 {
        %add3A_66 = arith.constant 1 : i32
        %add3A_67 = arith.addi %scan3A_39, %add3A_66 : i32
        %lt3A = arith.constant 500 : i32
        %lt3A_68 = arith.cmpi slt, %add3A_67, %lt3A : i32
        %convert_element_type3A_69 = arith.extui %lt3A_68 : i1 to i32
        %cond3A_70 = arith.constant 0 : i32
        %cond3A_71 = arith.cmpi ne, %convert_element_type3A_69, %cond3A_70 : i32
        scf.if %cond3A_71 {
          %add3A_95 = arith.addi %mul3A_4, %scan3A_39 : i32
          %add3A_96 = arith.constant 1 : i32
          %add3A_97 = arith.addi %add3A_95, %add3A_96 : i32
          %mul3A_98 = arith.constant 400 : i32
          %mul3A_99 = arith.muli %add3A_97, %mul3A_98 : i32
          %dma_wait3A_100 = tpu.memref_slice %arg2[%mul3A_99] : memref<6400000xi32, #tpu.memory_space<hbm>> -> memref<400xi32, #tpu.memory_space<hbm>>
          %dma_wait3A_101 = tpu.memref_slice %arg2[%mul3A_99] : memref<6400000xi32, #tpu.memory_space<hbm>> -> memref<400xi32, #tpu.memory_space<hbm>>
          tpu.wait_dma2 semaphore(%arg18 : memref<!tpu.dma_semaphore, #tpu.memory_space<semaphore_mem>>) src(%dma_wait3A_101 : memref<400xi32, #tpu.memory_space<hbm>>) dst(%arg8 : memref<400xi32, #tpu.memory_space<vmem>>)
          %mul3A_102 = arith.constant 400 : i32
          %mul3A_103 = arith.muli %add3A_97, %mul3A_102 : i32
          %dma_wait3A_104 = tpu.memref_slice %arg3[%mul3A_103] : memref<6400000xi32, #tpu.memory_space<hbm>> -> memref<400xi32, #tpu.memory_space<hbm>>
          %dma_wait3A_105 = tpu.memref_slice %arg3[%mul3A_103] : memref<6400000xi32, #tpu.memory_space<hbm>> -> memref<400xi32, #tpu.memory_space<hbm>>
          tpu.wait_dma2 semaphore(%arg18 : memref<!tpu.dma_semaphore, #tpu.memory_space<semaphore_mem>>) src(%dma_wait3A_105 : memref<400xi32, #tpu.memory_space<hbm>>) dst(%arg12 : memref<400xi32, #tpu.memory_space<vmem>>)
        } else {
        }
        %dma_wait3A_72 = arith.constant 0 : i32
        %dma_wait3A_73 = arith.constant 0 : i32
        %dma_wait3A_74 = tpu.memref_slice %arg4[%dma_wait3A_72, %dma_wait3A_73] : memref<100000x16xf32, #tpu.memory_space<hbm>> -> memref<100000x16xf32, #tpu.memory_space<hbm>>
        tpu.wait_indirect_dma semaphore(%arg19 : memref<!tpu.dma_semaphore, #tpu.memory_space<semaphore_mem>>) src(%dma_wait3A_74 : memref<100000x16xf32, #tpu.memory_space<hbm>>) dst(%arg15 : memref<400x16xf32, #tpu.memory_space<vmem>>)
        %dma_start3A_75 = arith.constant 0 : i32
        %dma_start3A_76 = arith.constant 0 : i32
        %dma_start3A_77 = tpu.memref_slice %arg17[%dma_start3A_75, %dma_start3A_76] : memref<100352x16xf32, #tpu.memory_space<vmem_shared>> -> memref<100352x16xf32, #tpu.memory_space<vmem_shared>>
        tpu.enqueue_indirect_dma source(%arg15 : memref<400x16xf32, #tpu.memory_space<vmem>>) target(%dma_start3A_77 : memref<100352x16xf32, #tpu.memory_space<vmem_shared>>) offsets(%arg11 : memref<400xi32, #tpu.memory_space<vmem>>) semaphore(%arg20 : memref<!tpu.dma_semaphore, #tpu.memory_space<semaphore_mem>>) {add = true}
        %add3A_78 = arith.constant 1 : i32
        %add3A_79 = arith.addi %scan3A_39, %add3A_78 : i32
        %lt3A_80 = arith.constant 500 : i32
        %lt3A_81 = arith.cmpi slt, %add3A_79, %lt3A_80 : i32
        %convert_element_type3A_82 = arith.extui %lt3A_81 : i1 to i32
        %cond3A_83 = arith.constant 0 : i32
        %cond3A_84 = arith.cmpi ne, %convert_element_type3A_82, %cond3A_83 : i32
        scf.if %cond3A_84 {
          %dma_start3A_95 = arith.constant 0 : i32
          %dma_start3A_96 = arith.constant 0 : i32
          %dma_start3A_97 = tpu.memref_slice %arg4[%dma_start3A_95, %dma_start3A_96] : memref<100000x16xf32, #tpu.memory_space<hbm>> -> memref<100000x16xf32, #tpu.memory_space<hbm>>
          tpu.enqueue_indirect_dma source(%dma_start3A_97 : memref<100000x16xf32, #tpu.memory_space<hbm>>) target(%arg16 : memref<400x16xf32, #tpu.memory_space<vmem>>) offsets(%arg8 : memref<400xi32, #tpu.memory_space<vmem>>) semaphore(%arg19 : memref<!tpu.dma_semaphore, #tpu.memory_space<semaphore_mem>>)
        } else {
        }
        %add3A_85 = arith.constant 2 : i32
        %add3A_86 = arith.addi %scan3A_39, %add3A_85 : i32
        %lt3A_87 = arith.constant 500 : i32
        %lt3A_88 = arith.cmpi slt, %add3A_86, %lt3A_87 : i32
        %convert_element_type3A_89 = arith.extui %lt3A_88 : i1 to i32
        %cond3A_90 = arith.constant 0 : i32
        %cond3A_91 = arith.cmpi ne, %convert_element_type3A_89, %cond3A_90 : i32
        scf.if %cond3A_91 {
          %add3A_95 = arith.addi %mul3A_4, %scan3A_39 : i32
          %add3A_96 = arith.constant 2 : i32
          %add3A_97 = arith.addi %add3A_95, %add3A_96 : i32
          %mul3A_98 = arith.constant 400 : i32
          %mul3A_99 = arith.muli %add3A_97, %mul3A_98 : i32
          %dma_start3A_100 = tpu.memref_slice %arg2[%mul3A_99] : memref<6400000xi32, #tpu.memory_space<hbm>> -> memref<400xi32, #tpu.memory_space<hbm>>
          %dma_start3A_101 = tpu.memref_slice %arg2[%mul3A_99] : memref<6400000xi32, #tpu.memory_space<hbm>> -> memref<400xi32, #tpu.memory_space<hbm>>
          tpu.enqueue_dma source(%dma_start3A_101 : memref<400xi32, #tpu.memory_space<hbm>>) target(%arg9 : memref<400xi32, #tpu.memory_space<vmem>>) target_semaphore(%arg18 : memref<!tpu.dma_semaphore, #tpu.memory_space<semaphore_mem>>)
          %mul3A_102 = arith.constant 400 : i32
          %mul3A_103 = arith.muli %add3A_97, %mul3A_102 : i32
          %dma_start3A_104 = tpu.memref_slice %arg3[%mul3A_103] : memref<6400000xi32, #tpu.memory_space<hbm>> -> memref<400xi32, #tpu.memory_space<hbm>>
          %dma_start3A_105 = tpu.memref_slice %arg3[%mul3A_103] : memref<6400000xi32, #tpu.memory_space<hbm>> -> memref<400xi32, #tpu.memory_space<hbm>>
          tpu.enqueue_dma source(%dma_start3A_105 : memref<400xi32, #tpu.memory_space<hbm>>) target(%arg13 : memref<400xi32, #tpu.memory_space<vmem>>) target_semaphore(%arg18 : memref<!tpu.dma_semaphore, #tpu.memory_space<semaphore_mem>>)
        } else {
        }
        %dma_wait3A_92 = arith.constant 0 : i32
        %dma_wait3A_93 = arith.constant 0 : i32
        %dma_wait3A_94 = tpu.memref_slice %arg17[%dma_wait3A_92, %dma_wait3A_93] : memref<100352x16xf32, #tpu.memory_space<vmem_shared>> -> memref<100352x16xf32, #tpu.memory_space<vmem_shared>>
        tpu.wait_indirect_dma semaphore(%arg20 : memref<!tpu.dma_semaphore, #tpu.memory_space<semaphore_mem>>) src(%arg15 : memref<400x16xf32, #tpu.memory_space<vmem>>) dst(%dma_wait3A_94 : memref<100352x16xf32, #tpu.memory_space<vmem_shared>>)
      } else {
      }
      %and3A_44 = arith.constant 3 : i32
      %and3A_45 = arith.andi %scan3A_39, %and3A_44 : i32
      %eq3A_46 = arith.constant 1 : i32
      %eq3A_47 = arith.cmpi eq, %and3A_45, %eq3A_46 : i32
      %convert_element_type3A_48 = arith.extui %eq3A_47 : i1 to i32
      %cond3A_49 = arith.constant 0 : i32
      %cond3A_50 = arith.cmpi ne, %convert_element_type3A_48, %cond3A_49 : i32
      scf.if %cond3A_50 {
        %add3A_66 = arith.constant 1 : i32
        %add3A_67 = arith.addi %scan3A_39, %add3A_66 : i32
        %lt3A = arith.constant 500 : i32
        %lt3A_68 = arith.cmpi slt, %add3A_67, %lt3A : i32
        %convert_element_type3A_69 = arith.extui %lt3A_68 : i1 to i32
        %cond3A_70 = arith.constant 0 : i32
        %cond3A_71 = arith.cmpi ne, %convert_element_type3A_69, %cond3A_70 : i32
        scf.if %cond3A_71 {
          %add3A_95 = arith.addi %mul3A_4, %scan3A_39 : i32
          %add3A_96 = arith.constant 1 : i32
          %add3A_97 = arith.addi %add3A_95, %add3A_96 : i32
          %mul3A_98 = arith.constant 400 : i32
          %mul3A_99 = arith.muli %add3A_97, %mul3A_98 : i32
          %dma_wait3A_100 = tpu.memref_slice %arg2[%mul3A_99] : memref<6400000xi32, #tpu.memory_space<hbm>> -> memref<400xi32, #tpu.memory_space<hbm>>
          %dma_wait3A_101 = tpu.memref_slice %arg2[%mul3A_99] : memref<6400000xi32, #tpu.memory_space<hbm>> -> memref<400xi32, #tpu.memory_space<hbm>>
          tpu.wait_dma2 semaphore(%arg18 : memref<!tpu.dma_semaphore, #tpu.memory_space<semaphore_mem>>) src(%dma_wait3A_101 : memref<400xi32, #tpu.memory_space<hbm>>) dst(%arg9 : memref<400xi32, #tpu.memory_space<vmem>>)
          %mul3A_102 = arith.constant 400 : i32
          %mul3A_103 = arith.muli %add3A_97, %mul3A_102 : i32
          %dma_wait3A_104 = tpu.memref_slice %arg3[%mul3A_103] : memref<6400000xi32, #tpu.memory_space<hbm>> -> memref<400xi32, #tpu.memory_space<hbm>>
          %dma_wait3A_105 = tpu.memref_slice %arg3[%mul3A_103] : memref<6400000xi32, #tpu.memory_space<hbm>> -> memref<400xi32, #tpu.memory_space<hbm>>
          tpu.wait_dma2 semaphore(%arg18 : memref<!tpu.dma_semaphore, #tpu.memory_space<semaphore_mem>>) src(%dma_wait3A_105 : memref<400xi32, #tpu.memory_space<hbm>>) dst(%arg13 : memref<400xi32, #tpu.memory_space<vmem>>)
        } else {
        }
        %dma_wait3A_72 = arith.constant 0 : i32
        %dma_wait3A_73 = arith.constant 0 : i32
        %dma_wait3A_74 = tpu.memref_slice %arg4[%dma_wait3A_72, %dma_wait3A_73] : memref<100000x16xf32, #tpu.memory_space<hbm>> -> memref<100000x16xf32, #tpu.memory_space<hbm>>
        tpu.wait_indirect_dma semaphore(%arg19 : memref<!tpu.dma_semaphore, #tpu.memory_space<semaphore_mem>>) src(%dma_wait3A_74 : memref<100000x16xf32, #tpu.memory_space<hbm>>) dst(%arg16 : memref<400x16xf32, #tpu.memory_space<vmem>>)
        %dma_start3A_75 = arith.constant 0 : i32
        %dma_start3A_76 = arith.constant 0 : i32
        %dma_start3A_77 = tpu.memref_slice %arg17[%dma_start3A_75, %dma_start3A_76] : memref<100352x16xf32, #tpu.memory_space<vmem_shared>> -> memref<100352x16xf32, #tpu.memory_space<vmem_shared>>
        tpu.enqueue_indirect_dma source(%arg16 : memref<400x16xf32, #tpu.memory_space<vmem>>) target(%dma_start3A_77 : memref<100352x16xf32, #tpu.memory_space<vmem_shared>>) offsets(%arg12 : memref<400xi32, #tpu.memory_space<vmem>>) semaphore(%arg20 : memref<!tpu.dma_semaphore, #tpu.memory_space<semaphore_mem>>) {add = true}
        %add3A_78 = arith.constant 1 : i32
        %add3A_79 = arith.addi %scan3A_39, %add3A_78 : i32
        %lt3A_80 = arith.constant 500 : i32
        %lt3A_81 = arith.cmpi slt, %add3A_79, %lt3A_80 : i32
        %convert_element_type3A_82 = arith.extui %lt3A_81 : i1 to i32
        %cond3A_83 = arith.constant 0 : i32
        %cond3A_84 = arith.cmpi ne, %convert_element_type3A_82, %cond3A_83 : i32
        scf.if %cond3A_84 {
          %dma_start3A_95 = arith.constant 0 : i32
          %dma_start3A_96 = arith.constant 0 : i32
          %dma_start3A_97 = tpu.memref_slice %arg4[%dma_start3A_95, %dma_start3A_96] : memref<100000x16xf32, #tpu.memory_space<hbm>> -> memref<100000x16xf32, #tpu.memory_space<hbm>>
          tpu.enqueue_indirect_dma source(%dma_start3A_97 : memref<100000x16xf32, #tpu.memory_space<hbm>>) target(%arg15 : memref<400x16xf32, #tpu.memory_space<vmem>>) offsets(%arg9 : memref<400xi32, #tpu.memory_space<vmem>>) semaphore(%arg19 : memref<!tpu.dma_semaphore, #tpu.memory_space<semaphore_mem>>)
        } else {
        }
        %add3A_85 = arith.constant 2 : i32
        %add3A_86 = arith.addi %scan3A_39, %add3A_85 : i32
        %lt3A_87 = arith.constant 500 : i32
        %lt3A_88 = arith.cmpi slt, %add3A_86, %lt3A_87 : i32
        %convert_element_type3A_89 = arith.extui %lt3A_88 : i1 to i32
        %cond3A_90 = arith.constant 0 : i32
        %cond3A_91 = arith.cmpi ne, %convert_element_type3A_89, %cond3A_90 : i32
        scf.if %cond3A_91 {
          %add3A_95 = arith.addi %mul3A_4, %scan3A_39 : i32
          %add3A_96 = arith.constant 2 : i32
          %add3A_97 = arith.addi %add3A_95, %add3A_96 : i32
          %mul3A_98 = arith.constant 400 : i32
          %mul3A_99 = arith.muli %add3A_97, %mul3A_98 : i32
          %dma_start3A_100 = tpu.memref_slice %arg2[%mul3A_99] : memref<6400000xi32, #tpu.memory_space<hbm>> -> memref<400xi32, #tpu.memory_space<hbm>>
          %dma_start3A_101 = tpu.memref_slice %arg2[%mul3A_99] : memref<6400000xi32, #tpu.memory_space<hbm>> -> memref<400xi32, #tpu.memory_space<hbm>>
          tpu.enqueue_dma source(%dma_start3A_101 : memref<400xi32, #tpu.memory_space<hbm>>) target(%arg10 : memref<400xi32, #tpu.memory_space<vmem>>) target_semaphore(%arg18 : memref<!tpu.dma_semaphore, #tpu.memory_space<semaphore_mem>>)
          %mul3A_102 = arith.constant 400 : i32
          %mul3A_103 = arith.muli %add3A_97, %mul3A_102 : i32
          %dma_start3A_104 = tpu.memref_slice %arg3[%mul3A_103] : memref<6400000xi32, #tpu.memory_space<hbm>> -> memref<400xi32, #tpu.memory_space<hbm>>
          %dma_start3A_105 = tpu.memref_slice %arg3[%mul3A_103] : memref<6400000xi32, #tpu.memory_space<hbm>> -> memref<400xi32, #tpu.memory_space<hbm>>
          tpu.enqueue_dma source(%dma_start3A_105 : memref<400xi32, #tpu.memory_space<hbm>>) target(%arg14 : memref<400xi32, #tpu.memory_space<vmem>>) target_semaphore(%arg18 : memref<!tpu.dma_semaphore, #tpu.memory_space<semaphore_mem>>)
        } else {
        }
        %dma_wait3A_92 = arith.constant 0 : i32
        %dma_wait3A_93 = arith.constant 0 : i32
        %dma_wait3A_94 = tpu.memref_slice %arg17[%dma_wait3A_92, %dma_wait3A_93] : memref<100352x16xf32, #tpu.memory_space<vmem_shared>> -> memref<100352x16xf32, #tpu.memory_space<vmem_shared>>
        tpu.wait_indirect_dma semaphore(%arg20 : memref<!tpu.dma_semaphore, #tpu.memory_space<semaphore_mem>>) src(%arg16 : memref<400x16xf32, #tpu.memory_space<vmem>>) dst(%dma_wait3A_94 : memref<100352x16xf32, #tpu.memory_space<vmem_shared>>)
      } else {
      }
      %and3A_51 = arith.constant 3 : i32
      %and3A_52 = arith.andi %scan3A_39, %and3A_51 : i32
      %eq3A_53 = arith.constant 2 : i32
      %eq3A_54 = arith.cmpi eq, %and3A_52, %eq3A_53 : i32
      %convert_element_type3A_55 = arith.extui %eq3A_54 : i1 to i32
      %cond3A_56 = arith.constant 0 : i32
      %cond3A_57 = arith.cmpi ne, %convert_element_type3A_55, %cond3A_56 : i32
      scf.if %cond3A_57 {
        %add3A_66 = arith.constant 1 : i32
        %add3A_67 = arith.addi %scan3A_39, %add3A_66 : i32
        %lt3A = arith.constant 500 : i32
        %lt3A_68 = arith.cmpi slt, %add3A_67, %lt3A : i32
        %convert_element_type3A_69 = arith.extui %lt3A_68 : i1 to i32
        %cond3A_70 = arith.constant 0 : i32
        %cond3A_71 = arith.cmpi ne, %convert_element_type3A_69, %cond3A_70 : i32
        scf.if %cond3A_71 {
          %add3A_95 = arith.addi %mul3A_4, %scan3A_39 : i32
          %add3A_96 = arith.constant 1 : i32
          %add3A_97 = arith.addi %add3A_95, %add3A_96 : i32
          %mul3A_98 = arith.constant 400 : i32
          %mul3A_99 = arith.muli %add3A_97, %mul3A_98 : i32
          %dma_wait3A_100 = tpu.memref_slice %arg2[%mul3A_99] : memref<6400000xi32, #tpu.memory_space<hbm>> -> memref<400xi32, #tpu.memory_space<hbm>>
          %dma_wait3A_101 = tpu.memref_slice %arg2[%mul3A_99] : memref<6400000xi32, #tpu.memory_space<hbm>> -> memref<400xi32, #tpu.memory_space<hbm>>
          tpu.wait_dma2 semaphore(%arg18 : memref<!tpu.dma_semaphore, #tpu.memory_space<semaphore_mem>>) src(%dma_wait3A_101 : memref<400xi32, #tpu.memory_space<hbm>>) dst(%arg10 : memref<400xi32, #tpu.memory_space<vmem>>)
          %mul3A_102 = arith.constant 400 : i32
          %mul3A_103 = arith.muli %add3A_97, %mul3A_102 : i32
          %dma_wait3A_104 = tpu.memref_slice %arg3[%mul3A_103] : memref<6400000xi32, #tpu.memory_space<hbm>> -> memref<400xi32, #tpu.memory_space<hbm>>
          %dma_wait3A_105 = tpu.memref_slice %arg3[%mul3A_103] : memref<6400000xi32, #tpu.memory_space<hbm>> -> memref<400xi32, #tpu.memory_space<hbm>>
          tpu.wait_dma2 semaphore(%arg18 : memref<!tpu.dma_semaphore, #tpu.memory_space<semaphore_mem>>) src(%dma_wait3A_105 : memref<400xi32, #tpu.memory_space<hbm>>) dst(%arg14 : memref<400xi32, #tpu.memory_space<vmem>>)
        } else {
        }
        %dma_wait3A_72 = arith.constant 0 : i32
        %dma_wait3A_73 = arith.constant 0 : i32
        %dma_wait3A_74 = tpu.memref_slice %arg4[%dma_wait3A_72, %dma_wait3A_73] : memref<100000x16xf32, #tpu.memory_space<hbm>> -> memref<100000x16xf32, #tpu.memory_space<hbm>>
        tpu.wait_indirect_dma semaphore(%arg19 : memref<!tpu.dma_semaphore, #tpu.memory_space<semaphore_mem>>) src(%dma_wait3A_74 : memref<100000x16xf32, #tpu.memory_space<hbm>>) dst(%arg15 : memref<400x16xf32, #tpu.memory_space<vmem>>)
        %dma_start3A_75 = arith.constant 0 : i32
        %dma_start3A_76 = arith.constant 0 : i32
        %dma_start3A_77 = tpu.memref_slice %arg17[%dma_start3A_75, %dma_start3A_76] : memref<100352x16xf32, #tpu.memory_space<vmem_shared>> -> memref<100352x16xf32, #tpu.memory_space<vmem_shared>>
        tpu.enqueue_indirect_dma source(%arg15 : memref<400x16xf32, #tpu.memory_space<vmem>>) target(%dma_start3A_77 : memref<100352x16xf32, #tpu.memory_space<vmem_shared>>) offsets(%arg13 : memref<400xi32, #tpu.memory_space<vmem>>) semaphore(%arg20 : memref<!tpu.dma_semaphore, #tpu.memory_space<semaphore_mem>>) {add = true}
        %add3A_78 = arith.constant 1 : i32
        %add3A_79 = arith.addi %scan3A_39, %add3A_78 : i32
        %lt3A_80 = arith.constant 500 : i32
        %lt3A_81 = arith.cmpi slt, %add3A_79, %lt3A_80 : i32
        %convert_element_type3A_82 = arith.extui %lt3A_81 : i1 to i32
        %cond3A_83 = arith.constant 0 : i32
        %cond3A_84 = arith.cmpi ne, %convert_element_type3A_82, %cond3A_83 : i32
        scf.if %cond3A_84 {
          %dma_start3A_95 = arith.constant 0 : i32
          %dma_start3A_96 = arith.constant 0 : i32
          %dma_start3A_97 = tpu.memref_slice %arg4[%dma_start3A_95, %dma_start3A_96] : memref<100000x16xf32, #tpu.memory_space<hbm>> -> memref<100000x16xf32, #tpu.memory_space<hbm>>
          tpu.enqueue_indirect_dma source(%dma_start3A_97 : memref<100000x16xf32, #tpu.memory_space<hbm>>) target(%arg16 : memref<400x16xf32, #tpu.memory_space<vmem>>) offsets(%arg10 : memref<400xi32, #tpu.memory_space<vmem>>) semaphore(%arg19 : memref<!tpu.dma_semaphore, #tpu.memory_space<semaphore_mem>>)
        } else {
        }
        %add3A_85 = arith.constant 2 : i32
        %add3A_86 = arith.addi %scan3A_39, %add3A_85 : i32
        %lt3A_87 = arith.constant 500 : i32
        %lt3A_88 = arith.cmpi slt, %add3A_86, %lt3A_87 : i32
        %convert_element_type3A_89 = arith.extui %lt3A_88 : i1 to i32
        %cond3A_90 = arith.constant 0 : i32
        %cond3A_91 = arith.cmpi ne, %convert_element_type3A_89, %cond3A_90 : i32
        scf.if %cond3A_91 {
          %add3A_95 = arith.addi %mul3A_4, %scan3A_39 : i32
          %add3A_96 = arith.constant 2 : i32
          %add3A_97 = arith.addi %add3A_95, %add3A_96 : i32
          %mul3A_98 = arith.constant 400 : i32
          %mul3A_99 = arith.muli %add3A_97, %mul3A_98 : i32
          %dma_start3A_100 = tpu.memref_slice %arg2[%mul3A_99] : memref<6400000xi32, #tpu.memory_space<hbm>> -> memref<400xi32, #tpu.memory_space<hbm>>
          %dma_start3A_101 = tpu.memref_slice %arg2[%mul3A_99] : memref<6400000xi32, #tpu.memory_space<hbm>> -> memref<400xi32, #tpu.memory_space<hbm>>
          tpu.enqueue_dma source(%dma_start3A_101 : memref<400xi32, #tpu.memory_space<hbm>>) target(%arg7 : memref<400xi32, #tpu.memory_space<vmem>>) target_semaphore(%arg18 : memref<!tpu.dma_semaphore, #tpu.memory_space<semaphore_mem>>)
          %mul3A_102 = arith.constant 400 : i32
          %mul3A_103 = arith.muli %add3A_97, %mul3A_102 : i32
          %dma_start3A_104 = tpu.memref_slice %arg3[%mul3A_103] : memref<6400000xi32, #tpu.memory_space<hbm>> -> memref<400xi32, #tpu.memory_space<hbm>>
          %dma_start3A_105 = tpu.memref_slice %arg3[%mul3A_103] : memref<6400000xi32, #tpu.memory_space<hbm>> -> memref<400xi32, #tpu.memory_space<hbm>>
          tpu.enqueue_dma source(%dma_start3A_105 : memref<400xi32, #tpu.memory_space<hbm>>) target(%arg11 : memref<400xi32, #tpu.memory_space<vmem>>) target_semaphore(%arg18 : memref<!tpu.dma_semaphore, #tpu.memory_space<semaphore_mem>>)
        } else {
        }
        %dma_wait3A_92 = arith.constant 0 : i32
        %dma_wait3A_93 = arith.constant 0 : i32
        %dma_wait3A_94 = tpu.memref_slice %arg17[%dma_wait3A_92, %dma_wait3A_93] : memref<100352x16xf32, #tpu.memory_space<vmem_shared>> -> memref<100352x16xf32, #tpu.memory_space<vmem_shared>>
        tpu.wait_indirect_dma semaphore(%arg20 : memref<!tpu.dma_semaphore, #tpu.memory_space<semaphore_mem>>) src(%arg15 : memref<400x16xf32, #tpu.memory_space<vmem>>) dst(%dma_wait3A_94 : memref<100352x16xf32, #tpu.memory_space<vmem_shared>>)
      } else {
      }
      %and3A_58 = arith.constant 3 : i32
      %and3A_59 = arith.andi %scan3A_39, %and3A_58 : i32
      %eq3A_60 = arith.constant 3 : i32
      %eq3A_61 = arith.cmpi eq, %and3A_59, %eq3A_60 : i32
      %convert_element_type3A_62 = arith.extui %eq3A_61 : i1 to i32
      %cond3A_63 = arith.constant 0 : i32
      %cond3A_64 = arith.cmpi ne, %convert_element_type3A_62, %cond3A_63 : i32
      scf.if %cond3A_64 {
        %add3A_66 = arith.constant 1 : i32
        %add3A_67 = arith.addi %scan3A_39, %add3A_66 : i32
        %lt3A = arith.constant 500 : i32
        %lt3A_68 = arith.cmpi slt, %add3A_67, %lt3A : i32
        %convert_element_type3A_69 = arith.extui %lt3A_68 : i1 to i32
        %cond3A_70 = arith.constant 0 : i32
        %cond3A_71 = arith.cmpi ne, %convert_element_type3A_69, %cond3A_70 : i32
        scf.if %cond3A_71 {
          %add3A_95 = arith.addi %mul3A_4, %scan3A_39 : i32
          %add3A_96 = arith.constant 1 : i32
          %add3A_97 = arith.addi %add3A_95, %add3A_96 : i32
          %mul3A_98 = arith.constant 400 : i32
          %mul3A_99 = arith.muli %add3A_97, %mul3A_98 : i32
          %dma_wait3A_100 = tpu.memref_slice %arg2[%mul3A_99] : memref<6400000xi32, #tpu.memory_space<hbm>> -> memref<400xi32, #tpu.memory_space<hbm>>
          %dma_wait3A_101 = tpu.memref_slice %arg2[%mul3A_99] : memref<6400000xi32, #tpu.memory_space<hbm>> -> memref<400xi32, #tpu.memory_space<hbm>>
          tpu.wait_dma2 semaphore(%arg18 : memref<!tpu.dma_semaphore, #tpu.memory_space<semaphore_mem>>) src(%dma_wait3A_101 : memref<400xi32, #tpu.memory_space<hbm>>) dst(%arg7 : memref<400xi32, #tpu.memory_space<vmem>>)
          %mul3A_102 = arith.constant 400 : i32
          %mul3A_103 = arith.muli %add3A_97, %mul3A_102 : i32
          %dma_wait3A_104 = tpu.memref_slice %arg3[%mul3A_103] : memref<6400000xi32, #tpu.memory_space<hbm>> -> memref<400xi32, #tpu.memory_space<hbm>>
          %dma_wait3A_105 = tpu.memref_slice %arg3[%mul3A_103] : memref<6400000xi32, #tpu.memory_space<hbm>> -> memref<400xi32, #tpu.memory_space<hbm>>
          tpu.wait_dma2 semaphore(%arg18 : memref<!tpu.dma_semaphore, #tpu.memory_space<semaphore_mem>>) src(%dma_wait3A_105 : memref<400xi32, #tpu.memory_space<hbm>>) dst(%arg11 : memref<400xi32, #tpu.memory_space<vmem>>)
        } else {
        }
        %dma_wait3A_72 = arith.constant 0 : i32
        %dma_wait3A_73 = arith.constant 0 : i32
        %dma_wait3A_74 = tpu.memref_slice %arg4[%dma_wait3A_72, %dma_wait3A_73] : memref<100000x16xf32, #tpu.memory_space<hbm>> -> memref<100000x16xf32, #tpu.memory_space<hbm>>
        tpu.wait_indirect_dma semaphore(%arg19 : memref<!tpu.dma_semaphore, #tpu.memory_space<semaphore_mem>>) src(%dma_wait3A_74 : memref<100000x16xf32, #tpu.memory_space<hbm>>) dst(%arg16 : memref<400x16xf32, #tpu.memory_space<vmem>>)
        %dma_start3A_75 = arith.constant 0 : i32
        %dma_start3A_76 = arith.constant 0 : i32
        %dma_start3A_77 = tpu.memref_slice %arg17[%dma_start3A_75, %dma_start3A_76] : memref<100352x16xf32, #tpu.memory_space<vmem_shared>> -> memref<100352x16xf32, #tpu.memory_space<vmem_shared>>
        tpu.enqueue_indirect_dma source(%arg16 : memref<400x16xf32, #tpu.memory_space<vmem>>) target(%dma_start3A_77 : memref<100352x16xf32, #tpu.memory_space<vmem_shared>>) offsets(%arg14 : memref<400xi32, #tpu.memory_space<vmem>>) semaphore(%arg20 : memref<!tpu.dma_semaphore, #tpu.memory_space<semaphore_mem>>) {add = true}
        %add3A_78 = arith.constant 1 : i32
        %add3A_79 = arith.addi %scan3A_39, %add3A_78 : i32
        %lt3A_80 = arith.constant 500 : i32
        %lt3A_81 = arith.cmpi slt, %add3A_79, %lt3A_80 : i32
        %convert_element_type3A_82 = arith.extui %lt3A_81 : i1 to i32
        %cond3A_83 = arith.constant 0 : i32
        %cond3A_84 = arith.cmpi ne, %convert_element_type3A_82, %cond3A_83 : i32
        scf.if %cond3A_84 {
          %dma_start3A_95 = arith.constant 0 : i32
          %dma_start3A_96 = arith.constant 0 : i32
          %dma_start3A_97 = tpu.memref_slice %arg4[%dma_start3A_95, %dma_start3A_96] : memref<100000x16xf32, #tpu.memory_space<hbm>> -> memref<100000x16xf32, #tpu.memory_space<hbm>>
          tpu.enqueue_indirect_dma source(%dma_start3A_97 : memref<100000x16xf32, #tpu.memory_space<hbm>>) target(%arg15 : memref<400x16xf32, #tpu.memory_space<vmem>>) offsets(%arg7 : memref<400xi32, #tpu.memory_space<vmem>>) semaphore(%arg19 : memref<!tpu.dma_semaphore, #tpu.memory_space<semaphore_mem>>)
        } else {
        }
        %add3A_85 = arith.constant 2 : i32
        %add3A_86 = arith.addi %scan3A_39, %add3A_85 : i32
        %lt3A_87 = arith.constant 500 : i32
        %lt3A_88 = arith.cmpi slt, %add3A_86, %lt3A_87 : i32
        %convert_element_type3A_89 = arith.extui %lt3A_88 : i1 to i32
        %cond3A_90 = arith.constant 0 : i32
        %cond3A_91 = arith.cmpi ne, %convert_element_type3A_89, %cond3A_90 : i32
        scf.if %cond3A_91 {
          %add3A_95 = arith.addi %mul3A_4, %scan3A_39 : i32
          %add3A_96 = arith.constant 2 : i32
          %add3A_97 = arith.addi %add3A_95, %add3A_96 : i32
          %mul3A_98 = arith.constant 400 : i32
          %mul3A_99 = arith.muli %add3A_97, %mul3A_98 : i32
          %dma_start3A_100 = tpu.memref_slice %arg2[%mul3A_99] : memref<6400000xi32, #tpu.memory_space<hbm>> -> memref<400xi32, #tpu.memory_space<hbm>>
          %dma_start3A_101 = tpu.memref_slice %arg2[%mul3A_99] : memref<6400000xi32, #tpu.memory_space<hbm>> -> memref<400xi32, #tpu.memory_space<hbm>>
          tpu.enqueue_dma source(%dma_start3A_101 : memref<400xi32, #tpu.memory_space<hbm>>) target(%arg8 : memref<400xi32, #tpu.memory_space<vmem>>) target_semaphore(%arg18 : memref<!tpu.dma_semaphore, #tpu.memory_space<semaphore_mem>>)
          %mul3A_102 = arith.constant 400 : i32
          %mul3A_103 = arith.muli %add3A_97, %mul3A_102 : i32
          %dma_start3A_104 = tpu.memref_slice %arg3[%mul3A_103] : memref<6400000xi32, #tpu.memory_space<hbm>> -> memref<400xi32, #tpu.memory_space<hbm>>
          %dma_start3A_105 = tpu.memref_slice %arg3[%mul3A_103] : memref<6400000xi32, #tpu.memory_space<hbm>> -> memref<400xi32, #tpu.memory_space<hbm>>
          tpu.enqueue_dma source(%dma_start3A_105 : memref<400xi32, #tpu.memory_space<hbm>>) target(%arg12 : memref<400xi32, #tpu.memory_space<vmem>>) target_semaphore(%arg18 : memref<!tpu.dma_semaphore, #tpu.memory_space<semaphore_mem>>)
        } else {
        }
        %dma_wait3A_92 = arith.constant 0 : i32
        %dma_wait3A_93 = arith.constant 0 : i32
        %dma_wait3A_94 = tpu.memref_slice %arg17[%dma_wait3A_92, %dma_wait3A_93] : memref<100352x16xf32, #tpu.memory_space<vmem_shared>> -> memref<100352x16xf32, #tpu.memory_space<vmem_shared>>
        tpu.wait_indirect_dma semaphore(%arg20 : memref<!tpu.dma_semaphore, #tpu.memory_space<semaphore_mem>>) src(%arg16 : memref<400x16xf32, #tpu.memory_space<vmem>>) dst(%dma_wait3A_94 : memref<100352x16xf32, #tpu.memory_space<vmem_shared>>)
      } else {
      }
      %scan3A_65 = arith.constant 0 : i32
      scf.yield %scan3A_65 : i32
    }
    %scan3A_37 = arith.constant 500 : i32
    %barrier3A_38 = arith.constant 0 : index
    tpu.barrier barrier_id(%barrier3A_38)
    "tpu.region"() ({
      %run_scoped3A = tpu.sem_alloc : memref<!tpu.dma_semaphore, #tpu.memory_space<semaphore_mem>>
      %dma_start3A_39 = arith.constant 0 : i32
      %dma_start3A_40 = tpu.memref_slice %arg6[%arg0, %mul3A_0, %dma_start3A_39] : memref<2x100352x16xf32, #tpu.memory_space<hbm>> -> memref<1x6272x16xf32, #tpu.memory_space<hbm>>
      %dma_start3A_41 = tpu.memref_squeeze %dma_start3A_40 : memref<1x6272x16xf32, #tpu.memory_space<hbm>> -> memref<6272x16xf32, #tpu.memory_space<hbm>>
      %dma_start3A_42 = arith.constant 0 : i32
      %dma_start3A_43 = tpu.memref_slice %arg17[%mul3A_0, %dma_start3A_42] : memref<100352x16xf32, #tpu.memory_space<vmem_shared>> -> memref<6272x16xf32, #tpu.memory_space<vmem_shared>>
      tpu.enqueue_dma source(%dma_start3A_43 : memref<6272x16xf32, #tpu.memory_space<vmem_shared>>) target(%dma_start3A_41 : memref<6272x16xf32, #tpu.memory_space<hbm>>) target_semaphore(%run_scoped3A : memref<!tpu.dma_semaphore, #tpu.memory_space<semaphore_mem>>)
      %dma_wait3A_44 = arith.constant 0 : i32
      %dma_wait3A_45 = tpu.memref_slice %arg6[%arg0, %mul3A_0, %dma_wait3A_44] : memref<2x100352x16xf32, #tpu.memory_space<hbm>> -> memref<1x6272x16xf32, #tpu.memory_space<hbm>>
      %dma_wait3A_46 = tpu.memref_squeeze %dma_wait3A_45 : memref<1x6272x16xf32, #tpu.memory_space<hbm>> -> memref<6272x16xf32, #tpu.memory_space<hbm>>
      %dma_wait3A_47 = arith.constant 0 : i32
      %dma_wait3A_48 = tpu.memref_slice %arg17[%mul3A_0, %dma_wait3A_47] : memref<100352x16xf32, #tpu.memory_space<vmem_shared>> -> memref<6272x16xf32, #tpu.memory_space<vmem_shared>>
      tpu.wait_dma2 semaphore(%run_scoped3A : memref<!tpu.dma_semaphore, #tpu.memory_space<semaphore_mem>>) src(%dma_wait3A_48 : memref<6272x16xf32, #tpu.memory_space<vmem_shared>>) dst(%dma_wait3A_46 : memref<6272x16xf32, #tpu.memory_space<hbm>>)
      tpu.yield
    }) : () -> ()
    return
  }
}

module attributes {stable_mosaic.version = 14 : i64} {
  func.func @body(%arg0: i32, %arg1: memref<2000x4xf32, #tpu.memory_space<vmem>>, %arg2: memref<4x16xf32, #tpu.memory_space<vmem>>, %arg3: memref<2000x1xf32, #tpu.memory_space<vmem>>, %arg4: memref<2000x16xf32, #tpu.memory_space<vmem>>) attributes {dimension_semantics = [#tpu.dimension_semantics<arbitrary>], iteration_bounds = array<i64: 50>, scalar_prefetch = 0 : i64, scratch_operands = 0 : i64, tpu.core_type = #tpu.core_type<tc>, window_params = [{transform_indices = @transform_0, window_bounds = array<i64: 2000, 4>}, {pipeline_mode = #tpu.pipeline_mode<synchronous>, transform_indices = @transform_1, window_bounds = array<i64: 4, 16>}, {transform_indices = @transform_2, window_bounds = array<i64: 2000, 1>}, {transform_indices = @transform_3, window_bounds = array<i64: 2000, 16>}]} {
    %get3A = arith.constant 0 : index
    %get3A_0 = arith.constant 0 : index
    %get3A_1 = vector.load %arg1[%get3A, %get3A_0] : memref<2000x4xf32, #tpu.memory_space<vmem>>, vector<2000x4xf32>
    %get3A_2 = arith.constant 0 : index
    %get3A_3 = arith.constant 0 : index
    %get3A_4 = vector.load %arg2[%get3A_2, %get3A_3] : memref<4x16xf32, #tpu.memory_space<vmem>>, vector<4x16xf32>
    %dot_general3A = arith.constant dense<0.000000e+00> : vector<2000x16xf32>
    %dot_general3A_5 = tpu.matmul %get3A_1, %get3A_4, %dot_general3A {dimension_numbers = #tpu.dot_dimension_numbers<[1], [0], [0], [1], [0, 0, 1, 1], [], []>, transpose_lhs_hint = false} : vector<2000x4xf32>, vector<4x16xf32>, vector<2000x16xf32> -> vector<2000x16xf32>
    %get3A_6 = arith.constant 0 : index
    %get3A_7 = arith.constant 0 : index
    %get3A_8 = vector.load %arg3[%get3A_6, %get3A_7] : memref<2000x1xf32, #tpu.memory_space<vmem>>, vector<2000x1xf32>
    %mul3A = vector.broadcast %get3A_8 : vector<2000x1xf32> to vector<2000x16xf32>
    %mul3A_9 = arith.mulf %dot_general3A_5, %mul3A : vector<2000x16xf32>
    %swap3A = arith.constant 0 : index
    %swap3A_10 = arith.constant 0 : index
    %swap3A_11 = vector.load %arg4[%swap3A, %swap3A_10] : memref<2000x16xf32, #tpu.memory_space<vmem>>, vector<2000x16xf32>
    tpu.vector_store %arg4[%swap3A, %swap3A_10], %mul3A_9 {strides = array<i32>} : memref<2000x16xf32, #tpu.memory_space<vmem>>, vector<2000x16xf32>,
    return
  }
  func.func @transform_0(%arg0: i32) -> (i32, i32) {
    %c0_i32 = arith.constant 0 : i32
    %c0_i32_0 = arith.constant 0 : i32
    return %arg0, %c0_i32 : i32, i32
  }
  func.func @transform_1(%arg0: i32) -> (i32, i32) {
    %c0_i32 = arith.constant 0 : i32
    %c0_i32_0 = arith.constant 0 : i32
    %c0_i32_1 = arith.constant 0 : i32
    return %c0_i32, %c0_i32_0 : i32, i32
  }
  func.func @transform_2(%arg0: i32) -> (i32, i32) {
    %c0_i32 = arith.constant 0 : i32
    %c0_i32_0 = arith.constant 0 : i32
    return %arg0, %c0_i32 : i32, i32
  }
  func.func @transform_3(%arg0: i32) -> (i32, i32) {
    %c0_i32 = arith.constant 0 : i32
    %c0_i32_0 = arith.constant 0 : i32
    return %arg0, %c0_i32 : i32, i32
  }
}

module attributes {stable_mosaic.version = 14 : i64} {
  func.func @body(%arg0: i32, %arg1: memref<2x2000x16xf32, #tpu.memory_space<vmem>>, %arg2: memref<2000x16xf32, #tpu.memory_space<vmem>>, %arg3: memref<2000x1xf32, #tpu.memory_space<vmem>>, %arg4: memref<1x16xf32, #tpu.memory_space<vmem>>, %arg5: memref<16x32xf32, #tpu.memory_space<vmem>>, %arg6: memref<2x2000x16xf32, #tpu.memory_space<vmem>>) attributes {dimension_semantics = [#tpu.dimension_semantics<arbitrary>], iteration_bounds = array<i64: 50>, scalar_prefetch = 0 : i64, scratch_operands = 0 : i64, tpu.core_type = #tpu.core_type<tc>, window_params = [{transform_indices = @transform_0, window_bounds = array<i64: 2, 2000, 16>}, {transform_indices = @transform_1, window_bounds = array<i64: 2000, 16>}, {transform_indices = @transform_2, window_bounds = array<i64: 2000, 1>}, {pipeline_mode = #tpu.pipeline_mode<synchronous>, transform_indices = @transform_3, window_bounds = array<i64: 1, 16>}, {pipeline_mode = #tpu.pipeline_mode<synchronous>, transform_indices = @transform_4, window_bounds = array<i64: 16, 32>}, {transform_indices = @transform_5, window_bounds = array<i64: 2, 2000, 16>}]} {
    %get3A = arith.constant 0 : index
    %get3A_0 = arith.constant 0 : index
    %get3A_1 = arith.constant 0 : index
    %get3A_2 = vector.load %arg1[%get3A, %get3A_0, %get3A_1] : memref<2x2000x16xf32, #tpu.memory_space<vmem>>, vector<1x2000x16xf32>
    %get3A_3 = vector.shape_cast %get3A_2 : vector<1x2000x16xf32> to vector<2000x16xf32>
    %get3A_4 = arith.constant 1 : index
    %get3A_5 = arith.constant 0 : index
    %get3A_6 = arith.constant 0 : index
    %get3A_7 = vector.load %arg1[%get3A_4, %get3A_5, %get3A_6] : memref<2x2000x16xf32, #tpu.memory_space<vmem>>, vector<1x2000x16xf32>
    %get3A_8 = vector.shape_cast %get3A_7 : vector<1x2000x16xf32> to vector<2000x16xf32>
    %add3A = arith.addf %get3A_3, %get3A_8 : vector<2000x16xf32>
    %get3A_9 = arith.constant 0 : index
    %get3A_10 = arith.constant 0 : index
    %get3A_11 = vector.load %arg2[%get3A_9, %get3A_10] : memref<2000x16xf32, #tpu.memory_space<vmem>>, vector<2000x16xf32>
    %add3A_12 = arith.addf %add3A, %get3A_11 : vector<2000x16xf32>
    %get3A_13 = arith.constant 0 : index
    %get3A_14 = arith.constant 0 : index
    %get3A_15 = vector.load %arg3[%get3A_13, %get3A_14] : memref<2000x1xf32, #tpu.memory_space<vmem>>, vector<2000x1xf32>
    %mul3A = vector.broadcast %get3A_15 : vector<2000x1xf32> to vector<2000x16xf32>
    %mul3A_16 = arith.mulf %add3A_12, %mul3A : vector<2000x16xf32>
    %get3A_17 = arith.constant 0 : index
    %get3A_18 = arith.constant 0 : index
    %get3A_19 = vector.load %arg4[%get3A_17, %get3A_18] : memref<1x16xf32, #tpu.memory_space<vmem>>, vector<1x16xf32>
    %add3A_20 = vector.broadcast %get3A_19 : vector<1x16xf32> to vector<2000x16xf32>
    %add3A_21 = arith.addf %mul3A_16, %add3A_20 : vector<2000x16xf32>
    %max3A = arith.constant 0.000000e+00 : f32
    %max3A_22 = vector.broadcast %max3A : f32 to vector<2000x16xf32>
    %max3A_23 = arith.maximumf %add3A_21, %max3A_22 : vector<2000x16xf32>
    %get3A_24 = arith.constant 0 : index
    %get3A_25 = arith.constant 0 : index
    %get3A_26 = vector.load %arg5[%get3A_24, %get3A_25] : memref<16x32xf32, #tpu.memory_space<vmem>>, vector<16x32xf32>
    %dot_general3A = arith.constant dense<0.000000e+00> : vector<2000x32xf32>
    %dot_general3A_27 = tpu.matmul %max3A_23, %get3A_26, %dot_general3A {dimension_numbers = #tpu.dot_dimension_numbers<[1], [0], [0], [1], [0, 0, 1, 1], [], []>, transpose_lhs_hint = false} : vector<2000x16xf32>, vector<16x32xf32>, vector<2000x32xf32> -> vector<2000x32xf32>
    %get3A_28 = arith.constant 0 : index
    %get3A_29 = arith.constant 0 : index
    %get3A_30 = vector.load %arg3[%get3A_28, %get3A_29] : memref<2000x1xf32, #tpu.memory_space<vmem>>, vector<2000x1xf32>
    %mul3A_31 = vector.broadcast %get3A_30 : vector<2000x1xf32> to vector<2000x32xf32>
    %mul3A_32 = arith.mulf %dot_general3A_27, %mul3A_31 : vector<2000x32xf32>
    %slice3A = vector.extract_strided_slice %mul3A_32 {offsets = [0, 0], sizes = [2000, 16], strides = [1, 1]} : vector<2000x32xf32> to vector<2000x16xf32>
    %swap3A = arith.constant 0 : index
    %swap3A_33 = arith.constant 0 : index
    %swap3A_34 = arith.constant 0 : index
    %swap3A_35 = vector.load %arg6[%swap3A, %swap3A_33, %swap3A_34] : memref<2x2000x16xf32, #tpu.memory_space<vmem>>, vector<1x2000x16xf32>
    %swap3A_36 = vector.shape_cast %swap3A_35 : vector<1x2000x16xf32> to vector<2000x16xf32>
    %swap3A_37 = vector.shape_cast %slice3A : vector<2000x16xf32> to vector<1x2000x16xf32>
    tpu.vector_store %arg6[%swap3A, %swap3A_33, %swap3A_34], %swap3A_37 {strides = array<i32>} : memref<2x2000x16xf32, #tpu.memory_space<vmem>>, vector<1x2000x16xf32>,
    %slice3A_38 = vector.extract_strided_slice %mul3A_32 {offsets = [0, 16], sizes = [2000, 16], strides = [1, 1]} : vector<2000x32xf32> to vector<2000x16xf32>
    %swap3A_39 = arith.constant 1 : index
    %swap3A_40 = arith.constant 0 : index
    %swap3A_41 = arith.constant 0 : index
    %swap3A_42 = vector.load %arg6[%swap3A_39, %swap3A_40, %swap3A_41] : memref<2x2000x16xf32, #tpu.memory_space<vmem>>, vector<1x2000x16xf32>
    %swap3A_43 = vector.shape_cast %swap3A_42 : vector<1x2000x16xf32> to vector<2000x16xf32>
    %swap3A_44 = vector.shape_cast %slice3A_38 : vector<2000x16xf32> to vector<1x2000x16xf32>
    tpu.vector_store %arg6[%swap3A_39, %swap3A_40, %swap3A_41], %swap3A_44 {strides = array<i32>} : memref<2x2000x16xf32, #tpu.memory_space<vmem>>, vector<1x2000x16xf32>,
    return
  }
  func.func @transform_0(%arg0: i32) -> (i32, i32, i32) {
    %c0_i32 = arith.constant 0 : i32
    %c0_i32_0 = arith.constant 0 : i32
    %c0_i32_1 = arith.constant 0 : i32
    return %c0_i32, %arg0, %c0_i32_0 : i32, i32, i32
  }
  func.func @transform_1(%arg0: i32) -> (i32, i32) {
    %c0_i32 = arith.constant 0 : i32
    %c0_i32_0 = arith.constant 0 : i32
    return %arg0, %c0_i32 : i32, i32
  }
  func.func @transform_2(%arg0: i32) -> (i32, i32) {
    %c0_i32 = arith.constant 0 : i32
    %c0_i32_0 = arith.constant 0 : i32
    return %arg0, %c0_i32 : i32, i32
  }
  func.func @transform_3(%arg0: i32) -> (i32, i32) {
    %c0_i32 = arith.constant 0 : i32
    %c0_i32_0 = arith.constant 0 : i32
    %c0_i32_1 = arith.constant 0 : i32
    return %c0_i32, %c0_i32_0 : i32, i32
  }
  func.func @transform_4(%arg0: i32) -> (i32, i32) {
    %c0_i32 = arith.constant 0 : i32
    %c0_i32_0 = arith.constant 0 : i32
    %c0_i32_1 = arith.constant 0 : i32
    return %c0_i32, %c0_i32_0 : i32, i32
  }
  func.func @transform_5(%arg0: i32) -> (i32, i32, i32) {
    %c0_i32 = arith.constant 0 : i32
    %c0_i32_0 = arith.constant 0 : i32
    %c0_i32_1 = arith.constant 0 : i32
    return %c0_i32, %arg0, %c0_i32_0 : i32, i32, i32
  }
}

module attributes {stable_mosaic.version = 14 : i64} {
  func.func @body(%arg0: i32, %arg1: memref<2x2000x16xf32, #tpu.memory_space<vmem>>, %arg2: memref<2x2000x16xf32, #tpu.memory_space<vmem>>, %arg3: memref<2000x1xf32, #tpu.memory_space<vmem>>, %arg4: memref<1x32xf32, #tpu.memory_space<vmem>>, %arg5: memref<32x4xf32, #tpu.memory_space<vmem>>, %arg6: memref<1x4xf32, #tpu.memory_space<vmem>>, %arg7: memref<2000x4xf32, #tpu.memory_space<vmem>>) attributes {dimension_semantics = [#tpu.dimension_semantics<arbitrary>], iteration_bounds = array<i64: 50>, scalar_prefetch = 0 : i64, scratch_operands = 0 : i64, tpu.core_type = #tpu.core_type<tc>, window_params = [{transform_indices = @transform_0, window_bounds = array<i64: 2, 2000, 16>}, {transform_indices = @transform_1, window_bounds = array<i64: 2, 2000, 16>}, {transform_indices = @transform_2, window_bounds = array<i64: 2000, 1>}, {pipeline_mode = #tpu.pipeline_mode<synchronous>, transform_indices = @transform_3, window_bounds = array<i64: 1, 32>}, {pipeline_mode = #tpu.pipeline_mode<synchronous>, transform_indices = @transform_4, window_bounds = array<i64: 32, 4>}, {pipeline_mode = #tpu.pipeline_mode<synchronous>, transform_indices = @transform_5, window_bounds = array<i64: 1, 4>}, {transform_indices = @transform_6, window_bounds = array<i64: 2000, 4>}]} {
    %get3A = arith.constant 0 : index
    %get3A_0 = arith.constant 0 : index
    %get3A_1 = arith.constant 0 : index
    %get3A_2 = vector.load %arg1[%get3A, %get3A_0, %get3A_1] : memref<2x2000x16xf32, #tpu.memory_space<vmem>>, vector<1x2000x16xf32>
    %get3A_3 = vector.shape_cast %get3A_2 : vector<1x2000x16xf32> to vector<2000x16xf32>
    %get3A_4 = arith.constant 0 : index
    %get3A_5 = arith.constant 0 : index
    %get3A_6 = arith.constant 0 : index
    %get3A_7 = vector.load %arg2[%get3A_4, %get3A_5, %get3A_6] : memref<2x2000x16xf32, #tpu.memory_space<vmem>>, vector<1x2000x16xf32>
    %get3A_8 = vector.shape_cast %get3A_7 : vector<1x2000x16xf32> to vector<2000x16xf32>
    %add3A = arith.addf %get3A_3, %get3A_8 : vector<2000x16xf32>
    %get3A_9 = arith.constant 1 : index
    %get3A_10 = arith.constant 0 : index
    %get3A_11 = arith.constant 0 : index
    %get3A_12 = vector.load %arg1[%get3A_9, %get3A_10, %get3A_11] : memref<2x2000x16xf32, #tpu.memory_space<vmem>>, vector<1x2000x16xf32>
    %get3A_13 = vector.shape_cast %get3A_12 : vector<1x2000x16xf32> to vector<2000x16xf32>
    %get3A_14 = arith.constant 1 : index
    %get3A_15 = arith.constant 0 : index
    %get3A_16 = arith.constant 0 : index
    %get3A_17 = vector.load %arg2[%get3A_14, %get3A_15, %get3A_16] : memref<2x2000x16xf32, #tpu.memory_space<vmem>>, vector<1x2000x16xf32>
    %get3A_18 = vector.shape_cast %get3A_17 : vector<1x2000x16xf32> to vector<2000x16xf32>
    %add3A_19 = arith.addf %get3A_13, %get3A_18 : vector<2000x16xf32>
    %concatenate3A = tpu.concatenate %add3A, %add3A_19 in 1 : vector<2000x16xf32>, vector<2000x16xf32> -> vector<2000x32xf32>
    %get3A_20 = arith.constant 0 : index
    %get3A_21 = arith.constant 0 : index
    %get3A_22 = vector.load %arg3[%get3A_20, %get3A_21] : memref<2000x1xf32, #tpu.memory_space<vmem>>, vector<2000x1xf32>
    %mul3A = vector.broadcast %get3A_22 : vector<2000x1xf32> to vector<2000x32xf32>
    %mul3A_23 = arith.mulf %concatenate3A, %mul3A : vector<2000x32xf32>
    %get3A_24 = arith.constant 0 : index
    %get3A_25 = arith.constant 0 : index
    %get3A_26 = vector.load %arg4[%get3A_24, %get3A_25] : memref<1x32xf32, #tpu.memory_space<vmem>>, vector<1x32xf32>
    %add3A_27 = vector.broadcast %get3A_26 : vector<1x32xf32> to vector<2000x32xf32>
    %add3A_28 = arith.addf %mul3A_23, %add3A_27 : vector<2000x32xf32>
    %max3A = arith.constant 0.000000e+00 : f32
    %max3A_29 = vector.broadcast %max3A : f32 to vector<2000x32xf32>
    %max3A_30 = arith.maximumf %add3A_28, %max3A_29 : vector<2000x32xf32>
    %get3A_31 = arith.constant 0 : index
    %get3A_32 = arith.constant 0 : index
    %get3A_33 = vector.load %arg5[%get3A_31, %get3A_32] : memref<32x4xf32, #tpu.memory_space<vmem>>, vector<32x4xf32>
    %dot_general3A = arith.constant dense<0.000000e+00> : vector<2000x4xf32>
    %dot_general3A_34 = tpu.matmul %max3A_30, %get3A_33, %dot_general3A {dimension_numbers = #tpu.dot_dimension_numbers<[1], [0], [0], [1], [0, 0, 1, 1], [], []>, transpose_lhs_hint = false} : vector<2000x32xf32>, vector<32x4xf32>, vector<2000x4xf32> -> vector<2000x4xf32>
    %get3A_35 = arith.constant 0 : index
    %get3A_36 = arith.constant 0 : index
    %get3A_37 = vector.load %arg6[%get3A_35, %get3A_36] : memref<1x4xf32, #tpu.memory_space<vmem>>, vector<1x4xf32>
    %add3A_38 = vector.broadcast %get3A_37 : vector<1x4xf32> to vector<2000x4xf32>
    %add3A_39 = arith.addf %dot_general3A_34, %add3A_38 : vector<2000x4xf32>
    %swap3A = arith.constant 0 : index
    %swap3A_40 = arith.constant 0 : index
    %swap3A_41 = vector.load %arg7[%swap3A, %swap3A_40] : memref<2000x4xf32, #tpu.memory_space<vmem>>, vector<2000x4xf32>
    tpu.vector_store %arg7[%swap3A, %swap3A_40], %add3A_39 {strides = array<i32>} : memref<2000x4xf32, #tpu.memory_space<vmem>>, vector<2000x4xf32>,
    return
  }
  func.func @transform_0(%arg0: i32) -> (i32, i32, i32) {
    %c0_i32 = arith.constant 0 : i32
    %c0_i32_0 = arith.constant 0 : i32
    %c0_i32_1 = arith.constant 0 : i32
    return %c0_i32, %arg0, %c0_i32_0 : i32, i32, i32
  }
  func.func @transform_1(%arg0: i32) -> (i32, i32, i32) {
    %c0_i32 = arith.constant 0 : i32
    %c0_i32_0 = arith.constant 0 : i32
    %c0_i32_1 = arith.constant 0 : i32
    return %c0_i32, %arg0, %c0_i32_0 : i32, i32, i32
  }
  func.func @transform_2(%arg0: i32) -> (i32, i32) {
    %c0_i32 = arith.constant 0 : i32
    %c0_i32_0 = arith.constant 0 : i32
    return %arg0, %c0_i32 : i32, i32
  }
  func.func @transform_3(%arg0: i32) -> (i32, i32) {
    %c0_i32 = arith.constant 0 : i32
    %c0_i32_0 = arith.constant 0 : i32
    %c0_i32_1 = arith.constant 0 : i32
    return %c0_i32, %c0_i32_0 : i32, i32
  }
  func.func @transform_4(%arg0: i32) -> (i32, i32) {
    %c0_i32 = arith.constant 0 : i32
    %c0_i32_0 = arith.constant 0 : i32
    %c0_i32_1 = arith.constant 0 : i32
    return %c0_i32, %c0_i32_0 : i32, i32
  }
  func.func @transform_5(%arg0: i32) -> (i32, i32) {
    %c0_i32 = arith.constant 0 : i32
    %c0_i32_0 = arith.constant 0 : i32
    %c0_i32_1 = arith.constant 0 : i32
    return %c0_i32, %c0_i32_0 : i32, i32
  }
  func.func @transform_6(%arg0: i32) -> (i32, i32) {
    %c0_i32 = arith.constant 0 : i32
    %c0_i32_0 = arith.constant 0 : i32
    return %arg0, %c0_i32 : i32, i32
  }
}

</mosaic_0001>

<sc_bundles>
// kernel: kernel.11.cloned.1.call-start
scs
__scs_entry_jumppad:
0x0: {  	(pc) =	sbr.rel $0x88, $3  }
0x1: {  	(tag) =	ssettag $0x0;
	lr =	simm.s32 $0x1  }
0x2: {  	[smem:$0x3F99] =	sst lr;
	_ =	strace $0xD0000000  }
0x3: {  	_ = 	snop  }
0x4: {  	_ = 	snop  }
0x5: {  	_ = 	snop  }
0x6: {  	_ = 	snop  }
0x7: {  	_ = 	snop  }
__scs_overlays_trampoline_lowered:
0x8: {  	[smem:$0x3FA8] =	sst s0  }
0x9: {  	[smem:$0x3FA9] =	sst s1  }
0xa: {  	[smem:$0x3FAA] =	sst s2  }
0xb: {  	[smem:$0x3FAB] =	sst s3  }
0xc: {  	[smem:$0x3FAC] =	sst s4  }
0xd: {  	[smem:$0x3FAD] =	sst s5  }
0xe: {  	[smem:$0x3FAE] =	sst s6  }
0xf: {  	[smem:$0x3FAF] =	sst s7  }
0x10: {  	[smem:$0x3FB0] =	sst s8  }
0x11: {  	[smem:$0x3FB1] =	sst s9;
	s0 =	simm.s32 @!p0 $0x0  }
0x12: {  	s1 =	sld [smem:$0x3F97];
	s0 =	simm.s32 @p0 $0x1  }
0x13: {  	[smem:$0x3FB2] =	sst s0;
	s0 =	simm.s32 @!p1 $0x0  }
0x14: {  	s2 =	sld [smem:$0x3F96];
	s0 =	simm.s32 @p1 $0x1  }
0x15: {  	[smem:$0x3FB3] =	sst s0;
	s0 =	simm.s32 @!p2 $0x0  }
0x16: {  	s3 =	sld [smem:$0x3FDB];
	s0 =	simm.s32 @p2 $0x1  }
0x17: {  	s4 =	simm.s32 $0x1BF5;
	[smem:$0x3FB5] =	sst s0  }
0x18: {  	s0 =	sld [smem:$0x3F98];
	_ =	swait.ge [sflag:s4], $0x0  }
0x19: {  	s7 =	sld [smem:$0x3F99]  }
0x1a: {  	s8 =	sadd.s32 $0xFFFFE003, lr  }
0x1b: {  	s9 =	sadd.s32 $0xFFFFFEF7, lr;
	s5 =	simm.s32 $0xFFFFFFFF;
	p2 =	slt.u32 s8, $0xFFFFF086  }
0x1c: {  	p1 =	slt.u32 s9, $0xF7A;
	s5 =	simm.s32 @!p2 $0x0  }
0x1d: {  	s5 =	simm.s32 @p1 $0x1;
	p0 =	seq.s32 s7, s2  }
0x1e: {  	s7 =	smul.u32 @!p0 $0xF7A, s2;
	p2 =	seq.s32 @!p0 s5, $0x0  }
0x1f: {  	s9 =	smul.u32 $0xF7A, s1;
	s8 =	simm.s32 @!p0 $0x1BF5;
	p2 =	por !p2, p0  }
0x20: {  	[sflag:s8] =	ssyncset.s32 @!p0 $0xFFFFF086;
	s6 =	sadd.s32 @!p0 s3, s7;
	s7 =	simm.s32 @!p0 $0x108  }
0x21: {  	s3 =	sadd.s32 s3, s9;
	s6 =	sadd.s32 @!p0 $0x88, s6;
	s7 =	simm.s32 @p2 $0x1082  }
0x22: {  	[simem:s7], [sflag:s8] =	dma.local @!p0 [hbm:s6], $0xF7A  }
0x23: {  	s9 =	sor.u32 $0xD0000000, s2;
	s6 =	simm.s32 $0x108;
	_ =	swait.ge @!p0 [sflag:s8], $0x0  }
0x24: {  	s3 =	sadd.s32 $0x88, s3;
	s6 =	simm.s32 @!p1 $0x1082;
	[sflag:s4] =	ssyncset.s32 $0xFFFFF086  }
0x25: {  	[simem:s6], [sflag:s4] =	dma.local [hbm:s3], $0xF7A  }
0x26: {  	[smem:$0x3F99] =	sst s1;
	(tag) =	ssettag s2;
	_ =	strace s9  }
0x27: {  	s1 =	sld [smem:$0x3FA9]  }
0x28: {  	s2 =	sld [smem:$0x3FAA]  }
0x29: {  	s4 =	sld [smem:$0x3FAC]  }
0x2a: {  	p0 =	seq.s32 s5, $0x0;
	s5 =	sld [smem:$0x3FAD]  }
0x2b: {  	s6 =	sld [smem:$0x3FAE]  }
0x2c: {  	s7 =	sld [smem:$0x3FAF]  }
0x2d: {  	s3 =	simm.s32 $0x108;
	s8 =	sld [smem:$0x3FB0]  }
0x2e: {  	s3 =	simm.s32 @!p0 $0x1082;
	s9 =	sld [smem:$0x3FB1]  }
0x2f: {  	lr =	sadd.s32 s0, s3;
	s0 =	sld [smem:$0x3FA8]  }
0x30: {  	s3 =	sld [smem:$0x3FAB]  }
0x31: {  	[smem:$0x3FB4] =	sst s10  }
0x32: {  	s10 =	sld [smem:$0x3FB2];
	_ =	sdelay $0x3  }
0x33: {  	p0 =	seq.s32 s10, $0x1;
	s10 =	sld [smem:$0x3FB4];
	_ =	sdelay $0x3  }
0x34: {  	[smem:$0x3FB4] =	sst s10  }
0x35: {  	s10 =	sld [smem:$0x3FB3];
	_ =	sdelay $0x3  }
0x36: {  	p1 =	seq.s32 s10, $0x1;
	s10 =	sld [smem:$0x3FB4];
	_ =	sdelay $0x3  }
0x37: {  	[smem:$0x3FB4] =	sst s10  }
0x38: {  	s10 =	sld [smem:$0x3FB5]  }
0x39: {  	_ = 	snop;
	(pc) =	sbr.ind lr, $3  }
0x3a: {  	_ = 	snop  }
0x3b: {  	_ = 	snop  }
0x3c: {  	p2 =	seq.s32 s10, $0x1;
	s10 =	sld [smem:$0x3FB4]  }
0x3d: {  	_ =	shalt  }
0x3e: {  	_ =	shalt  }
0x3f: {  	_ =	shalt  }
0x40: {  	_ =	shalt  }
0x41: {  	_ =	shalt  }
0x42: {  	_ =	shalt  }
0x43: {  	_ =	shalt  }
0x44: {  	_ =	shalt  }
0x45: {  	_ =	shalt  }
0x46: {  	_ =	shalt  }
0x47: {  	_ =	shalt  }
0x48: {  	_ =	shalt  }
0x49: {  	_ =	shalt  }
0x4a: {  	_ =	shalt  }
0x4b: {  	_ =	shalt  }
0x4c: {  	_ =	shalt  }
0x4d: {  	_ =	shalt  }
0x4e: {  	_ =	shalt  }
0x4f: {  	_ =	shalt  }
0x50: {  	_ =	shalt  }
0x51: {  	_ =	shalt  }
0x52: {  	_ =	shalt  }
0x53: {  	_ =	shalt  }
0x54: {  	_ =	shalt  }
0x55: {  	_ =	shalt  }
0x56: {  	_ =	shalt  }
0x57: {  	_ =	shalt  }
0x58: {  	_ =	shalt  }
0x59: {  	_ =	shalt  }
0x5a: {  	_ =	shalt  }
0x5b: {  	_ =	shalt  }
0x5c: {  	_ =	shalt  }
0x5d: {  	_ =	shalt  }
0x5e: {  	_ =	shalt  }
0x5f: {  	_ =	shalt  }
0x60: {  	_ =	shalt  }
0x61: {  	_ =	shalt  }
0x62: {  	_ =	shalt  }
0x63: {  	_ =	shalt  }
0x64: {  	_ =	shalt  }
0x65: {  	_ =	shalt  }
0x66: {  	_ =	shalt  }
0x67: {  	_ =	shalt  }
0x68: {  	_ =	shalt  }
0x69: {  	_ =	shalt  }
0x6a: {  	_ =	shalt  }
0x6b: {  	_ =	shalt  }
0x6c: {  	_ =	shalt  }
0x6d: {  	_ =	shalt  }
0x6e: {  	_ =	shalt  }
0x6f: {  	_ =	shalt  }
0x70: {  	_ =	shalt  }
0x71: {  	_ =	shalt  }
0x72: {  	_ =	shalt  }
0x73: {  	_ =	shalt  }
0x74: {  	_ =	shalt  }
0x75: {  	_ =	shalt  }
0x76: {  	_ =	shalt  }
0x77: {  	_ =	shalt  }
0x78: {  	_ =	shalt  }
0x79: {  	_ =	shalt  }
0x7a: {  	_ =	shalt  }
0x7b: {  	_ =	shalt  }
0x7c: {  	_ =	shalt  }
0x7d: {  	_ =	shalt  }
0x7e: {  	_ =	shalt  }
0x7f: {  	_ =	shalt  }
0x80: {  	_ =	shalt  }
0x81: {  	_ =	shalt  }
0x82: {  	_ =	shalt  }
0x83: {  	_ =	shalt  }
0x84: {  	_ =	shalt  }
0x85: {  	_ =	shalt  }
0x86: {  	_ =	shalt  }
0x87: {  	_ =	shalt  }
.Lfunc_end0:
.L_simem_size_0:
called_computation.1_lowered:
.L_overlay_start_0:
0x88: {  	s2 =	sld [smem:$0x3FD9]  }
0x89: {  	s3 =	sld [smem:$0x3FFE];
	_ =	sdelay $0x1  }
0x8a: {  	s1 =	srdreg.scid  }
0x8b: {  	s0 =	sand.u32 $0x1, s1  }
0x8c: {  	s17 =	sshll.u32 s0, $0xA;
	s2 =	sadd.s32 s3, s2  }
0x8d: {  	s2 =	sadd.s32 s2, s17  }
0x8e: {  	[smem:$0x3FC0] =	sst s2  }
0x8f: {  	_ = 	snop  }
0x90: {  	s2 =	sld [smem:$0x3FD0];
	(tm) =	ssettm $0x1  }
0x91: {  	s18 =	sld [smem:$0x3FFB];
	_ =	sdelay $0x3  }
0x92: {  	_ =	strace s18  }
0x93: {  	s3 =	sld [smem:$0x3FFC];
	_ =	sdelay $0x3  }
0x94: {  	_ =	strace s3  }
0x95: {  	s3 =	sld [smem:$0x3FFD];
	_ =	sdelay $0x3  }
0x96: {  	_ =	strace s3  }
0x97: {  	_ =	strace $0x8FFFFFFF  }
0x98: {  	s19 =	sld [smem:$0x3FDB];
	_ =	sdelay $0x1  }
0x99: {  	s4 =	simm.s32 $_scs_section_size  }
0x9a: {  	s5 =	simm.s32 $_size__tile_overlayer_lowered;
	s6 =	simm.s32 $_tile_overlayer_lowered  }
0x9b: {  	s22 =	simm.s32 $0x1BFF;
	s21 =	sshll.u32 s6, $0x1;
	s3 =	sadd.s32 s4, s19  }
0x9c: {  	s7 =	simm.s32 $0x0;
	s20 =	sshll.u32 s5, $0x1;
	s5 =	sadd.s32 s21, s3  }
0x9d: {  	[timem:s7], [sflag:s22] =	dma.local [hbm:s5], s20  }
0x9e: {  	_ =	swait.ge [sflag:s22], s20  }
0x9f: {  	s4 =	ssub.s32 $0x0, s20;
	[sflag:s22] =	ssyncset.done $0x0  }
0xa0: {  	[sflag:s22] =	ssyncadd.s32 s4;
	_ =	sdelay $0x1  }
0xa1: {  	s23 =	simm.s32 $0x1B8B  }
0xa2: {  	_ =	swait.ge [sflag:s23], $0x1  }
0xa3: {  	[sflag:s23] =	ssyncset.done $0x0  }
0xa4: {  	s25 =	simm.s32 $0x1B8E;
	s24 =	sld [smem:$0x3FFE];
	[sflag:s23] =	ssyncadd.s32 $0xFFFFFFFF  }
0xa5: {  	s26 =	simm.s32 $execute0_lowered;
	[smem:$0x3FD2] =	sst s25  }
0xa6: {  	s5 =	sshll.u32 s26, $0x1;
	_ =	strace $0x80000049;
	[dreg:$0x1] =	wrdreg $0xFFFFFFFF  }
0xa7: {  	s28 =	simm.s32 $_size_execute0_lowered;
	s3 =	sadd.s32 s3, s5;
	[dreg:$0x0] =	wrdreg $0x0  }
0xa8: {  	s5 =	sshll.u32 s28, $0x1;
	[dreg:$0x2] =	wrdreg s3  }
0xa9: {  	[dreg:$0x3] =	wrdreg s5  }
0xaa: {  	[dreg:$0x4] =	wrdreg $0xC0  }
0xab: {  	_ =	task [dreg:s7], $0x5FFFF  }
0xac: {  	[dreg:$0x1] =	wrdreg $0xFFFFFFFF  }
0xad: {  	[dreg:$0x0] =	wrdreg $0x60  }
0xae: {  	[dreg:$0x2] =	wrdreg s24  }
0xaf: {  	[dreg:$0x3] =	wrdreg s2  }
0xb0: {  	[dreg:$0x4] =	wrdreg $0x3E800  }
0xb1: {  	[dreg:$0x5] =	wrdreg $0x9  }
0xb2: {  	_ =	task.clear_ibuf [dreg:s7], $0x6FFFF;
	_ =	strace $0x90000049  }
0xb3: {  	s29 =	simm.s32 $0x9;
	_ =	strace $0x8000004B  }
0xb4: {  	_ =	swait.ge [sflag:s29], $0x1  }
0xb5: {  	[sflag:s29] =	ssyncadd.s32 $0xFFFFFFFF  }
0xb6: {  	_ =	strace $0x9000004B  }
0xb7: {  	_ =	sfence  }
0xb8: {  	s30 =	sld [smem:$0x0];
	_ =	sdelay $0x2  }
0xb9: {  	s31 =	sshll.u32 s1, $0xD;
	s1 =	sshrl.u32 s1, $0x2  }
0xba: {  	s3 =	sand.u32 $0x4000, s31;
	s1 =	sadd.s32 s1, s30  }
0xbb: {  	s0 =	sor.u32 s3, s0;
	s1 =	sshll.u32 s1, $0x11  }
0xbc: {  	s0 =	sor.u32 s1, s0  }
0xbd: {  	s0 =	sadd.s32 $0x8F2B, s0  }
0xbe: {  	[sflag:s0] =	ssyncadd.remote.s32 $0x1  }
0xbf: {  	_ =	sfence.sel $0xFFFF  }
0xc0: {  	[dreg:$0x0] =	wrdreg $0xFFFFFFFF;
	(pc) =	sbr.abs _section_cstart, $3  }
0xc1: {  	[dreg:$0x1] =	wrdreg $0xFFFFFFFF  }
0xc2: {  	_ =	task.clear_ibuf [dreg:s7], $0x2FFFF;
	_ =	strace $0x9FFFFFFF  }
0xc3: {  	(tm) =	ssettm $0x7FFFFFFF  }
tec
execute0_lowered:
.L_overlay_start_1:
0x0: {  	(tag) =	ssettag $0x1  }
0x1: {  	s0 =	rddreg [dreg:$0x0]  }
0x2: {  	s2 =	rddreg [dreg:$0x2];
	s4 =	simm.s32 $0x0;
	s5 =	srdreg.scid  }
0x3: {  	s1 =	stileid.u32;
	s17 =	simm.s32 $0x640;
	s18 =	simm.s32 $0x1  }
0x4: {  	s19 =	simm.s32 $0x190;
	s20 =	simm.s32 $0x7D0;
	s21 =	simm.s32 $0xC80  }
0x5: {  	s22 =	simm.s32 $0x2;
	s23 =	simm.s32 $0x2580;
	s24 =	simm.s32 $0x3  }
0x6: {  	s25 =	simm.s32 $0x320;
	s28 =	simm.s32 $0x0;
	[smem:$0x7FF] =	sst s4  }
0x7: {  	s6 =	sand.u32 $0x1, s5;
	s7 =	smul.u32 $0x18800, s1;
	s14 =	sadd.s32 $0xC5200, s0  }
0x8: {  	s9 =	sshll.u32 s1, $0x1;
	s13 =	sadd.s32 $0x1C00, s0;
	s26 =	smul.u32 $0x61A80, s1  }
0x9: {  	s5 =	sadd.s32 $0x188800, s0;
	s29 =	sshll.u32 s1, $0x6;
	s8 =	smul.u32 $0x188000, s6  }
0xa: {  	_ =	strace $0x8000004A;
	s9 =	sor.u32 s6, s9;
	s16 =	smul.u32 $0x30D40, s6  }
0xb: {  	s10 =	ssub.s32 $0x2, s6;
	s6 =	sor.u32 $0x1C04, s29;
	s11 =	smul.u32 $0x61A8, s9  }
0xc: {  	s12 =	sshrl.u32 s10, $0x1;
	s9 =	smul.u32 $0x30D40, s9;
	s15 =	sadd.s32 s7, s2  }
0xd: {  	s8 =	sadd.s32 s7, s8;
	s12 =	ssub.s32 s10, s12;
	s16 =	sadd.s32 s16, s26  }
0xe: {  	s15 =	sshrl.u32 s15, $0x3;
	s26 =	simm.s32 $0xAF0;
	s8 =	sshrl.u32 s8, $0x3  }
.Ltmp0:
0xf: {  	s7 =	sadd.s32 s14, s11;
	s9 =	sshrl.u32 s9, $0x3;
	(pc) =	sbr.rel .LBB2_1-.Ltmp0, $4  }
0x10: {  	s16 =	sadd.s32 $0x320, s16;
	s12 =	smax.u32 s12, $0x1;
	s0 =	sadd.s32 s8, s0  }
0x11: {  	s8 =	sadd.s32 s13, s11;
	s30 =	sadd.s32 $0x32, s9;
	s31 =	sshrl.u32 s16, $0x3  }
0x12: {  	s16 =	simm.s32 $0x4;
	s9 =	sadd.s32 s14, s30;
	s10 =	sadd.s32 s13, s30  }
0x13: {  	s11 =	sadd.s32 $0x1B9600, s0;
	s13 =	sadd.s32 s31, s13;
	s14 =	sadd.s32 s31, s14  }
.LBB2_14:
0x14: {  	s28 =	sadd.s32 $0x1, s28  }
0x15: {  	p0 =	sne.s32 s28, s12  }
.Ltmp1:
0x16: {  	[bflag:$0x0] =	sbarrier.arrive $0xFFFF;
	(pc) =	sbr.rel @!p0 .LBB2_15-.Ltmp1, $4  }
0x17: {  	[hbm:s11], [sflag:s6] =	dma.local [spmem:s15], $0x3100  }
0x18: {  	_ =	swait.ge [sflag:s16], $0x3100  }
0x19: {  	[sflag:s16] =	ssyncset.done $0x0  }
0x1a: {  	[sflag:s16] =	ssyncadd.s32 $0xFFFFCF00  }
.LBB2_1:
0x1b: {  	s0 =	rddreg [dreg:$0x1]  }
0x1c: {  	[spmem:s15], [sflag:s6] =	dma.local [hbm:s0], $0x3100  }
0x1d: {  	_ =	swait.ge [sflag:s16], $0x3100  }
0x1e: {  	[sflag:s16] =	ssyncset.done $0x0  }
0x1f: {  	[sflag:s16] =	ssyncadd.s32 $0xFFFFCF00  }
0x20: {  	[bflag:$0x0] =	sbarrier.arrive $0xFFFF  }
0x21: {  	[tilespmem:s4], [sflag:$0x1] =	stream.linear.gather [hbm4b:s7+s4], $0x190, $0x38;
	[tilespmem:$0x1C680] =	vst v63  }
0x22: {  	_ = 	snop  }
0x23: {  	[tilespmem:s17], [sflag:$0x1] =	stream.linear.gather [hbm4b:s8+s4], $0x190, $0x38;
	[tilespmem:$0x1C680] =	vst v63  }
0x24: {  	_ =	swait.ge [sflag:s18], $0x190  }
0x25: {  	[sflag:s18] =	ssyncset.done $0x0  }
0x26: {  	[sflag:s18] =	ssyncadd.s32 $0xFFFFFE70  }
0x27: {  	_ =	swait.ge [sflag:s18], $0x190  }
0x28: {  	[sflag:s18] =	ssyncset.done $0x0  }
0x29: {  	[sflag:s18] =	ssyncadd.s32 $0xFFFFFE70  }
0x2a: {  	[tilespmem:s19], [sflag:$0x1] =	stream.linear.gather [hbm4b:s9+s4], $0x190, $0x38;
	[tilespmem:$0x1C680] =	vst v63  }
.Ltmp2:
0x2b: {  	_ = 	snop;
	(pc) =	sbr.rel .LBB2_2-.Ltmp2, $4  }
0x2c: {  	_ = 	snop  }
0x2d: {  	[tilespmem:s20], [sflag:$0x1] =	stream.linear.gather [hbm4b:s10+s4], $0x190, $0x38;
	[tilespmem:$0x1C680] =	vst v63  }
0x2e: {  	s29 =	smov.u32 s14;
	s30 =	smov.u32 s13;
	s31 =	simm.s32 $0x0  }
0x2f: {  	[tilespmem:s21], [sflag:$0x2] =	stream.indirect.gather [hbm4b:s5+s19], $0x10, s4, s19, $0xb8;
	[tilespmem:$0x1C680] =	vst v63  }
.LBB2_7:
0x30: {  	_ =	swait.ge [sflag:s22], $0x1900  }
0x31: {  	[sflag:s22] =	ssyncset.done $0x0  }
0x32: {  	[sflag:s22] =	ssyncadd.s32 $0xFFFFE700  }
0x33: {  	[spmem:s2] =	stream.indirect.scatter.add.f32 [tilespmem:s23], [sflag:$0x3], $0x10, s20, s19, $0xb8;
	[tilespmem:$0x1C680] =	vst v63  }
0x34: {  	_ =	swait.ge [sflag:s24], $0x1900  }
0x35: {  	[sflag:s24] =	ssyncset.done $0x0  }
0x36: {  	[sflag:s24] =	ssyncadd.s32 $0xFFFFE700  }
.LBB2_11:
0x37: {  	_ =	swait.ge [sflag:s22], $0x1900  }
0x38: {  	[sflag:s22] =	ssyncset.done $0x0  }
0x39: {  	[sflag:s22] =	ssyncadd.s32 $0xFFFFE700  }
0x3a: {  	[spmem:s2] =	stream.indirect.scatter.add.f32 [tilespmem:s23], [sflag:$0x3], $0x10, s26, s19, $0xb8;
	[tilespmem:$0x1C680] =	vst v63  }
.LBB2_13:
0x3b: {  	s31 =	sadd.s32 $0x1, s31  }
0x3c: {  	p0 =	sne.s32 s31, $0x1F4  }
.Ltmp3:
0x3d: {  	_ = 	snop;
	(pc) =	sbr.rel @!p0 .LBB2_14-.Ltmp3, $4  }
0x3e: {  	_ = 	snop  }
0x3f: {  	_ =	swait.ge [sflag:s24], $0x1900  }
0x40: {  	[sflag:s24] =	ssyncset.done $0x0  }
0x41: {  	s30 =	sadd.s32 $0x32, s30;
	s29 =	sadd.s32 $0x32, s29;
	[sflag:s24] =	ssyncadd.s32 $0xFFFFE700  }
.LBB2_2:
0x42: {  	s0 =	sand.u32 $0x3, s31  }
0x43: {  	p0 =	sgt.s32 s0, $0x1  }
.Ltmp4:
0x44: {  	_ = 	snop;
	(pc) =	sbr.rel @p0 .LBB2_9-.Ltmp4, $1  }
0x45: {  	_ =	sdelay $0x3  }
0x46: {  	p0 =	seq.s32 s0, $0x0  }
.Ltmp5:
0x47: {  	_ = 	snop;
	(pc) =	sbr.rel @!p0 .LBB2_5-.Ltmp5, $1  }
0x48: {  	_ =	sdelay $0x3  }
0x49: {  	p0 =	sne.s32 s31, $0x1F3  }
0x4a: {  	s0 =	simm.s32 @p0 $0x1  }
0x4b: {  	_ =	swait.ge @p0 [sflag:s0], $0x190  }
0x4c: {  	[sflag:s0] =	ssyncset.done @p0 $0x0  }
0x4d: {  	[sflag:s0] =	ssyncadd.s32 @p0 $0xFFFFFE70  }
0x4e: {  	_ =	swait.ge @p0 [sflag:s0], $0x190  }
0x4f: {  	[sflag:s0] =	ssyncset.done @p0 $0x0  }
0x50: {  	[sflag:s0] =	ssyncadd.s32 @p0 $0xFFFFFE70;
	s0 =	simm.s32 @p0 $0x2  }
0x51: {  	_ =	swait.ge @p0 [sflag:s0], $0x1900  }
0x52: {  	s3 =	simm.s32 @p0 $0x640;
	s1 =	simm.s32 @p0 $0xC80;
	[sflag:s0] =	ssyncset.done @p0 $0x0  }
0x53: {  	p1 =	sgt.u32 @p0 s31, $0x1F1;
	[sflag:s0] =	ssyncadd.s32 @p0 $0xFFFFE700;
	s0 =	simm.s32 @p0 $0x190  }
0x54: {  	[spmem:s2] =	stream.indirect.scatter.add.f32 @p0 [tilespmem:s1], [sflag:$0x3], $0x10, s3, s0, $0xb8;
	[tilespmem:$0x1C680] =	vst v63  }
0x55: {  	p1 =	por p1, !p0;
	s1 =	simm.s32 @p0 $0x2580  }
0x56: {  	[tilespmem:s1], [sflag:$0x2] =	stream.indirect.gather @p0 [hbm4b:s5+s0], $0x10, s0, s0, $0xb8;
	[tilespmem:$0x1C680] =	vst v63  }
0x57: {  	s0 =	simm.s32 @!p1 $0x0;
	s1 =	simm.s32 @!p1 $0x320  }
0x58: {  	[tilespmem:s1], [sflag:$0x1] =	stream.linear.gather @!p1 [hbm4b:s29+s0], $0x190, $0x38;
	[tilespmem:$0x1C680] =	vst v63  }
0x59: {  	s1 =	simm.s32 @!p1 $0x960  }
0x5a: {  	[tilespmem:s1], [sflag:$0x1] =	stream.linear.gather @!p1 [hbm4b:s30+s0], $0x190, $0x38;
	[tilespmem:$0x1C680] =	vst v63  }
.Ltmp6:
0x5b: {  	s0 =	simm.s32 @!p0 $0x2;
	(pc) =	sbr.rel .LBB2_13-.Ltmp6, $4  }
0x5c: {  	_ =	swait.ge @!p0 [sflag:s0], $0x1900  }
0x5d: {  	s3 =	simm.s32 @!p0 $0xC80;
	[sflag:s0] =	ssyncset.done @!p0 $0x0  }
0x5e: {  	s1 =	simm.s32 @!p0 $0x640;
	[sflag:s0] =	ssyncadd.s32 @!p0 $0xFFFFE700;
	s0 =	simm.s32 @!p0 $0x190  }
0x5f: {  	[spmem:s2] =	stream.indirect.scatter.add.f32 @!p0 [tilespmem:s3], [sflag:$0x3], $0x10, s1, s0, $0xb8;
	[tilespmem:$0x1C680] =	vst v63  }
.LBB2_9:
0x60: {  	p1 =	seq.s32 s0, $0x2  }
.Ltmp7:
0x61: {  	_ = 	snop;
	(pc) =	sbr.rel @!p1 .LBB2_10-.Ltmp7, $2  }
0x62: {  	_ =	sdelay $0x2  }
0x63: {  	p0 =	sne.s32 s31, $0x1F3  }
0x64: {  	s0 =	simm.s32 @p0 $0x1  }
0x65: {  	_ =	swait.ge @p0 [sflag:s0], $0x190  }
0x66: {  	[sflag:s0] =	ssyncset.done @p0 $0x0  }
0x67: {  	[sflag:s0] =	ssyncadd.s32 @p0 $0xFFFFFE70  }
0x68: {  	_ =	swait.ge @p0 [sflag:s0], $0x190  }
0x69: {  	[sflag:s0] =	ssyncset.done @p0 $0x0  }
0x6a: {  	[sflag:s0] =	ssyncadd.s32 @p0 $0xFFFFFE70;
	s0 =	simm.s32 @p0 $0x2  }
0x6b: {  	_ =	swait.ge @p0 [sflag:s0], $0x1900  }
0x6c: {  	s1 =	simm.s32 @p0 $0x960;
	s3 =	simm.s32 @p0 $0xC80;
	[sflag:s0] =	ssyncset.done @p0 $0x0  }
0x6d: {  	p1 =	sgt.u32 @p0 s31, $0x1F1;
	[sflag:s0] =	ssyncadd.s32 @p0 $0xFFFFE700;
	s0 =	simm.s32 @p0 $0x190  }
0x6e: {  	[spmem:s2] =	stream.indirect.scatter.add.f32 @p0 [tilespmem:s3], [sflag:$0x3], $0x10, s1, s0, $0xb8;
	[tilespmem:$0x1C680] =	vst v63  }
0x6f: {  	p1 =	por p1, !p0;
	s1 =	simm.s32 @p0 $0x4B0;
	s3 =	simm.s32 @p0 $0x2580  }
0x70: {  	[tilespmem:s3], [sflag:$0x2] =	stream.indirect.gather @p0 [hbm4b:s5+s0], $0x10, s1, s0, $0xb8;
	[tilespmem:$0x1C680] =	vst v63  }
0x71: {  	s0 =	simm.s32 @!p1 $0x0  }
0x72: {  	[tilespmem:s0], [sflag:$0x1] =	stream.linear.gather @!p1 [hbm4b:s29+s0], $0x190, $0x38;
	[tilespmem:$0x1C680] =	vst v63  }
0x73: {  	s1 =	simm.s32 @!p1 $0x640  }
0x74: {  	[tilespmem:s1], [sflag:$0x1] =	stream.linear.gather @!p1 [hbm4b:s30+s0], $0x190, $0x38;
	[tilespmem:$0x1C680] =	vst v63  }
.Ltmp8:
0x75: {  	s0 =	simm.s32 @!p0 $0x2;
	(pc) =	sbr.rel .LBB2_13-.Ltmp8, $4  }
0x76: {  	_ =	swait.ge @!p0 [sflag:s0], $0x1900  }
0x77: {  	s3 =	simm.s32 @!p0 $0xC80;
	[sflag:s0] =	ssyncset.done @!p0 $0x0  }
0x78: {  	s1 =	simm.s32 @!p0 $0x960;
	[sflag:s0] =	ssyncadd.s32 @!p0 $0xFFFFE700;
	s0 =	simm.s32 @!p0 $0x190  }
0x79: {  	[spmem:s2] =	stream.indirect.scatter.add.f32 @!p0 [tilespmem:s3], [sflag:$0x3], $0x10, s1, s0, $0xb8;
	[tilespmem:$0x1C680] =	vst v63  }
.LBB2_5:
0x7a: {  	p0 =	seq.s32 s31, $0x1F3  }
.Ltmp9:
0x7b: {  	_ = 	snop;
	(pc) =	sbr.rel @p0 .LBB2_7-.Ltmp9, $1  }
0x7c: {  	_ =	sdelay $0x3  }
0x7d: {  	_ =	swait.ge [sflag:s18], $0x190  }
0x7e: {  	[sflag:s18] =	ssyncset.done $0x0  }
0x7f: {  	[sflag:s18] =	ssyncadd.s32 $0xFFFFFE70  }
0x80: {  	_ =	swait.ge [sflag:s18], $0x190  }
0x81: {  	[sflag:s18] =	ssyncset.done $0x0  }
0x82: {  	[sflag:s18] =	ssyncadd.s32 $0xFFFFFE70  }
0x83: {  	_ =	swait.ge [sflag:s22], $0x1900  }
0x84: {  	[sflag:s22] =	ssyncset.done $0x0  }
0x85: {  	[sflag:s22] =	ssyncadd.s32 $0xFFFFE700  }
0x86: {  	[spmem:s2] =	stream.indirect.scatter.add.f32 [tilespmem:s23], [sflag:$0x3], $0x10, s20, s19, $0xb8;
	[tilespmem:$0x1C680] =	vst v63  }
0x87: {  	_ = 	snop  }
0x88: {  	[tilespmem:s21], [sflag:$0x2] =	stream.indirect.gather [hbm4b:s5+s19], $0x10, s25, s19, $0xb8;
	[tilespmem:$0x1C680] =	vst v63  }
.Ltmp10:
0x89: {  	p0 =	sgt.u32 s31, $0x1F1;
	(pc) =	sbr.rel .LBB2_13-.Ltmp10, $4  }
0x8a: {  	s0 =	simm.s32 @!p0 $0x0;
	s1 =	simm.s32 @!p0 $0x4B0  }
0x8b: {  	[tilespmem:s1], [sflag:$0x1] =	stream.linear.gather @!p0 [hbm4b:s29+s0], $0x190, $0x38;
	[tilespmem:$0x1C680] =	vst v63  }
0x8c: {  	s1 =	simm.s32 @!p0 $0xAF0  }
0x8d: {  	[tilespmem:s1], [sflag:$0x1] =	stream.linear.gather @!p0 [hbm4b:s30+s0], $0x190, $0x38;
	[tilespmem:$0x1C680] =	vst v63  }
.LBB2_10:
.Ltmp11:
0x8e: {  	(pc) =	sbr.rel @!p0 .LBB2_11-.Ltmp11, $1  }
0x8f: {  	_ =	sdelay $0x3  }
0x90: {  	_ =	swait.ge [sflag:s18], $0x190  }
0x91: {  	[sflag:s18] =	ssyncset.done $0x0  }
0x92: {  	[sflag:s18] =	ssyncadd.s32 $0xFFFFFE70  }
0x93: {  	_ =	swait.ge [sflag:s18], $0x190  }
0x94: {  	[sflag:s18] =	ssyncset.done $0x0  }
0x95: {  	[sflag:s18] =	ssyncadd.s32 $0xFFFFFE70  }
0x96: {  	_ =	swait.ge [sflag:s22], $0x1900  }
0x97: {  	[sflag:s22] =	ssyncset.done $0x0  }
0x98: {  	[sflag:s22] =	ssyncadd.s32 $0xFFFFE700  }
0x99: {  	[spmem:s2] =	stream.indirect.scatter.add.f32 [tilespmem:s23], [sflag:$0x3], $0x10, s26, s19, $0xb8;
	[tilespmem:$0x1C680] =	vst v63  }
0x9a: {  	_ = 	snop  }
0x9b: {  	[tilespmem:s21], [sflag:$0x2] =	stream.indirect.gather [hbm4b:s5+s19], $0x10, s4, s19, $0xb8;
	[tilespmem:$0x1C680] =	vst v63  }
.Ltmp12:
0x9c: {  	p0 =	sgt.u32 s31, $0x1F1;
	(pc) =	sbr.rel .LBB2_13-.Ltmp12, $4  }
0x9d: {  	s0 =	simm.s32 @!p0 $0x0;
	s1 =	simm.s32 @!p0 $0x190  }
0x9e: {  	[tilespmem:s1], [sflag:$0x1] =	stream.linear.gather @!p0 [hbm4b:s29+s0], $0x190, $0x38;
	[tilespmem:$0x1C680] =	vst v63  }
0x9f: {  	s1 =	simm.s32 @!p0 $0x7D0  }
0xa0: {  	[tilespmem:s1], [sflag:$0x1] =	stream.linear.gather @!p0 [hbm4b:s30+s0], $0x190, $0x38;
	[tilespmem:$0x1C680] =	vst v63  }
.LBB2_15:
0xa1: {  	_ =	sfence.sel $0x180000  }
0xa2: {  	[bflag:$0x0] =	sbarrier.arrive $0xFFFF  }
0xa3: {  	_ =	strace $0x9000004A  }
0xa4: {  	s0 =	stileid.u32;
	[bflag:$0x2] =	sbarrier.arrive $0xFFFF  }
0xa5: {  	p0 =	sne.s32 s0, $0x0;
	s0 =	rddreg [dreg:$0x3]  }
0xa6: {  	s0 =	sadd.s32 @!p0 $0x100000, s0  }
0xa7: {  	[sflag:s0] =	ssyncadd.tile.s32 @!p0 $0x1;
	_ =	shalt  }
.Lfunc_end2:
_tile_overlayer_lowered:
.L_overlay_start_2:
0xa8: {  	(tag) =	ssettag $0x2  }
0xa9: {  	s0 =	rddreg [dreg:$0x0];
	s2 =	stileid.u32  }
0xaa: {  	s1 =	rddreg [dreg:$0x1];
	p0 =	sne.s32 s2, $0x0  }
0xab: {  	s3 =	rddreg [dreg:$0x2];
	[bflag:$0x3] =	sbarrier.arrive $0xFFFF;
	s2 =	simm.s32 @!p0 $0x1C04  }
0xac: {  	[timem:s3], [sflag:s2] =	dma.local @!p0 [hbm:s0], s1  }
0xad: {  	s0 =	simm.s32 @!p0 $0x4  }
0xae: {  	_ =	swait.ge @!p0 [sflag:s0], s1  }
0xaf: {  	s1 =	ssub.s32 @!p0 $0x0, s1;
	[sflag:s0] =	ssyncset.done @!p0 $0x0  }
0xb0: {  	[sflag:s0] =	ssyncadd.s32 @!p0 s1  }
0xb1: {  	[bflag:$0x3] =	sbarrier.arrive $0xFFFF  }
0xb2: {  	_ =	shalt  }

// kernel: kernel.14.cloned.1.call-start
scs
__scs_entry_jumppad:
0x0: {  	(pc) =	sbr.rel $0x88, $3  }
0x1: {  	(tag) =	ssettag $0x0;
	lr =	simm.s32 $0x1  }
0x2: {  	[smem:$0x3F99] =	sst lr;
	_ =	strace $0xD0000000  }
0x3: {  	_ = 	snop  }
0x4: {  	_ = 	snop  }
0x5: {  	_ = 	snop  }
0x6: {  	_ = 	snop  }
0x7: {  	_ = 	snop  }
__scs_overlays_trampoline_lowered:
0x8: {  	[smem:$0x3FA8] =	sst s0  }
0x9: {  	[smem:$0x3FA9] =	sst s1  }
0xa: {  	[smem:$0x3FAA] =	sst s2  }
0xb: {  	[smem:$0x3FAB] =	sst s3  }
0xc: {  	[smem:$0x3FAC] =	sst s4  }
0xd: {  	[smem:$0x3FAD] =	sst s5  }
0xe: {  	[smem:$0x3FAE] =	sst s6  }
0xf: {  	[smem:$0x3FAF] =	sst s7  }
0x10: {  	[smem:$0x3FB0] =	sst s8  }
0x11: {  	[smem:$0x3FB1] =	sst s9;
	s0 =	simm.s32 @!p0 $0x0  }
0x12: {  	s1 =	sld [smem:$0x3F97];
	s0 =	simm.s32 @p0 $0x1  }
0x13: {  	[smem:$0x3FB2] =	sst s0;
	s0 =	simm.s32 @!p1 $0x0  }
0x14: {  	s2 =	sld [smem:$0x3F96];
	s0 =	simm.s32 @p1 $0x1  }
0x15: {  	[smem:$0x3FB3] =	sst s0;
	s0 =	simm.s32 @!p2 $0x0  }
0x16: {  	s3 =	sld [smem:$0x3FDB];
	s0 =	simm.s32 @p2 $0x1  }
0x17: {  	s4 =	simm.s32 $0x1BF5;
	[smem:$0x3FB5] =	sst s0  }
0x18: {  	s0 =	sld [smem:$0x3F98];
	_ =	swait.ge [sflag:s4], $0x0  }
0x19: {  	s7 =	sld [smem:$0x3F99]  }
0x1a: {  	s8 =	sadd.s32 $0xFFFFE003, lr  }
0x1b: {  	s9 =	sadd.s32 $0xFFFFFEF7, lr;
	s5 =	simm.s32 $0xFFFFFFFF;
	p2 =	slt.u32 s8, $0xFFFFF086  }
0x1c: {  	p1 =	slt.u32 s9, $0xF7A;
	s5 =	simm.s32 @!p2 $0x0  }
0x1d: {  	s5 =	simm.s32 @p1 $0x1;
	p0 =	seq.s32 s7, s2  }
0x1e: {  	s7 =	smul.u32 @!p0 $0xF7A, s2;
	p2 =	seq.s32 @!p0 s5, $0x0  }
0x1f: {  	s9 =	smul.u32 $0xF7A, s1;
	s8 =	simm.s32 @!p0 $0x1BF5;
	p2 =	por !p2, p0  }
0x20: {  	[sflag:s8] =	ssyncset.s32 @!p0 $0xFFFFF086;
	s6 =	sadd.s32 @!p0 s3, s7;
	s7 =	simm.s32 @!p0 $0x108  }
0x21: {  	s3 =	sadd.s32 s3, s9;
	s6 =	sadd.s32 @!p0 $0x88, s6;
	s7 =	simm.s32 @p2 $0x1082  }
0x22: {  	[simem:s7], [sflag:s8] =	dma.local @!p0 [hbm:s6], $0xF7A  }
0x23: {  	s9 =	sor.u32 $0xD0000000, s2;
	s6 =	simm.s32 $0x108;
	_ =	swait.ge @!p0 [sflag:s8], $0x0  }
0x24: {  	s3 =	sadd.s32 $0x88, s3;
	s6 =	simm.s32 @!p1 $0x1082;
	[sflag:s4] =	ssyncset.s32 $0xFFFFF086  }
0x25: {  	[simem:s6], [sflag:s4] =	dma.local [hbm:s3], $0xF7A  }
0x26: {  	[smem:$0x3F99] =	sst s1;
	(tag) =	ssettag s2;
	_ =	strace s9  }
0x27: {  	s1 =	sld [smem:$0x3FA9]  }
0x28: {  	s2 =	sld [smem:$0x3FAA]  }
0x29: {  	s4 =	sld [smem:$0x3FAC]  }
0x2a: {  	p0 =	seq.s32 s5, $0x0;
	s5 =	sld [smem:$0x3FAD]  }
0x2b: {  	s6 =	sld [smem:$0x3FAE]  }
0x2c: {  	s7 =	sld [smem:$0x3FAF]  }
0x2d: {  	s3 =	simm.s32 $0x108;
	s8 =	sld [smem:$0x3FB0]  }
0x2e: {  	s3 =	simm.s32 @!p0 $0x1082;
	s9 =	sld [smem:$0x3FB1]  }
0x2f: {  	lr =	sadd.s32 s0, s3;
	s0 =	sld [smem:$0x3FA8]  }
0x30: {  	s3 =	sld [smem:$0x3FAB]  }
0x31: {  	[smem:$0x3FB4] =	sst s10  }
0x32: {  	s10 =	sld [smem:$0x3FB2];
	_ =	sdelay $0x3  }
0x33: {  	p0 =	seq.s32 s10, $0x1;
	s10 =	sld [smem:$0x3FB4];
	_ =	sdelay $0x3  }
0x34: {  	[smem:$0x3FB4] =	sst s10  }
0x35: {  	s10 =	sld [smem:$0x3FB3];
	_ =	sdelay $0x3  }
0x36: {  	p1 =	seq.s32 s10, $0x1;
	s10 =	sld [smem:$0x3FB4];
	_ =	sdelay $0x3  }
0x37: {  	[smem:$0x3FB4] =	sst s10  }
0x38: {  	s10 =	sld [smem:$0x3FB5]  }
0x39: {  	_ = 	snop;
	(pc) =	sbr.ind lr, $3  }
0x3a: {  	_ = 	snop  }
0x3b: {  	_ = 	snop  }
0x3c: {  	p2 =	seq.s32 s10, $0x1;
	s10 =	sld [smem:$0x3FB4]  }
0x3d: {  	_ =	shalt  }
0x3e: {  	_ =	shalt  }
0x3f: {  	_ =	shalt  }
0x40: {  	_ =	shalt  }
0x41: {  	_ =	shalt  }
0x42: {  	_ =	shalt  }
0x43: {  	_ =	shalt  }
0x44: {  	_ =	shalt  }
0x45: {  	_ =	shalt  }
0x46: {  	_ =	shalt  }
0x47: {  	_ =	shalt  }
0x48: {  	_ =	shalt  }
0x49: {  	_ =	shalt  }
0x4a: {  	_ =	shalt  }
0x4b: {  	_ =	shalt  }
0x4c: {  	_ =	shalt  }
0x4d: {  	_ =	shalt  }
0x4e: {  	_ =	shalt  }
0x4f: {  	_ =	shalt  }
0x50: {  	_ =	shalt  }
0x51: {  	_ =	shalt  }
0x52: {  	_ =	shalt  }
0x53: {  	_ =	shalt  }
0x54: {  	_ =	shalt  }
0x55: {  	_ =	shalt  }
0x56: {  	_ =	shalt  }
0x57: {  	_ =	shalt  }
0x58: {  	_ =	shalt  }
0x59: {  	_ =	shalt  }
0x5a: {  	_ =	shalt  }
0x5b: {  	_ =	shalt  }
0x5c: {  	_ =	shalt  }
0x5d: {  	_ =	shalt  }
0x5e: {  	_ =	shalt  }
0x5f: {  	_ =	shalt  }
0x60: {  	_ =	shalt  }
0x61: {  	_ =	shalt  }
0x62: {  	_ =	shalt  }
0x63: {  	_ =	shalt  }
0x64: {  	_ =	shalt  }
0x65: {  	_ =	shalt  }
0x66: {  	_ =	shalt  }
0x67: {  	_ =	shalt  }
0x68: {  	_ =	shalt  }
0x69: {  	_ =	shalt  }
0x6a: {  	_ =	shalt  }
0x6b: {  	_ =	shalt  }
0x6c: {  	_ =	shalt  }
0x6d: {  	_ =	shalt  }
0x6e: {  	_ =	shalt  }
0x6f: {  	_ =	shalt  }
0x70: {  	_ =	shalt  }
0x71: {  	_ =	shalt  }
0x72: {  	_ =	shalt  }
0x73: {  	_ =	shalt  }
0x74: {  	_ =	shalt  }
0x75: {  	_ =	shalt  }
0x76: {  	_ =	shalt  }
0x77: {  	_ =	shalt  }
0x78: {  	_ =	shalt  }
0x79: {  	_ =	shalt  }
0x7a: {  	_ =	shalt  }
0x7b: {  	_ =	shalt  }
0x7c: {  	_ =	shalt  }
0x7d: {  	_ =	shalt  }
0x7e: {  	_ =	shalt  }
0x7f: {  	_ =	shalt  }
0x80: {  	_ =	shalt  }
0x81: {  	_ =	shalt  }
0x82: {  	_ =	shalt  }
0x83: {  	_ =	shalt  }
0x84: {  	_ =	shalt  }
0x85: {  	_ =	shalt  }
0x86: {  	_ =	shalt  }
0x87: {  	_ =	shalt  }
.Lfunc_end0:
.L_simem_size_0:
called_computation.2_lowered:
.L_overlay_start_0:
0x88: {  	s2 =	sld [smem:$0x3FD9]  }
0x89: {  	s3 =	sld [smem:$0x3FFE];
	_ =	sdelay $0x1  }
0x8a: {  	s1 =	srdreg.scid  }
0x8b: {  	s0 =	sand.u32 $0x1, s1  }
0x8c: {  	s17 =	sshll.u32 s0, $0xA;
	s2 =	sadd.s32 s3, s2  }
0x8d: {  	s2 =	sadd.s32 s2, s17  }
0x8e: {  	[smem:$0x3FC0] =	sst s2  }
0x8f: {  	_ = 	snop  }
0x90: {  	s2 =	sld [smem:$0x3FD0];
	(tm) =	ssettm $0x1  }
0x91: {  	s18 =	sld [smem:$0x3FFB];
	_ =	sdelay $0x3  }
0x92: {  	_ =	strace s18  }
0x93: {  	s3 =	sld [smem:$0x3FFC];
	_ =	sdelay $0x3  }
0x94: {  	_ =	strace s3  }
0x95: {  	s3 =	sld [smem:$0x3FFD];
	_ =	sdelay $0x3  }
0x96: {  	_ =	strace s3  }
0x97: {  	_ =	strace $0x8FFFFFFF  }
0x98: {  	s19 =	sld [smem:$0x3FDB];
	_ =	sdelay $0x1  }
0x99: {  	s4 =	simm.s32 $_scs_section_size  }
0x9a: {  	s5 =	simm.s32 $_size__tile_overlayer_lowered;
	s6 =	simm.s32 $_tile_overlayer_lowered  }
0x9b: {  	s22 =	simm.s32 $0x1BFF;
	s21 =	sshll.u32 s6, $0x1;
	s3 =	sadd.s32 s4, s19  }
0x9c: {  	s7 =	simm.s32 $0x0;
	s20 =	sshll.u32 s5, $0x1;
	s5 =	sadd.s32 s21, s3  }
0x9d: {  	[timem:s7], [sflag:s22] =	dma.local [hbm:s5], s20  }
0x9e: {  	_ =	swait.ge [sflag:s22], s20  }
0x9f: {  	s4 =	ssub.s32 $0x0, s20;
	[sflag:s22] =	ssyncset.done $0x0  }
0xa0: {  	[sflag:s22] =	ssyncadd.s32 s4;
	_ =	sdelay $0x1  }
0xa1: {  	s23 =	simm.s32 $0x1B8B  }
0xa2: {  	_ =	swait.ge [sflag:s23], $0x1  }
0xa3: {  	[sflag:s23] =	ssyncset.done $0x0  }
0xa4: {  	s25 =	simm.s32 $0x1B8E;
	s24 =	sld [smem:$0x3FFE];
	[sflag:s23] =	ssyncadd.s32 $0xFFFFFFFF  }
0xa5: {  	s26 =	simm.s32 $execute0_lowered;
	[smem:$0x3FD2] =	sst s25  }
0xa6: {  	s5 =	sshll.u32 s26, $0x1;
	_ =	strace $0x8000004C;
	[dreg:$0x1] =	wrdreg $0xFFFFFFFF  }
0xa7: {  	s28 =	simm.s32 $_size_execute0_lowered;
	s3 =	sadd.s32 s3, s5;
	[dreg:$0x0] =	wrdreg $0x0  }
0xa8: {  	s5 =	sshll.u32 s28, $0x1;
	[dreg:$0x2] =	wrdreg s3  }
0xa9: {  	[dreg:$0x3] =	wrdreg s5  }
0xaa: {  	[dreg:$0x4] =	wrdreg $0xC0  }
0xab: {  	_ =	task [dreg:s7], $0x5FFFF  }
0xac: {  	[dreg:$0x1] =	wrdreg $0xFFFFFFFF  }
0xad: {  	[dreg:$0x0] =	wrdreg $0x60  }
0xae: {  	[dreg:$0x2] =	wrdreg s24  }
0xaf: {  	[dreg:$0x3] =	wrdreg s2  }
0xb0: {  	[dreg:$0x4] =	wrdreg $0x3E800  }
0xb1: {  	[dreg:$0x5] =	wrdreg $0x9  }
0xb2: {  	_ =	task.clear_ibuf [dreg:s7], $0x6FFFF;
	_ =	strace $0x9000004C  }
0xb3: {  	s29 =	simm.s32 $0x9;
	_ =	strace $0x8000004E  }
0xb4: {  	_ =	swait.ge [sflag:s29], $0x1  }
0xb5: {  	[sflag:s29] =	ssyncadd.s32 $0xFFFFFFFF  }
0xb6: {  	_ =	strace $0x9000004E  }
0xb7: {  	_ =	sfence  }
0xb8: {  	s30 =	sld [smem:$0x0];
	_ =	sdelay $0x2  }
0xb9: {  	s31 =	sshll.u32 s1, $0xD;
	s1 =	sshrl.u32 s1, $0x2  }
0xba: {  	s3 =	sand.u32 $0x4000, s31;
	s1 =	sadd.s32 s1, s30  }
0xbb: {  	s0 =	sor.u32 s3, s0;
	s1 =	sshll.u32 s1, $0x11  }
0xbc: {  	s0 =	sor.u32 s1, s0  }
0xbd: {  	s0 =	sadd.s32 $0x8F2B, s0  }
0xbe: {  	[sflag:s0] =	ssyncadd.remote.s32 $0x1  }
0xbf: {  	_ =	sfence.sel $0xFFFF  }
0xc0: {  	[dreg:$0x0] =	wrdreg $0xFFFFFFFF;
	(pc) =	sbr.abs _section_cstart, $3  }
0xc1: {  	[dreg:$0x1] =	wrdreg $0xFFFFFFFF  }
0xc2: {  	_ =	task.clear_ibuf [dreg:s7], $0x2FFFF;
	_ =	strace $0x9FFFFFFF  }
0xc3: {  	(tm) =	ssettm $0x7FFFFFFF  }
tec
execute0_lowered:
.L_overlay_start_1:
0x0: {  	(tag) =	ssettag $0x1  }
0x1: {  	s0 =	rddreg [dreg:$0x0]  }
0x2: {  	s3 =	rddreg [dreg:$0x2]  }
0x3: {  	s1 =	srdreg.scid;
	s11 =	stileid.u32;
	s4 =	simm.s32 $0x0  }
0x4: {  	s16 =	simm.s32 $0x4;
	s17 =	simm.s32 $0x640;
	s18 =	simm.s32 $0x1  }
0x5: {  	s19 =	simm.s32 $0x190;
	s20 =	simm.s32 $0x7D0;
	s21 =	simm.s32 $0xC80  }
0x6: {  	s22 =	simm.s32 $0x2;
	s28 =	simm.s32 $0x960;
	s29 =	simm.s32 $0x4B0  }
0x7: {  	s30 =	simm.s32 $0x0;
	s1 =	sand.u32 $0x1, s1;
	s2 =	smul.u32 $0x18800, s11  }
0x8: {  	[smem:$0x7FF] =	sst s4;
	s9 =	sadd.s32 $0xC5200, s0;
	s23 =	smul.u32 $0x61A80, s11  }
0x9: {  	s10 =	sadd.s32 $0x1C00, s0;
	s24 =	sshll.u32 s11, $0x6;
	s25 =	smul.u32 $0xC350, s11  }
0xa: {  	s5 =	smul.u32 $0x188000, s1;
	_ =	strace $0x8000004D;
	s7 =	ssub.s32 $0x2, s1  }
0xb: {  	s1 =	smul.u32 $0x186A0, s1;
	s8 =	sshrl.u32 s7, $0x1;
	s26 =	sshrl.u32 s23, $0x3  }
0xc: {  	s23 =	simm.s32 $0x2580;
	s6 =	sadd.s32 s2, s5;
	s5 =	sadd.s32 $0x188800, s0  }
0xd: {  	s12 =	ssub.s32 s7, s8;
	s2 =	sadd.s32 s2, s3;
	s7 =	sadd.s32 s9, s25  }
0xe: {  	s8 =	sadd.s32 s10, s25;
	s11 =	sadd.s32 $0x32, s26;
	s25 =	simm.s32 $0x320  }
.Ltmp0:
0xf: {  	s26 =	simm.s32 $0xAF0;
	s6 =	sshrl.u32 s6, $0x3;
	(pc) =	sbr.rel .LBB2_1-.Ltmp0, $4  }
0x10: {  	s9 =	sadd.s32 s9, s11;
	s31 =	sadd.s32 s10, s11;
	s12 =	smax.u32 s12, $0x1  }
0x11: {  	s14 =	sadd.s32 $0x64, s7;
	s15 =	sshrl.u32 s2, $0x3;
	[dreg:$0x4] =	wrdreg s9  }
0x12: {  	s0 =	sadd.s32 s6, s0;
	s6 =	sor.u32 $0x1C04, s24;
	[dreg:$0x5] =	wrdreg s31  }
0x13: {  	v0 =	vmov s1;
	s24 =	simm.s32 $0x3;
	s11 =	sadd.s32 $0x1EA400, s0;
	s0 =	sadd.s32 $0x64, s8  }
.LBB2_20:
0x14: {  	s30 =	sadd.s32 $0x1, s30  }
0x15: {  	p0 =	sne.s32 s30, s12  }
.Ltmp1:
0x16: {  	[bflag:$0x0] =	sbarrier.arrive $0xFFFF;
	(pc) =	sbr.rel @!p0 .LBB2_21-.Ltmp1, $4  }
0x17: {  	[hbm:s11], [sflag:s6] =	dma.local [spmem:s15], $0x3100  }
0x18: {  	_ =	swait.ge [sflag:s16], $0x3100  }
0x19: {  	[sflag:s16] =	ssyncset.done $0x0  }
0x1a: {  	[sflag:s16] =	ssyncadd.s32 $0xFFFFCF00  }
.LBB2_1:
0x1b: {  	s1 =	rddreg [dreg:$0x1]  }
0x1c: {  	[spmem:s15], [sflag:s6] =	dma.local [hbm:s1], $0x3100  }
0x1d: {  	_ =	swait.ge [sflag:s16], $0x3100  }
0x1e: {  	[sflag:s16] =	ssyncset.done $0x0  }
0x1f: {  	[sflag:s16] =	ssyncadd.s32 $0xFFFFCF00  }
0x20: {  	[bflag:$0x0] =	sbarrier.arrive $0xFFFF  }
0x21: {  	[tilespmem:s4], [sflag:$0x1] =	stream.linear.gather [hbm4b:s7+s4], $0x190, $0x38;
	[tilespmem:$0x1C680] =	vst v63  }
0x22: {  	_ = 	snop  }
0x23: {  	[tilespmem:s17], [sflag:$0x1] =	stream.linear.gather [hbm4b:s8+s4], $0x190, $0x38;
	[tilespmem:$0x1C680] =	vst v63  }
0x24: {  	_ =	swait.ge [sflag:s18], $0x190  }
0x25: {  	[sflag:s18] =	ssyncset.done $0x0  }
0x26: {  	[sflag:s18] =	ssyncadd.s32 $0xFFFFFE70  }
0x27: {  	_ =	swait.ge [sflag:s18], $0x190  }
0x28: {  	[sflag:s18] =	ssyncset.done $0x0  }
0x29: {  	[sflag:s18] =	ssyncadd.s32 $0xFFFFFE70  }
0x2a: {  	v1 =	vld [tilespmem:$0x0]  }
0x2b: {  	v2 =	vld [tilespmem:$0x10]  }
0x2c: {  	v3 =	vld [tilespmem:$0x20]  }
0x2d: {  	v4 =	vld [tilespmem:$0x30]  }
0x2e: {  	v5 =	vld [tilespmem:$0x40]  }
0x2f: {  	v6 =	vld [tilespmem:$0x50];
	v1 =	vadd.s32 v0, v1  }
0x30: {  	[tilespmem:$0x0] =	vst v1;
	v1 =	vadd.s32 v0, v2;
	v2 =	vld [tilespmem:$0x60]  }
0x31: {  	[tilespmem:$0x10] =	vst v1;
	v1 =	vadd.s32 v0, v3;
	v3 =	vld [tilespmem:$0x70]  }
0x32: {  	v53 =	vld [tilespmem:$0x80];
	[tilespmem:$0x20] =	vst v1;
	v1 =	vadd.s32 v0, v4  }
0x33: {  	v54 =	vld [tilespmem:$0x90];
	[tilespmem:$0x30] =	vst v1;
	v1 =	vadd.s32 v0, v5  }
0x34: {  	v55 =	vld [tilespmem:$0xA0];
	[tilespmem:$0x40] =	vst v1;
	v1 =	vadd.s32 v0, v6  }
0x35: {  	[tilespmem:$0x50] =	vst v1;
	v1 =	vadd.s32 v0, v2;
	v2 =	vld [tilespmem:$0xB0]  }
0x36: {  	[tilespmem:$0x60] =	vst v1;
	v1 =	vadd.s32 v0, v3;
	v3 =	vld [tilespmem:$0xC0]  }
0x37: {  	v56 =	vld [tilespmem:$0xD0];
	[tilespmem:$0x70] =	vst v1;
	v1 =	vadd.s32 v0, v53  }
0x38: {  	v57 =	vld [tilespmem:$0xE0];
	[tilespmem:$0x80] =	vst v1;
	v1 =	vadd.s32 v0, v54  }
0x39: {  	v58 =	vld [tilespmem:$0xF0];
	[tilespmem:$0x90] =	vst v1;
	v1 =	vadd.s32 v0, v55  }
0x3a: {  	[tilespmem:$0xA0] =	vst v1;
	v1 =	vadd.s32 v0, v2;
	v2 =	vld [tilespmem:$0x100]  }
0x3b: {  	[tilespmem:$0xB0] =	vst v1;
	v1 =	vadd.s32 v0, v3;
	v3 =	vld [tilespmem:$0x110]  }
0x3c: {  	v59 =	vld [tilespmem:$0x120];
	[tilespmem:$0xC0] =	vst v1;
	v1 =	vadd.s32 v0, v56  }
0x3d: {  	v60 =	vld [tilespmem:$0x130];
	[tilespmem:$0xD0] =	vst v1;
	v1 =	vadd.s32 v0, v57  }
0x3e: {  	v61 =	vld [tilespmem:$0x140];
	[tilespmem:$0xE0] =	vst v1;
	v1 =	vadd.s32 v0, v58  }
0x3f: {  	[tilespmem:$0xF0] =	vst v1;
	v1 =	vadd.s32 v0, v2;
	v2 =	vld [tilespmem:$0x150]  }
0x40: {  	[tilespmem:$0x100] =	vst v1;
	v1 =	vadd.s32 v0, v3;
	v3 =	vld [tilespmem:$0x160]  }
0x41: {  	v62 =	vld [tilespmem:$0x170];
	[tilespmem:$0x110] =	vst v1;
	v1 =	vadd.s32 v0, v59  }
0x42: {  	v63 =	vld [tilespmem:$0x180];
	[tilespmem:$0x120] =	vst v1;
	v1 =	vadd.s32 v0, v60  }
0x43: {  	[tilespmem:$0x130] =	vst v1;
	v1 =	vadd.s32 v0, v61  }
0x44: {  	[tilespmem:$0x140] =	vst v1;
	v1 =	vadd.s32 v0, v2  }
0x45: {  	[tilespmem:$0x150] =	vst v1;
	v1 =	vadd.s32 v0, v3  }
0x46: {  	[tilespmem:$0x160] =	vst v1;
	v1 =	vadd.s32 v0, v62  }
0x47: {  	[tilespmem:$0x170] =	vst v1;
	v1 =	vadd.s32 v0, v63  }
0x48: {  	s10 =	rddreg [dreg:$0x4];
	[tilespmem:$0x180] =	vst v1  }
0x49: {  	[tilespmem:s19], [sflag:$0x1] =	stream.linear.gather [hbm4b:s10+s4], $0x190, $0x38;
	[tilespmem:$0x1C680] =	vst v63  }
.Ltmp2:
0x4a: {  	_ = 	snop;
	(pc) =	sbr.rel .LBB2_2-.Ltmp2, $4  }
0x4b: {  	s13 =	rddreg [dreg:$0x5]  }
0x4c: {  	[tilespmem:s20], [sflag:$0x1] =	stream.linear.gather [hbm4b:s13+s4], $0x190, $0x38;
	[tilespmem:$0x1C680] =	vst v63  }
0x4d: {  	s31 =	smov.u32 s14;
	s1 =	simm.s32 $0x0;
	s13 =	smov.u32 s0  }
0x4e: {  	[tilespmem:s21], [sflag:$0x2] =	stream.indirect.gather [hbm4b:s5+s19], $0x10, s4, s19, $0xb8;
	[tilespmem:$0x1C680] =	vst v63  }
.LBB2_16:
0x4f: {  	_ =	swait.ge [sflag:s22], $0x1900  }
0x50: {  	[sflag:s22] =	ssyncset.done $0x0  }
0x51: {  	[sflag:s22] =	ssyncadd.s32 $0xFFFFE700  }
0x52: {  	[spmem:s3] =	stream.indirect.scatter.add.f32 [tilespmem:s23], [sflag:$0x3], $0x10, s20, s19, $0xb8;
	[tilespmem:$0x1C680] =	vst v63  }
0x53: {  	_ =	swait.ge [sflag:s24], $0x1900  }
0x54: {  	[sflag:s24] =	ssyncset.done $0x0  }
0x55: {  	[sflag:s24] =	ssyncadd.s32 $0xFFFFE700  }
.LBB2_17:
0x56: {  	_ =	swait.ge [sflag:s22], $0x1900  }
0x57: {  	[sflag:s22] =	ssyncset.done $0x0  }
0x58: {  	[sflag:s22] =	ssyncadd.s32 $0xFFFFE700  }
0x59: {  	[spmem:s3] =	stream.indirect.scatter.add.f32 [tilespmem:s23], [sflag:$0x3], $0x10, s26, s19, $0xb8;
	[tilespmem:$0x1C680] =	vst v63  }
.LBB2_18:
0x5a: {  	_ =	swait.ge [sflag:s24], $0x1900  }
0x5b: {  	[sflag:s24] =	ssyncset.done $0x0  }
0x5c: {  	[sflag:s24] =	ssyncadd.s32 $0xFFFFE700  }
.LBB2_19:
0x5d: {  	s1 =	sadd.s32 $0x1, s1  }
0x5e: {  	p0 =	sne.s32 s1, $0x3E8  }
.Ltmp3:
0x5f: {  	_ = 	snop;
	(pc) =	sbr.rel @!p0 .LBB2_20-.Ltmp3, $2  }
0x60: {  	_ =	sdelay $0x2  }
0x61: {  	s13 =	sadd.s32 $0x32, s13;
	s31 =	sadd.s32 $0x32, s31  }
.LBB2_2:
0x62: {  	s2 =	sand.u32 $0x3, s1  }
0x63: {  	p0 =	sgt.s32 s2, $0x1  }
.Ltmp4:
0x64: {  	_ = 	snop;
	(pc) =	sbr.rel @p0 .LBB2_9-.Ltmp4, $1  }
0x65: {  	_ =	sdelay $0x3  }
0x66: {  	p0 =	seq.s32 s2, $0x0  }
.Ltmp5:
0x67: {  	_ = 	snop;
	(pc) =	sbr.rel @!p0 .LBB2_7-.Ltmp5, $1  }
0x68: {  	_ =	sdelay $0x3  }
0x69: {  	p0 =	seq.s32 s1, $0x3E7  }
.Ltmp6:
0x6a: {  	_ = 	snop;
	(pc) =	sbr.rel @!p0 .LBB2_5-.Ltmp6, $1  }
0x6b: {  	_ =	sdelay $0x3  }
.Ltmp7:
0x6c: {  	(pc) =	sbr.rel .LBB2_18-.Ltmp7, $4  }
0x6d: {  	_ =	swait.ge [sflag:s22], $0x1900  }
0x6e: {  	[sflag:s22] =	ssyncset.done $0x0  }
0x6f: {  	[sflag:s22] =	ssyncadd.s32 $0xFFFFE700  }
0x70: {  	[spmem:s3] =	stream.indirect.scatter.add.f32 [tilespmem:s21], [sflag:$0x3], $0x10, s17, s19, $0xb8;
	[tilespmem:$0x1C680] =	vst v63  }
.LBB2_9:
0x71: {  	p1 =	seq.s32 s2, $0x2  }
.Ltmp8:
0x72: {  	_ = 	snop;
	(pc) =	sbr.rel @!p1 .LBB2_14-.Ltmp8, $2  }
0x73: {  	_ =	sdelay $0x2  }
0x74: {  	p0 =	seq.s32 s1, $0x3E7  }
.Ltmp9:
0x75: {  	(pc) =	sbr.rel @!p0 .LBB2_11-.Ltmp9, $1  }
0x76: {  	_ =	sdelay $0x3  }
.Ltmp10:
0x77: {  	(pc) =	sbr.rel .LBB2_13-.Ltmp10, $4  }
0x78: {  	_ =	swait.ge [sflag:s22], $0x1900  }
0x79: {  	[sflag:s22] =	ssyncset.done $0x0  }
0x7a: {  	[sflag:s22] =	ssyncadd.s32 $0xFFFFE700  }
0x7b: {  	[spmem:s3] =	stream.indirect.scatter.add.f32 [tilespmem:s21], [sflag:$0x3], $0x10, s28, s19, $0xb8;
	[tilespmem:$0x1C680] =	vst v63  }
.LBB2_7:
0x7c: {  	p0 =	seq.s32 s1, $0x3E7  }
.Ltmp11:
0x7d: {  	_ = 	snop;
	(pc) =	sbr.rel @p0 .LBB2_16-.Ltmp11, $1  }
0x7e: {  	_ =	sdelay $0x3  }
0x7f: {  	_ =	swait.ge [sflag:s18], $0x190  }
0x80: {  	[sflag:s18] =	ssyncset.done $0x0  }
0x81: {  	[sflag:s18] =	ssyncadd.s32 $0xFFFFFE70  }
0x82: {  	_ =	swait.ge [sflag:s18], $0x190  }
0x83: {  	[sflag:s18] =	ssyncset.done $0x0  }
0x84: {  	[sflag:s18] =	ssyncadd.s32 $0xFFFFFE70  }
0x85: {  	v1 =	vld [tilespmem:$0x320]  }
0x86: {  	v2 =	vld [tilespmem:$0x330]  }
0x87: {  	v3 =	vld [tilespmem:$0x340]  }
0x88: {  	v4 =	vld [tilespmem:$0x350]  }
0x89: {  	v5 =	vld [tilespmem:$0x360]  }
0x8a: {  	v6 =	vld [tilespmem:$0x370];
	v1 =	vadd.s32 v0, v1  }
0x8b: {  	[tilespmem:$0x320] =	vst v1;
	v1 =	vadd.s32 v0, v2;
	v2 =	vld [tilespmem:$0x380]  }
0x8c: {  	[tilespmem:$0x330] =	vst v1;
	v1 =	vadd.s32 v0, v3;
	v3 =	vld [tilespmem:$0x390]  }
0x8d: {  	v53 =	vld [tilespmem:$0x3A0];
	[tilespmem:$0x340] =	vst v1;
	v1 =	vadd.s32 v0, v4  }
0x8e: {  	v54 =	vld [tilespmem:$0x3B0];
	[tilespmem:$0x350] =	vst v1;
	v1 =	vadd.s32 v0, v5  }
0x8f: {  	v55 =	vld [tilespmem:$0x3C0];
	[tilespmem:$0x360] =	vst v1;
	v1 =	vadd.s32 v0, v6  }
0x90: {  	[tilespmem:$0x370] =	vst v1;
	v1 =	vadd.s32 v0, v2;
	v2 =	vld [tilespmem:$0x3D0]  }
0x91: {  	[tilespmem:$0x380] =	vst v1;
	v1 =	vadd.s32 v0, v3;
	v3 =	vld [tilespmem:$0x3E0]  }
0x92: {  	v56 =	vld [tilespmem:$0x3F0];
	[tilespmem:$0x390] =	vst v1;
	v1 =	vadd.s32 v0, v53  }
0x93: {  	v57 =	vld [tilespmem:$0x400];
	[tilespmem:$0x3A0] =	vst v1;
	v1 =	vadd.s32 v0, v54  }
0x94: {  	v58 =	vld [tilespmem:$0x410];
	[tilespmem:$0x3B0] =	vst v1;
	v1 =	vadd.s32 v0, v55  }
0x95: {  	[tilespmem:$0x3C0] =	vst v1;
	v1 =	vadd.s32 v0, v2;
	v2 =	vld [tilespmem:$0x420]  }
0x96: {  	[tilespmem:$0x3D0] =	vst v1;
	v1 =	vadd.s32 v0, v3;
	v3 =	vld [tilespmem:$0x430]  }
0x97: {  	v59 =	vld [tilespmem:$0x440];
	[tilespmem:$0x3E0] =	vst v1;
	v1 =	vadd.s32 v0, v56  }
0x98: {  	v60 =	vld [tilespmem:$0x450];
	[tilespmem:$0x3F0] =	vst v1;
	v1 =	vadd.s32 v0, v57  }
0x99: {  	v61 =	vld [tilespmem:$0x460];
	[tilespmem:$0x400] =	vst v1;
	v1 =	vadd.s32 v0, v58  }
0x9a: {  	[tilespmem:$0x410] =	vst v1;
	v1 =	vadd.s32 v0, v2;
	v2 =	vld [tilespmem:$0x470]  }
0x9b: {  	[tilespmem:$0x420] =	vst v1;
	v1 =	vadd.s32 v0, v3;
	v3 =	vld [tilespmem:$0x480]  }
0x9c: {  	v62 =	vld [tilespmem:$0x490];
	[tilespmem:$0x430] =	vst v1;
	v1 =	vadd.s32 v0, v59  }
0x9d: {  	v63 =	vld [tilespmem:$0x4A0];
	[tilespmem:$0x440] =	vst v1;
	v1 =	vadd.s32 v0, v60  }
0x9e: {  	[tilespmem:$0x450] =	vst v1;
	v1 =	vadd.s32 v0, v61  }
0x9f: {  	[tilespmem:$0x460] =	vst v1;
	v1 =	vadd.s32 v0, v2  }
0xa0: {  	[tilespmem:$0x470] =	vst v1;
	v1 =	vadd.s32 v0, v3  }
0xa1: {  	[tilespmem:$0x480] =	vst v1;
	v1 =	vadd.s32 v0, v62  }
0xa2: {  	[tilespmem:$0x490] =	vst v1;
	v1 =	vadd.s32 v0, v63  }
0xa3: {  	[tilespmem:$0x4A0] =	vst v1  }
0xa4: {  	_ =	swait.ge [sflag:s22], $0x1900  }
0xa5: {  	[sflag:s22] =	ssyncset.done $0x0  }
0xa6: {  	[sflag:s22] =	ssyncadd.s32 $0xFFFFE700  }
0xa7: {  	[spmem:s3] =	stream.indirect.scatter.add.f32 [tilespmem:s23], [sflag:$0x3], $0x10, s20, s19, $0xb8;
	[tilespmem:$0x1C680] =	vst v63  }
0xa8: {  	_ = 	snop  }
0xa9: {  	[tilespmem:s21], [sflag:$0x2] =	stream.indirect.gather [hbm4b:s5+s19], $0x10, s25, s19, $0xb8;
	[tilespmem:$0x1C680] =	vst v63  }
.Ltmp12:
0xaa: {  	p0 =	slt.u32 s1, $0x3E6;
	(pc) =	sbr.rel .LBB2_18-.Ltmp12, $4  }
0xab: {  	s2 =	simm.s32 @p0 $0x0;
	s9 =	simm.s32 @p0 $0x4B0  }
0xac: {  	[tilespmem:s9], [sflag:$0x1] =	stream.linear.gather @p0 [hbm4b:s31+s2], $0x190, $0x38;
	[tilespmem:$0x1C680] =	vst v63  }
0xad: {  	s9 =	simm.s32 @p0 $0xAF0  }
0xae: {  	[tilespmem:s9], [sflag:$0x1] =	stream.linear.gather @p0 [hbm4b:s13+s2], $0x190, $0x38;
	[tilespmem:$0x1C680] =	vst v63  }
.LBB2_5:
0xaf: {  	_ =	swait.ge [sflag:s18], $0x190  }
0xb0: {  	[sflag:s18] =	ssyncset.done $0x0  }
0xb1: {  	[sflag:s18] =	ssyncadd.s32 $0xFFFFFE70  }
0xb2: {  	_ =	swait.ge [sflag:s18], $0x190  }
0xb3: {  	[sflag:s18] =	ssyncset.done $0x0  }
0xb4: {  	[sflag:s18] =	ssyncadd.s32 $0xFFFFFE70  }
0xb5: {  	v1 =	vld [tilespmem:$0x190]  }
0xb6: {  	v2 =	vld [tilespmem:$0x1A0]  }
0xb7: {  	v3 =	vld [tilespmem:$0x1B0]  }
0xb8: {  	v4 =	vld [tilespmem:$0x1C0]  }
0xb9: {  	v5 =	vld [tilespmem:$0x1D0]  }
0xba: {  	v6 =	vld [tilespmem:$0x1E0];
	v1 =	vadd.s32 v0, v1  }
0xbb: {  	[tilespmem:$0x190] =	vst v1;
	v1 =	vadd.s32 v0, v2;
	v2 =	vld [tilespmem:$0x1F0]  }
0xbc: {  	[tilespmem:$0x1A0] =	vst v1;
	v1 =	vadd.s32 v0, v3;
	v3 =	vld [tilespmem:$0x200]  }
0xbd: {  	v53 =	vld [tilespmem:$0x210];
	[tilespmem:$0x1B0] =	vst v1;
	v1 =	vadd.s32 v0, v4  }
0xbe: {  	v54 =	vld [tilespmem:$0x220];
	[tilespmem:$0x1C0] =	vst v1;
	v1 =	vadd.s32 v0, v5  }
0xbf: {  	v55 =	vld [tilespmem:$0x230];
	[tilespmem:$0x1D0] =	vst v1;
	v1 =	vadd.s32 v0, v6  }
0xc0: {  	[tilespmem:$0x1E0] =	vst v1;
	v1 =	vadd.s32 v0, v2;
	v2 =	vld [tilespmem:$0x240]  }
0xc1: {  	[tilespmem:$0x1F0] =	vst v1;
	v1 =	vadd.s32 v0, v3;
	v3 =	vld [tilespmem:$0x250]  }
0xc2: {  	v56 =	vld [tilespmem:$0x260];
	[tilespmem:$0x200] =	vst v1;
	v1 =	vadd.s32 v0, v53  }
0xc3: {  	v57 =	vld [tilespmem:$0x270];
	[tilespmem:$0x210] =	vst v1;
	v1 =	vadd.s32 v0, v54  }
0xc4: {  	v58 =	vld [tilespmem:$0x280];
	[tilespmem:$0x220] =	vst v1;
	v1 =	vadd.s32 v0, v55  }
0xc5: {  	[tilespmem:$0x230] =	vst v1;
	v1 =	vadd.s32 v0, v2;
	v2 =	vld [tilespmem:$0x290]  }
0xc6: {  	[tilespmem:$0x240] =	vst v1;
	v1 =	vadd.s32 v0, v3;
	v3 =	vld [tilespmem:$0x2A0]  }
0xc7: {  	v59 =	vld [tilespmem:$0x2B0];
	[tilespmem:$0x250] =	vst v1;
	v1 =	vadd.s32 v0, v56  }
0xc8: {  	v60 =	vld [tilespmem:$0x2C0];
	[tilespmem:$0x260] =	vst v1;
	v1 =	vadd.s32 v0, v57  }
0xc9: {  	v61 =	vld [tilespmem:$0x2D0];
	[tilespmem:$0x270] =	vst v1;
	v1 =	vadd.s32 v0, v58  }
0xca: {  	[tilespmem:$0x280] =	vst v1;
	v1 =	vadd.s32 v0, v2;
	v2 =	vld [tilespmem:$0x2E0]  }
0xcb: {  	[tilespmem:$0x290] =	vst v1;
	v1 =	vadd.s32 v0, v3;
	v3 =	vld [tilespmem:$0x2F0]  }
0xcc: {  	v62 =	vld [tilespmem:$0x300];
	[tilespmem:$0x2A0] =	vst v1;
	v1 =	vadd.s32 v0, v59  }
0xcd: {  	v63 =	vld [tilespmem:$0x310];
	[tilespmem:$0x2B0] =	vst v1;
	v1 =	vadd.s32 v0, v60  }
0xce: {  	[tilespmem:$0x2C0] =	vst v1;
	v1 =	vadd.s32 v0, v61  }
0xcf: {  	[tilespmem:$0x2D0] =	vst v1;
	v1 =	vadd.s32 v0, v2  }
0xd0: {  	[tilespmem:$0x2E0] =	vst v1;
	v1 =	vadd.s32 v0, v3  }
0xd1: {  	[tilespmem:$0x2F0] =	vst v1;
	v1 =	vadd.s32 v0, v62  }
0xd2: {  	[tilespmem:$0x300] =	vst v1;
	v1 =	vadd.s32 v0, v63  }
0xd3: {  	[tilespmem:$0x310] =	vst v1  }
0xd4: {  	_ =	swait.ge [sflag:s22], $0x1900  }
0xd5: {  	[sflag:s22] =	ssyncset.done $0x0  }
0xd6: {  	[sflag:s22] =	ssyncadd.s32 $0xFFFFE700  }
0xd7: {  	[spmem:s3] =	stream.indirect.scatter.add.f32 [tilespmem:s21], [sflag:$0x3], $0x10, s17, s19, $0xb8;
	[tilespmem:$0x1C680] =	vst v63  }
0xd8: {  	_ = 	snop  }
0xd9: {  	[tilespmem:s23], [sflag:$0x2] =	stream.indirect.gather [hbm4b:s5+s19], $0x10, s19, s19, $0xb8;
	[tilespmem:$0x1C680] =	vst v63  }
.Ltmp13:
0xda: {  	p0 =	slt.u32 s1, $0x3E6;
	(pc) =	sbr.rel .LBB2_18-.Ltmp13, $4  }
0xdb: {  	s2 =	simm.s32 @p0 $0x0;
	s9 =	simm.s32 @p0 $0x320  }
0xdc: {  	[tilespmem:s9], [sflag:$0x1] =	stream.linear.gather @p0 [hbm4b:s31+s2], $0x190, $0x38;
	[tilespmem:$0x1C680] =	vst v63  }
0xdd: {  	s9 =	simm.s32 @p0 $0x960  }
0xde: {  	[tilespmem:s9], [sflag:$0x1] =	stream.linear.gather @p0 [hbm4b:s13+s2], $0x190, $0x38;
	[tilespmem:$0x1C680] =	vst v63  }
.LBB2_11:
0xdf: {  	_ =	swait.ge [sflag:s18], $0x190  }
0xe0: {  	[sflag:s18] =	ssyncset.done $0x0  }
0xe1: {  	[sflag:s18] =	ssyncadd.s32 $0xFFFFFE70  }
0xe2: {  	_ =	swait.ge [sflag:s18], $0x190  }
0xe3: {  	[sflag:s18] =	ssyncset.done $0x0  }
0xe4: {  	[sflag:s18] =	ssyncadd.s32 $0xFFFFFE70  }
0xe5: {  	v1 =	vld [tilespmem:$0x4B0]  }
0xe6: {  	v2 =	vld [tilespmem:$0x4C0]  }
0xe7: {  	v3 =	vld [tilespmem:$0x4D0]  }
0xe8: {  	v4 =	vld [tilespmem:$0x4E0]  }
0xe9: {  	v5 =	vld [tilespmem:$0x4F0]  }
0xea: {  	v6 =	vld [tilespmem:$0x500];
	v1 =	vadd.s32 v0, v1  }
0xeb: {  	[tilespmem:$0x4B0] =	vst v1;
	v1 =	vadd.s32 v0, v2;
	v2 =	vld [tilespmem:$0x510]  }
0xec: {  	[tilespmem:$0x4C0] =	vst v1;
	v1 =	vadd.s32 v0, v3;
	v3 =	vld [tilespmem:$0x520]  }
0xed: {  	v53 =	vld [tilespmem:$0x530];
	[tilespmem:$0x4D0] =	vst v1;
	v1 =	vadd.s32 v0, v4  }
0xee: {  	v54 =	vld [tilespmem:$0x540];
	[tilespmem:$0x4E0] =	vst v1;
	v1 =	vadd.s32 v0, v5  }
0xef: {  	v55 =	vld [tilespmem:$0x550];
	[tilespmem:$0x4F0] =	vst v1;
	v1 =	vadd.s32 v0, v6  }
0xf0: {  	[tilespmem:$0x500] =	vst v1;
	v1 =	vadd.s32 v0, v2;
	v2 =	vld [tilespmem:$0x560]  }
0xf1: {  	[tilespmem:$0x510] =	vst v1;
	v1 =	vadd.s32 v0, v3;
	v3 =	vld [tilespmem:$0x570]  }
0xf2: {  	v56 =	vld [tilespmem:$0x580];
	[tilespmem:$0x520] =	vst v1;
	v1 =	vadd.s32 v0, v53  }
0xf3: {  	v57 =	vld [tilespmem:$0x590];
	[tilespmem:$0x530] =	vst v1;
	v1 =	vadd.s32 v0, v54  }
0xf4: {  	v58 =	vld [tilespmem:$0x5A0];
	[tilespmem:$0x540] =	vst v1;
	v1 =	vadd.s32 v0, v55  }
0xf5: {  	[tilespmem:$0x550] =	vst v1;
	v1 =	vadd.s32 v0, v2;
	v2 =	vld [tilespmem:$0x5B0]  }
0xf6: {  	[tilespmem:$0x560] =	vst v1;
	v1 =	vadd.s32 v0, v3;
	v3 =	vld [tilespmem:$0x5C0]  }
0xf7: {  	v59 =	vld [tilespmem:$0x5D0];
	[tilespmem:$0x570] =	vst v1;
	v1 =	vadd.s32 v0, v56  }
0xf8: {  	v60 =	vld [tilespmem:$0x5E0];
	[tilespmem:$0x580] =	vst v1;
	v1 =	vadd.s32 v0, v57  }
0xf9: {  	v61 =	vld [tilespmem:$0x5F0];
	[tilespmem:$0x590] =	vst v1;
	v1 =	vadd.s32 v0, v58  }
0xfa: {  	[tilespmem:$0x5A0] =	vst v1;
	v1 =	vadd.s32 v0, v2;
	v2 =	vld [tilespmem:$0x600]  }
0xfb: {  	[tilespmem:$0x5B0] =	vst v1;
	v1 =	vadd.s32 v0, v3;
	v3 =	vld [tilespmem:$0x610]  }
0xfc: {  	v62 =	vld [tilespmem:$0x620];
	[tilespmem:$0x5C0] =	vst v1;
	v1 =	vadd.s32 v0, v59  }
0xfd: {  	v63 =	vld [tilespmem:$0x630];
	[tilespmem:$0x5D0] =	vst v1;
	v1 =	vadd.s32 v0, v60  }
0xfe: {  	[tilespmem:$0x5E0] =	vst v1;
	v1 =	vadd.s32 v0, v61  }
0xff: {  	[tilespmem:$0x5F0] =	vst v1;
	v1 =	vadd.s32 v0, v2  }
0x100: {  	[tilespmem:$0x600] =	vst v1;
	v1 =	vadd.s32 v0, v3  }
0x101: {  	[tilespmem:$0x610] =	vst v1;
	v1 =	vadd.s32 v0, v62  }
0x102: {  	[tilespmem:$0x620] =	vst v1;
	v1 =	vadd.s32 v0, v63  }
0x103: {  	[tilespmem:$0x630] =	vst v1  }
0x104: {  	_ =	swait.ge [sflag:s22], $0x1900  }
0x105: {  	[sflag:s22] =	ssyncset.done $0x0  }
0x106: {  	[sflag:s22] =	ssyncadd.s32 $0xFFFFE700  }
0x107: {  	[spmem:s3] =	stream.indirect.scatter.add.f32 [tilespmem:s21], [sflag:$0x3], $0x10, s28, s19, $0xb8;
	[tilespmem:$0x1C680] =	vst v63  }
0x108: {  	p1 =	slt.u32 s1, $0x3E6  }
0x109: {  	[tilespmem:s23], [sflag:$0x2] =	stream.indirect.gather [hbm4b:s5+s19], $0x10, s29, s19, $0xb8;
	[tilespmem:$0x1C680] =	vst v63  }
0x10a: {  	s9 =	simm.s32 @p1 $0x0  }
0x10b: {  	[tilespmem:s9], [sflag:$0x1] =	stream.linear.gather @p1 [hbm4b:s31+s9], $0x190, $0x38;
	[tilespmem:$0x1C680] =	vst v63  }
0x10c: {  	s10 =	simm.s32 @p1 $0x640  }
0x10d: {  	[tilespmem:s10], [sflag:$0x1] =	stream.linear.gather @p1 [hbm4b:s13+s9], $0x190, $0x38;
	[tilespmem:$0x1C680] =	vst v63  }
.LBB2_13:
0x10e: {  	p1 =	sne.s32 s2, $0x3  }
.Ltmp14:
0x10f: {  	_ = 	snop;
	(pc) =	sbr.rel @p1 .LBB2_19-.Ltmp14, $4  }
0x110: {  	_ = 	snop  }
0x111: {  	_ =	swait.ge [sflag:s24], $0x1900  }
0x112: {  	[sflag:s24] =	ssyncset.done $0x0  }
0x113: {  	[sflag:s24] =	ssyncadd.s32 $0xFFFFE700  }
.LBB2_14:
.Ltmp15:
0x114: {  	(pc) =	sbr.rel @p0 .LBB2_17-.Ltmp15, $1  }
0x115: {  	_ =	sdelay $0x3  }
0x116: {  	_ =	swait.ge [sflag:s18], $0x190  }
0x117: {  	[sflag:s18] =	ssyncset.done $0x0  }
0x118: {  	[sflag:s18] =	ssyncadd.s32 $0xFFFFFE70  }
0x119: {  	_ =	swait.ge [sflag:s18], $0x190  }
0x11a: {  	[sflag:s18] =	ssyncset.done $0x0  }
0x11b: {  	[sflag:s18] =	ssyncadd.s32 $0xFFFFFE70  }
0x11c: {  	v1 =	vld [tilespmem:$0x0]  }
0x11d: {  	v2 =	vld [tilespmem:$0x10]  }
0x11e: {  	v3 =	vld [tilespmem:$0x20]  }
0x11f: {  	v4 =	vld [tilespmem:$0x30]  }
0x120: {  	v5 =	vld [tilespmem:$0x40]  }
0x121: {  	v6 =	vld [tilespmem:$0x50];
	v1 =	vadd.s32 v0, v1  }
0x122: {  	[tilespmem:$0x0] =	vst v1;
	v1 =	vadd.s32 v0, v2;
	v2 =	vld [tilespmem:$0x60]  }
0x123: {  	[tilespmem:$0x10] =	vst v1;
	v1 =	vadd.s32 v0, v3;
	v3 =	vld [tilespmem:$0x70]  }
0x124: {  	v53 =	vld [tilespmem:$0x80];
	[tilespmem:$0x20] =	vst v1;
	v1 =	vadd.s32 v0, v4  }
0x125: {  	v54 =	vld [tilespmem:$0x90];
	[tilespmem:$0x30] =	vst v1;
	v1 =	vadd.s32 v0, v5  }
0x126: {  	v55 =	vld [tilespmem:$0xA0];
	[tilespmem:$0x40] =	vst v1;
	v1 =	vadd.s32 v0, v6  }
0x127: {  	[tilespmem:$0x50] =	vst v1;
	v1 =	vadd.s32 v0, v2;
	v2 =	vld [tilespmem:$0xB0]  }
0x128: {  	[tilespmem:$0x60] =	vst v1;
	v1 =	vadd.s32 v0, v3;
	v3 =	vld [tilespmem:$0xC0]  }
0x129: {  	v56 =	vld [tilespmem:$0xD0];
	[tilespmem:$0x70] =	vst v1;
	v1 =	vadd.s32 v0, v53  }
0x12a: {  	v57 =	vld [tilespmem:$0xE0];
	[tilespmem:$0x80] =	vst v1;
	v1 =	vadd.s32 v0, v54  }
0x12b: {  	v58 =	vld [tilespmem:$0xF0];
	[tilespmem:$0x90] =	vst v1;
	v1 =	vadd.s32 v0, v55  }
0x12c: {  	[tilespmem:$0xA0] =	vst v1;
	v1 =	vadd.s32 v0, v2;
	v2 =	vld [tilespmem:$0x100]  }
0x12d: {  	[tilespmem:$0xB0] =	vst v1;
	v1 =	vadd.s32 v0, v3;
	v3 =	vld [tilespmem:$0x110]  }
0x12e: {  	v59 =	vld [tilespmem:$0x120];
	[tilespmem:$0xC0] =	vst v1;
	v1 =	vadd.s32 v0, v56  }
0x12f: {  	v60 =	vld [tilespmem:$0x130];
	[tilespmem:$0xD0] =	vst v1;
	v1 =	vadd.s32 v0, v57  }
0x130: {  	v61 =	vld [tilespmem:$0x140];
	[tilespmem:$0xE0] =	vst v1;
	v1 =	vadd.s32 v0, v58  }
0x131: {  	[tilespmem:$0xF0] =	vst v1;
	v1 =	vadd.s32 v0, v2;
	v2 =	vld [tilespmem:$0x150]  }
0x132: {  	[tilespmem:$0x100] =	vst v1;
	v1 =	vadd.s32 v0, v3;
	v3 =	vld [tilespmem:$0x160]  }
0x133: {  	v62 =	vld [tilespmem:$0x170];
	[tilespmem:$0x110] =	vst v1;
	v1 =	vadd.s32 v0, v59  }
0x134: {  	v63 =	vld [tilespmem:$0x180];
	[tilespmem:$0x120] =	vst v1;
	v1 =	vadd.s32 v0, v60  }
0x135: {  	[tilespmem:$0x130] =	vst v1;
	v1 =	vadd.s32 v0, v61  }
0x136: {  	[tilespmem:$0x140] =	vst v1;
	v1 =	vadd.s32 v0, v2  }
0x137: {  	[tilespmem:$0x150] =	vst v1;
	v1 =	vadd.s32 v0, v3  }
0x138: {  	[tilespmem:$0x160] =	vst v1;
	v1 =	vadd.s32 v0, v62  }
0x139: {  	[tilespmem:$0x170] =	vst v1;
	v1 =	vadd.s32 v0, v63  }
0x13a: {  	[tilespmem:$0x180] =	vst v1  }
0x13b: {  	_ =	swait.ge [sflag:s22], $0x1900  }
0x13c: {  	[sflag:s22] =	ssyncset.done $0x0  }
0x13d: {  	[sflag:s22] =	ssyncadd.s32 $0xFFFFE700  }
0x13e: {  	[spmem:s3] =	stream.indirect.scatter.add.f32 [tilespmem:s23], [sflag:$0x3], $0x10, s26, s19, $0xb8;
	[tilespmem:$0x1C680] =	vst v63  }
0x13f: {  	_ = 	snop  }
0x140: {  	[tilespmem:s21], [sflag:$0x2] =	stream.indirect.gather [hbm4b:s5+s19], $0x10, s4, s19, $0xb8;
	[tilespmem:$0x1C680] =	vst v63  }
.Ltmp16:
0x141: {  	p0 =	slt.u32 s1, $0x3E6;
	(pc) =	sbr.rel .LBB2_18-.Ltmp16, $4  }
0x142: {  	s2 =	simm.s32 @p0 $0x0;
	s9 =	simm.s32 @p0 $0x190  }
0x143: {  	[tilespmem:s9], [sflag:$0x1] =	stream.linear.gather @p0 [hbm4b:s31+s2], $0x190, $0x38;
	[tilespmem:$0x1C680] =	vst v63  }
0x144: {  	s9 =	simm.s32 @p0 $0x7D0  }
0x145: {  	[tilespmem:s9], [sflag:$0x1] =	stream.linear.gather @p0 [hbm4b:s13+s2], $0x190, $0x38;
	[tilespmem:$0x1C680] =	vst v63  }
.LBB2_21:
0x146: {  	_ =	sfence.sel $0x180000  }
0x147: {  	[bflag:$0x0] =	sbarrier.arrive $0xFFFF  }
0x148: {  	_ =	strace $0x9000004D  }
0x149: {  	s0 =	stileid.u32;
	[bflag:$0x2] =	sbarrier.arrive $0xFFFF  }
0x14a: {  	p0 =	sne.s32 s0, $0x0;
	s0 =	rddreg [dreg:$0x3]  }
0x14b: {  	s0 =	sadd.s32 @!p0 $0x100000, s0  }
0x14c: {  	[sflag:s0] =	ssyncadd.tile.s32 @!p0 $0x1;
	_ =	shalt  }
.Lfunc_end2:
_tile_overlayer_lowered:
.L_overlay_start_2:
0x14d: {  	(tag) =	ssettag $0x2  }
0x14e: {  	s0 =	rddreg [dreg:$0x0];
	s2 =	stileid.u32  }
0x14f: {  	s1 =	rddreg [dreg:$0x1];
	p0 =	sne.s32 s2, $0x0  }
0x150: {  	s3 =	rddreg [dreg:$0x2];
	[bflag:$0x3] =	sbarrier.arrive $0xFFFF;
	s2 =	simm.s32 @!p0 $0x1C04  }
0x151: {  	[timem:s3], [sflag:s2] =	dma.local @!p0 [hbm:s0], s1  }
0x152: {  	s0 =	simm.s32 @!p0 $0x4  }
0x153: {  	_ =	swait.ge @!p0 [sflag:s0], s1  }
0x154: {  	s1 =	ssub.s32 @!p0 $0x0, s1;
	[sflag:s0] =	ssyncset.done @!p0 $0x0  }
0x155: {  	[sflag:s0] =	ssyncadd.s32 @!p0 s1  }
0x156: {  	[bflag:$0x3] =	sbarrier.arrive $0xFFFF  }
0x157: {  	_ =	shalt  }

// kernel: kernel.8.cloned.1.call-start
scs
__scs_entry_jumppad:
0x0: {  	(pc) =	sbr.rel $0x88, $3  }
0x1: {  	(tag) =	ssettag $0x0;
	lr =	simm.s32 $0x1  }
0x2: {  	[smem:$0x3F99] =	sst lr;
	_ =	strace $0xD0000000  }
0x3: {  	_ = 	snop  }
0x4: {  	_ = 	snop  }
0x5: {  	_ = 	snop  }
0x6: {  	_ = 	snop  }
0x7: {  	_ = 	snop  }
__scs_overlays_trampoline_lowered:
0x8: {  	[smem:$0x3FA8] =	sst s0  }
0x9: {  	[smem:$0x3FA9] =	sst s1  }
0xa: {  	[smem:$0x3FAA] =	sst s2  }
0xb: {  	[smem:$0x3FAB] =	sst s3  }
0xc: {  	[smem:$0x3FAC] =	sst s4  }
0xd: {  	[smem:$0x3FAD] =	sst s5  }
0xe: {  	[smem:$0x3FAE] =	sst s6  }
0xf: {  	[smem:$0x3FAF] =	sst s7  }
0x10: {  	[smem:$0x3FB0] =	sst s8  }
0x11: {  	[smem:$0x3FB1] =	sst s9;
	s0 =	simm.s32 @!p0 $0x0  }
0x12: {  	s1 =	sld [smem:$0x3F97];
	s0 =	simm.s32 @p0 $0x1  }
0x13: {  	[smem:$0x3FB2] =	sst s0;
	s0 =	simm.s32 @!p1 $0x0  }
0x14: {  	s2 =	sld [smem:$0x3F96];
	s0 =	simm.s32 @p1 $0x1  }
0x15: {  	[smem:$0x3FB3] =	sst s0;
	s0 =	simm.s32 @!p2 $0x0  }
0x16: {  	s3 =	sld [smem:$0x3FDB];
	s0 =	simm.s32 @p2 $0x1  }
0x17: {  	s4 =	simm.s32 $0x1BF5;
	[smem:$0x3FB5] =	sst s0  }
0x18: {  	s0 =	sld [smem:$0x3F98];
	_ =	swait.ge [sflag:s4], $0x0  }
0x19: {  	s7 =	sld [smem:$0x3F99]  }
0x1a: {  	s8 =	sadd.s32 $0xFFFFE003, lr  }
0x1b: {  	s9 =	sadd.s32 $0xFFFFFEF7, lr;
	s5 =	simm.s32 $0xFFFFFFFF;
	p2 =	slt.u32 s8, $0xFFFFF086  }
0x1c: {  	p1 =	slt.u32 s9, $0xF7A;
	s5 =	simm.s32 @!p2 $0x0  }
0x1d: {  	s5 =	simm.s32 @p1 $0x1;
	p0 =	seq.s32 s7, s2  }
0x1e: {  	s7 =	smul.u32 @!p0 $0xF7A, s2;
	p2 =	seq.s32 @!p0 s5, $0x0  }
0x1f: {  	s9 =	smul.u32 $0xF7A, s1;
	s8 =	simm.s32 @!p0 $0x1BF5;
	p2 =	por !p2, p0  }
0x20: {  	[sflag:s8] =	ssyncset.s32 @!p0 $0xFFFFF086;
	s6 =	sadd.s32 @!p0 s3, s7;
	s7 =	simm.s32 @!p0 $0x108  }
0x21: {  	s3 =	sadd.s32 s3, s9;
	s6 =	sadd.s32 @!p0 $0x88, s6;
	s7 =	simm.s32 @p2 $0x1082  }
0x22: {  	[simem:s7], [sflag:s8] =	dma.local @!p0 [hbm:s6], $0xF7A  }
0x23: {  	s9 =	sor.u32 $0xD0000000, s2;
	s6 =	simm.s32 $0x108;
	_ =	swait.ge @!p0 [sflag:s8], $0x0  }
0x24: {  	s3 =	sadd.s32 $0x88, s3;
	s6 =	simm.s32 @!p1 $0x1082;
	[sflag:s4] =	ssyncset.s32 $0xFFFFF086  }
0x25: {  	[simem:s6], [sflag:s4] =	dma.local [hbm:s3], $0xF7A  }
0x26: {  	[smem:$0x3F99] =	sst s1;
	(tag) =	ssettag s2;
	_ =	strace s9  }
0x27: {  	s1 =	sld [smem:$0x3FA9]  }
0x28: {  	s2 =	sld [smem:$0x3FAA]  }
0x29: {  	s4 =	sld [smem:$0x3FAC]  }
0x2a: {  	p0 =	seq.s32 s5, $0x0;
	s5 =	sld [smem:$0x3FAD]  }
0x2b: {  	s6 =	sld [smem:$0x3FAE]  }
0x2c: {  	s7 =	sld [smem:$0x3FAF]  }
0x2d: {  	s3 =	simm.s32 $0x108;
	s8 =	sld [smem:$0x3FB0]  }
0x2e: {  	s3 =	simm.s32 @!p0 $0x1082;
	s9 =	sld [smem:$0x3FB1]  }
0x2f: {  	lr =	sadd.s32 s0, s3;
	s0 =	sld [smem:$0x3FA8]  }
0x30: {  	s3 =	sld [smem:$0x3FAB]  }
0x31: {  	[smem:$0x3FB4] =	sst s10  }
0x32: {  	s10 =	sld [smem:$0x3FB2];
	_ =	sdelay $0x3  }
0x33: {  	p0 =	seq.s32 s10, $0x1;
	s10 =	sld [smem:$0x3FB4];
	_ =	sdelay $0x3  }
0x34: {  	[smem:$0x3FB4] =	sst s10  }
0x35: {  	s10 =	sld [smem:$0x3FB3];
	_ =	sdelay $0x3  }
0x36: {  	p1 =	seq.s32 s10, $0x1;
	s10 =	sld [smem:$0x3FB4];
	_ =	sdelay $0x3  }
0x37: {  	[smem:$0x3FB4] =	sst s10  }
0x38: {  	s10 =	sld [smem:$0x3FB5]  }
0x39: {  	_ = 	snop;
	(pc) =	sbr.ind lr, $3  }
0x3a: {  	_ = 	snop  }
0x3b: {  	_ = 	snop  }
0x3c: {  	p2 =	seq.s32 s10, $0x1;
	s10 =	sld [smem:$0x3FB4]  }
0x3d: {  	_ =	shalt  }
0x3e: {  	_ =	shalt  }
0x3f: {  	_ =	shalt  }
0x40: {  	_ =	shalt  }
0x41: {  	_ =	shalt  }
0x42: {  	_ =	shalt  }
0x43: {  	_ =	shalt  }
0x44: {  	_ =	shalt  }
0x45: {  	_ =	shalt  }
0x46: {  	_ =	shalt  }
0x47: {  	_ =	shalt  }
0x48: {  	_ =	shalt  }
0x49: {  	_ =	shalt  }
0x4a: {  	_ =	shalt  }
0x4b: {  	_ =	shalt  }
0x4c: {  	_ =	shalt  }
0x4d: {  	_ =	shalt  }
0x4e: {  	_ =	shalt  }
0x4f: {  	_ =	shalt  }
0x50: {  	_ =	shalt  }
0x51: {  	_ =	shalt  }
0x52: {  	_ =	shalt  }
0x53: {  	_ =	shalt  }
0x54: {  	_ =	shalt  }
0x55: {  	_ =	shalt  }
0x56: {  	_ =	shalt  }
0x57: {  	_ =	shalt  }
0x58: {  	_ =	shalt  }
0x59: {  	_ =	shalt  }
0x5a: {  	_ =	shalt  }
0x5b: {  	_ =	shalt  }
0x5c: {  	_ =	shalt  }
0x5d: {  	_ =	shalt  }
0x5e: {  	_ =	shalt  }
0x5f: {  	_ =	shalt  }
0x60: {  	_ =	shalt  }
0x61: {  	_ =	shalt  }
0x62: {  	_ =	shalt  }
0x63: {  	_ =	shalt  }
0x64: {  	_ =	shalt  }
0x65: {  	_ =	shalt  }
0x66: {  	_ =	shalt  }
0x67: {  	_ =	shalt  }
0x68: {  	_ =	shalt  }
0x69: {  	_ =	shalt  }
0x6a: {  	_ =	shalt  }
0x6b: {  	_ =	shalt  }
0x6c: {  	_ =	shalt  }
0x6d: {  	_ =	shalt  }
0x6e: {  	_ =	shalt  }
0x6f: {  	_ =	shalt  }
0x70: {  	_ =	shalt  }
0x71: {  	_ =	shalt  }
0x72: {  	_ =	shalt  }
0x73: {  	_ =	shalt  }
0x74: {  	_ =	shalt  }
0x75: {  	_ =	shalt  }
0x76: {  	_ =	shalt  }
0x77: {  	_ =	shalt  }
0x78: {  	_ =	shalt  }
0x79: {  	_ =	shalt  }
0x7a: {  	_ =	shalt  }
0x7b: {  	_ =	shalt  }
0x7c: {  	_ =	shalt  }
0x7d: {  	_ =	shalt  }
0x7e: {  	_ =	shalt  }
0x7f: {  	_ =	shalt  }
0x80: {  	_ =	shalt  }
0x81: {  	_ =	shalt  }
0x82: {  	_ =	shalt  }
0x83: {  	_ =	shalt  }
0x84: {  	_ =	shalt  }
0x85: {  	_ =	shalt  }
0x86: {  	_ =	shalt  }
0x87: {  	_ =	shalt  }
.Lfunc_end0:
.L_simem_size_0:
called_computation_lowered:
.L_overlay_start_0:
0x88: {  	s2 =	sld [smem:$0x3FD9]  }
0x89: {  	s3 =	sld [smem:$0x3FFE];
	_ =	sdelay $0x1  }
0x8a: {  	s1 =	srdreg.scid  }
0x8b: {  	s0 =	sand.u32 $0x1, s1  }
0x8c: {  	s17 =	sshll.u32 s0, $0xA;
	s2 =	sadd.s32 s3, s2  }
0x8d: {  	s2 =	sadd.s32 s2, s17  }
0x8e: {  	[smem:$0x3FC0] =	sst s2  }
0x8f: {  	_ = 	snop  }
0x90: {  	s2 =	sld [smem:$0x3FD0];
	(tm) =	ssettm $0x1  }
0x91: {  	s18 =	sld [smem:$0x3FFB];
	_ =	sdelay $0x3  }
0x92: {  	_ =	strace s18  }
0x93: {  	s3 =	sld [smem:$0x3FFC];
	_ =	sdelay $0x3  }
0x94: {  	_ =	strace s3  }
0x95: {  	s3 =	sld [smem:$0x3FFD];
	_ =	sdelay $0x3  }
0x96: {  	_ =	strace s3  }
0x97: {  	_ =	strace $0x8FFFFFFF  }
0x98: {  	s19 =	sld [smem:$0x3FDB];
	_ =	sdelay $0x1  }
0x99: {  	s4 =	simm.s32 $_scs_section_size  }
0x9a: {  	s5 =	simm.s32 $_size__tile_overlayer_lowered;
	s6 =	simm.s32 $_tile_overlayer_lowered  }
0x9b: {  	s22 =	simm.s32 $0x1BFF;
	s21 =	sshll.u32 s6, $0x1;
	s3 =	sadd.s32 s4, s19  }
0x9c: {  	s7 =	simm.s32 $0x0;
	s20 =	sshll.u32 s5, $0x1;
	s5 =	sadd.s32 s21, s3  }
0x9d: {  	[timem:s7], [sflag:s22] =	dma.local [hbm:s5], s20  }
0x9e: {  	_ =	swait.ge [sflag:s22], s20  }
0x9f: {  	s4 =	ssub.s32 $0x0, s20;
	[sflag:s22] =	ssyncset.done $0x0  }
0xa0: {  	[sflag:s22] =	ssyncadd.s32 s4;
	_ =	sdelay $0x1  }
0xa1: {  	s23 =	simm.s32 $0x1B8B  }
0xa2: {  	_ =	swait.ge [sflag:s23], $0x1  }
0xa3: {  	[sflag:s23] =	ssyncset.done $0x0  }
0xa4: {  	s25 =	simm.s32 $0x1B8E;
	s24 =	sld [smem:$0x3FFE];
	[sflag:s23] =	ssyncadd.s32 $0xFFFFFFFF  }
0xa5: {  	s26 =	simm.s32 $execute0_lowered;
	[smem:$0x3FD2] =	sst s25  }
0xa6: {  	s5 =	sshll.u32 s26, $0x1;
	_ =	strace $0x80000046;
	[dreg:$0x1] =	wrdreg $0xFFFFFFFF  }
0xa7: {  	s28 =	simm.s32 $_size_execute0_lowered;
	s3 =	sadd.s32 s3, s5;
	[dreg:$0x0] =	wrdreg $0x0  }
0xa8: {  	s5 =	sshll.u32 s28, $0x1;
	[dreg:$0x2] =	wrdreg s3  }
0xa9: {  	[dreg:$0x3] =	wrdreg s5  }
0xaa: {  	[dreg:$0x4] =	wrdreg $0xC0  }
0xab: {  	_ =	task [dreg:s7], $0x5FFFF  }
0xac: {  	[dreg:$0x1] =	wrdreg $0xFFFFFFFF  }
0xad: {  	[dreg:$0x0] =	wrdreg $0x60  }
0xae: {  	[dreg:$0x2] =	wrdreg s24  }
0xaf: {  	[dreg:$0x3] =	wrdreg s2  }
0xb0: {  	[dreg:$0x4] =	wrdreg $0x56C00  }
0xb1: {  	[dreg:$0x5] =	wrdreg $0x9  }
0xb2: {  	_ =	task.clear_ibuf [dreg:s7], $0x6FFFF;
	_ =	strace $0x90000046  }
0xb3: {  	s29 =	simm.s32 $0x9;
	_ =	strace $0x80000048  }
0xb4: {  	_ =	swait.ge [sflag:s29], $0x1  }
0xb5: {  	[sflag:s29] =	ssyncadd.s32 $0xFFFFFFFF  }
0xb6: {  	_ =	strace $0x90000048  }
0xb7: {  	_ =	sfence  }
0xb8: {  	s30 =	sld [smem:$0x0];
	_ =	sdelay $0x2  }
0xb9: {  	s31 =	sshll.u32 s1, $0xD;
	s1 =	sshrl.u32 s1, $0x2  }
0xba: {  	s3 =	sand.u32 $0x4000, s31;
	s1 =	sadd.s32 s1, s30  }
0xbb: {  	s0 =	sor.u32 s3, s0;
	s1 =	sshll.u32 s1, $0x11  }
0xbc: {  	s0 =	sor.u32 s1, s0  }
0xbd: {  	s0 =	sadd.s32 $0x8F2B, s0  }
0xbe: {  	[sflag:s0] =	ssyncadd.remote.s32 $0x1  }
0xbf: {  	_ =	sfence.sel $0xFFFF  }
0xc0: {  	[dreg:$0x0] =	wrdreg $0xFFFFFFFF;
	(pc) =	sbr.abs _section_cstart, $3  }
0xc1: {  	[dreg:$0x1] =	wrdreg $0xFFFFFFFF  }
0xc2: {  	_ =	task.clear_ibuf [dreg:s7], $0x2FFFF;
	_ =	strace $0x9FFFFFFF  }
0xc3: {  	(tm) =	ssettm $0x7FFFFFFF  }
tec
execute0_lowered:
.L_overlay_start_1:
0x0: {  	(tag) =	ssettag $0x1  }
0x1: {  	s4 =	rddreg [dreg:$0x0]  }
0x2: {  	s6 =	rddreg [dreg:$0x1];
	s0 =	stileid.u32  }
0x3: {  	s1 =	srdreg.scid;
	s2 =	rddreg [dreg:$0x2];
	s3 =	simm.s32 $0x0  }
0x4: {  	s12 =	simm.s32 $0xC80;
	s13 =	simm.s32 $0x2;
	s5 =	smul.u32 $0xC350, s0  }
0x5: {  	s14 =	simm.s32 $0x4A80;
	s15 =	simm.s32 $0x0;
	s9 =	smul.u32 $0xC40, s0  }
0x6: {  	s7 =	sand.u32 $0x1, s1;
	s1 =	rddreg [dreg:$0x3];
	s10 =	smul.u32 $0x6200, s0  }
0x7: {  	[smem:$0x7FF] =	sst s3;
	s8 =	smul.u32 $0xC400, s7;
	s7 =	ssub.s32 $0x2, s7  }
0x8: {  	_ =	strace $0x80000047;
	s11 =	sadd.s32 s5, s4;
	s29 =	sshrl.u32 s7, $0x1  }
0x9: {  	s31 =	sshrl.u32 s10, $0x2;
	s10 =	simm.s32 $0x3;
	s30 =	sadd.s32 s9, s8  }
0xa: {  	s7 =	ssub.s32 s7, s29;
	s4 =	sadd.s32 s31, s2;
	s9 =	simm.s32 $0x3200  }
0xb: {  	s8 =	sshrl.u32 s30, $0x3;
	s5 =	sadd.s32 s30, s2;
	s7 =	smax.u32 s7, $0x1  }
0xc: {  	v0 =	vimm.f32 $1.000000000e+00;
	s6 =	sadd.s32 s6, s8;
	s8 =	sadd.s32 $0x1C00, s11;
	s11 =	simm.s32 $0x1  }
.LBB2_1:
0xd: {  	s16 =	simm.s32 $0x40;
	s17 =	simm.s32 $0x0  }
.LBB2_2:
0xe: {  	p0 =	sne.s32 s16, $0x61C0;
	[tilespmem:s17+$0x3200] =	vst v0;
	s17 =	smov.u32 s16;
	s16 =	sadd.s32 $0x40, s16  }
.Ltmp0:
0xf: {  	(pc) =	sbr.rel @p0 .LBB2_2-.Ltmp0, $2  }
0x10: {  	_ =	sdelay $0x2  }
0x11: {  	s17 =	sshra.s32 s17, $0x2  }
0x12: {  	[tilespmem:s17+$0x3200] =	vst v0  }
0x13: {  	[spmem:s4] =	stream.linear.scatter [tilespmem:s9], [sflag:$0x3], $0x1880, $0x38;
	[tilespmem:$0x6F40] =	vst v63  }
0x14: {  	_ =	swait.ge [sflag:s10], $0x1880  }
0x15: {  	[sflag:s10] =	ssyncset.done $0x0  }
0x16: {  	[sflag:s10] =	ssyncadd.s32 $0xFFFFE780  }
0x17: {  	s16 =	simm.s32 $0x0;
	s17 =	smov.u32 s8;
	[bflag:$0x0] =	sbarrier.arrive $0xFFFF  }
.LBB2_4:
0x18: {  	s18 =	sand.u32 $0x3, s16  }
0x19: {  	p0 =	sgt.s32 s18, $0x1  }
0x1a: {  	p1 =	seq.s32 @p0 s18, $0x2  }
0x1b: {  	p2 =	seq.s32 @!p0 s18, $0x0;
	p1 =	por !p1, !p0  }
0x1c: {  	s18 =	simm.s32 $0x0;
	p2 =	por !p2, p0;
	s19 =	simm.s32 @!p1 $0x1900  }
0x1d: {  	s18 =	simm.s32 @p2 $0xC80;
	s19 =	simm.s32 @p1 $0x2580  }
0x1e: {  	s18 =	smov.u32 @p0 s19  }
0x1f: {  	[tilespmem:s18], [sflag:$0x1] =	stream.linear.gather [hbm4b:s17+s3], $0xC80, $0x38;
	[tilespmem:$0x6F40] =	vst v63  }
0x20: {  	s16 =	sadd.s32 $0x1, s16;
	_ =	swait.ge [sflag:s11], $0xC80  }
0x21: {  	p0 =	sne.s32 s16, $0x7D;
	[sflag:s11] =	ssyncset.done $0x0  }
.Ltmp1:
0x22: {  	[sflag:s11] =	ssyncadd.s32 $0xFFFFF380;
	(pc) =	sbr.rel @p0 .LBB2_4-.Ltmp1, $4  }
0x23: {  	[spmem:s2] =	stream.indirect.scatter.add.f32 [tilespmem:s9], [sflag:$0x2], $0x1, s18, s12, $0xb8;
	[tilespmem:$0x6F40] =	vst v63  }
0x24: {  	_ =	swait.ge [sflag:s13], $0xC80  }
0x25: {  	[sflag:s13] =	ssyncset.done $0x0  }
0x26: {  	s17 =	sadd.s32 $0x190, s17;
	[sflag:s13] =	ssyncadd.s32 $0xFFFFF380  }
0x27: {  	[bflag:$0x0] =	sbarrier.arrive $0xFFFF  }
0x28: {  	[tilespmem:s14], [sflag:$0x3] =	stream.linear.gather [spmem:s5], $0xC40, $0x38;
	[tilespmem:$0x6F40] =	vst v63  }
0x29: {  	_ =	swait.ge [sflag:s10], $0xC40  }
0x2a: {  	[sflag:s10] =	ssyncset.done $0x0  }
0x2b: {  	s16 =	simm.s32 $0x0;
	s17 =	simm.s32 $0x40;
	[sflag:s10] =	ssyncadd.s32 $0xFFFFF3C0  }
.LBB2_6:
0x2c: {  	p0 =	sne.s32 s17, $0x30C0;
	v1 =	vld [tilespmem:s16+$0x4A80];
	_ =	sdelay $0x4  }
0x2d: {  	v2 =	vshrl.u32 v1, $0x1;
	v1 =	vmul.f32 $5.000000000e-01, v1  }
0x2e: {  	v2 =	vsub.s32 $0x5F3759DF, v2  }
0x2f: {  	v3 =	vmul.f32 v2, v1;
	_ =	sdelay $0x1  }
0x30: {  	v3 =	vmul.f32 v2, v3;
	_ =	sdelay $0x1  }
0x31: {  	v3 =	vsub.f32 $1.500000000e+00, v3;
	_ =	sdelay $0x1  }
0x32: {  	v2 =	vmul.f32 v2, v3;
	_ =	sdelay $0x1  }
0x33: {  	v3 =	vmul.f32 v2, v1;
	_ =	sdelay $0x1  }
0x34: {  	v3 =	vmul.f32 v3, v2;
	_ =	sdelay $0x1  }
0x35: {  	v3 =	vsub.f32 $1.500000000e+00, v3;
	_ =	sdelay $0x1  }
0x36: {  	v2 =	vmul.f32 v3, v2;
	_ =	sdelay $0x1  }
0x37: {  	v1 =	vmul.f32 v2, v1;
	_ =	sdelay $0x1  }
0x38: {  	v1 =	vmul.f32 v1, v2;
	_ =	sdelay $0x1  }
.Ltmp2:
0x39: {  	v1 =	vsub.f32 $1.500000000e+00, v1;
	(pc) =	sbr.rel @p0 .LBB2_6-.Ltmp2, $3  }
0x3a: {  	_ = 	snop  }
0x3b: {  	v1 =	vmul.f32 v1, v2;
	_ =	sdelay $0x1  }
0x3c: {  	[tilespmem:s16+$0x4A80] =	vst v1;
	s16 =	sshra.s32 s17, $0x2;
	s17 =	sadd.s32 $0x40, s17  }
0x3d: {  	v1 =	vld [tilespmem:s16+$0x4A80];
	_ =	sdelay $0x4  }
0x3e: {  	v2 =	vshrl.u32 v1, $0x1;
	v1 =	vmul.f32 $5.000000000e-01, v1  }
0x3f: {  	v2 =	vsub.s32 $0x5F3759DF, v2  }
0x40: {  	v3 =	vmul.f32 v2, v1;
	_ =	sdelay $0x1  }
0x41: {  	v3 =	vmul.f32 v2, v3;
	_ =	sdelay $0x1  }
0x42: {  	v3 =	vsub.f32 $1.500000000e+00, v3;
	_ =	sdelay $0x1  }
0x43: {  	v2 =	vmul.f32 v2, v3;
	_ =	sdelay $0x1  }
0x44: {  	v3 =	vmul.f32 v2, v1;
	_ =	sdelay $0x1  }
0x45: {  	v3 =	vmul.f32 v3, v2;
	_ =	sdelay $0x1  }
0x46: {  	v3 =	vsub.f32 $1.500000000e+00, v3;
	_ =	sdelay $0x1  }
0x47: {  	v2 =	vmul.f32 v3, v2;
	_ =	sdelay $0x1  }
0x48: {  	v1 =	vmul.f32 v2, v1;
	_ =	sdelay $0x1  }
0x49: {  	v1 =	vmul.f32 v1, v2;
	_ =	sdelay $0x1  }
0x4a: {  	v1 =	vsub.f32 $1.500000000e+00, v1;
	_ =	sdelay $0x1  }
0x4b: {  	s15 =	sadd.s32 $0x1, s15;
	v1 =	vmul.f32 v1, v2  }
0x4c: {  	p0 =	sne.s32 s15, s7  }
.Ltmp3:
0x4d: {  	[tilespmem:s16+$0x4A80] =	vst v1;
	(pc) =	sbr.rel @p0 .LBB2_1-.Ltmp3, $4  }
0x4e: {  	[hbm4b:s6+s3] =	stream.linear.scatter [tilespmem:s14], [sflag:$0x3], $0xC40, $0x38;
	[tilespmem:$0x6F40] =	vst v63  }
0x4f: {  	_ =	swait.ge [sflag:s10], $0xC40  }
0x50: {  	[sflag:s10] =	ssyncset.done $0x0  }
0x51: {  	[sflag:s10] =	ssyncadd.s32 $0xFFFFF3C0  }
0x52: {  	_ =	sfence.sel $0x180000  }
0x53: {  	[bflag:$0x0] =	sbarrier.arrive $0xFFFF  }
0x54: {  	p0 =	sne.s32 s0, $0x0;
	_ =	strace $0x90000047  }
0x55: {  	s0 =	sadd.s32 @!p0 $0x100000, s1;
	[bflag:$0x2] =	sbarrier.arrive $0xFFFF  }
0x56: {  	[sflag:s0] =	ssyncadd.tile.s32 @!p0 $0x1;
	_ =	shalt  }
.Lfunc_end2:
_tile_overlayer_lowered:
.L_overlay_start_2:
0x57: {  	(tag) =	ssettag $0x2  }
0x58: {  	s0 =	rddreg [dreg:$0x0];
	s2 =	stileid.u32  }
0x59: {  	s1 =	rddreg [dreg:$0x1];
	p0 =	sne.s32 s2, $0x0  }
0x5a: {  	s3 =	rddreg [dreg:$0x2];
	[bflag:$0x3] =	sbarrier.arrive $0xFFFF;
	s2 =	simm.s32 @!p0 $0x1C03  }
0x5b: {  	[timem:s3], [sflag:s2] =	dma.local @!p0 [hbm:s0], s1  }
0x5c: {  	s0 =	simm.s32 @!p0 $0x3  }
0x5d: {  	_ =	swait.ge @!p0 [sflag:s0], s1  }
0x5e: {  	s1 =	ssub.s32 @!p0 $0x0, s1;
	[sflag:s0] =	ssyncset.done @!p0 $0x0  }
0x5f: {  	[sflag:s0] =	ssyncadd.s32 @!p0 s1  }
0x60: {  	[bflag:$0x3] =	sbarrier.arrive $0xFFFF  }
0x61: {  	_ =	shalt  }

</sc_bundles>
